<compile_context>
chip_gen: v7x
topology: tpu7x:2x2x1
jax: 0.10.2.dev20260603
libtpu: 0.0.44.dev20260713+nightly
codegen_flags: <defaults>
</compile_context>

<pallas_src>
import functools
import math

import jax
import jax.numpy as jnp
from jax import lax
from jax.experimental import pallas as pl
from jax.experimental.pallas import tpu as pltpu
from jax.experimental.pallas import tpu_sc as plsc


def _sc_select(u, G, T):
    info = plsc.get_sparse_core_info()
    nc = info.num_cores
    nsl = T // 16
    mesh = plsc.VectorSubcoreMesh(core_axis_name="c", subcore_axis_name="s")

    @functools.partial(
        pl.kernel,
        mesh=mesh,
        out_type=jax.ShapeDtypeStruct((G, T), jnp.int32),
        scratch_types=[
            pltpu.VMEM((T,), jnp.float32),
            pltpu.VMEM((T,), jnp.int32),
        ],
        compiler_params=pltpu.CompilerParams(needs_layout_passes=False),
    )
    def sel(s_hbm, p_hbm, sv, pv):
        wid = lax.axis_index("s") * nc + lax.axis_index("c")
        pltpu.sync_copy(s_hbm.at[wid], sv)

        def count_ge(cand_f):
            def body(i, acc):
                m = sv[pl.ds(i * 16, 16)] >= cand_f
                return acc + jnp.where(m, 1, 0)

            acc = lax.fori_loop(0, nsl, body, jnp.zeros((16,), jnp.int32), unroll=16)
            return jnp.sum(acc)

        def bs1(i, t):
            cand = t | (jnp.int32(1) << (30 - i))
            cand_f = lax.bitcast_convert_type(cand, jnp.float32)
            return jnp.where(count_ge(cand_f) >= u, cand, t)

        thr = lax.fori_loop(0, 31, bs1, jnp.int32(0))
        thr_f = lax.bitcast_convert_type(thr, jnp.float32)

        def count_gt():
            def body(i, acc):
                m = sv[pl.ds(i * 16, 16)] > thr_f
                return acc + jnp.where(m, 1, 0)

            acc = lax.fori_loop(0, nsl, body, jnp.zeros((16,), jnp.int32), unroll=16)
            return jnp.sum(acc)

        need = u - count_gt()
        nbits = max(1, (T - 1).bit_length())

        def count_eq_below(cand):
            def body(i, acc):
                x = sv[pl.ds(i * 16, 16)]
                idxv = lax.iota(jnp.int32, 16) + i * 16
                m = (x == thr_f) & (idxv < cand)
                return acc + jnp.where(m, 1, 0)

            acc = lax.fori_loop(0, nsl, body, jnp.zeros((16,), jnp.int32), unroll=16)
            return jnp.sum(acc)

        def bs2(i, m):
            cand = m | (jnp.int32(1) << (nbits - 1 - i))
            return jnp.where(count_eq_below(cand) < need, cand, m)

        mthr = lax.fori_loop(0, nbits, bs2, jnp.int32(0))

        def rank(i, base):
            x = sv[pl.ds(i * 16, 16)]
            idxv = lax.iota(jnp.int32, 16) + i * 16
            msel = (x > thr_f) | ((x == thr_f) & (idxv <= mthr))
            mi = jnp.where(msel, 1, 0)
            incl = jnp.cumsum(mi)
            pos = base + incl - mi
            pv[pl.ds(i * 16, 16)] = jnp.where(msel, pos, u)
            return base + jnp.sum(mi)

        lax.fori_loop(0, nsl, rank, jnp.int32(0), unroll=16)
        pltpu.sync_copy(pv, p_hbm.at[wid])

    return sel


def _score_body(q_ref, s_ref, qb_ref):
    q = q_ref[...]
    s_ref[...] = jnp.sum(q * q, axis=1)
    qb_ref[...] = q.astype(jnp.bfloat16)


def _attn_body(u, qb_ref, k_ref, v_ref, p_ref, o_ref):
    qtb = qb_ref[0]
    kt = k_ref[0]
    vt = v_ref[0]
    posp = p_ref[0, :, 0, :]
    R = posp.shape[0]
    Dh = qtb.shape[0]

    iu = jax.lax.broadcasted_iota(jnp.int32, (128, 128), 0)
    chunks = [iu == posp[r:r + 1, :] for r in range(R)]
    P = jnp.concatenate(chunks, axis=1).astype(jnp.bfloat16)

    ktb = kt.astype(jnp.bfloat16)
    vtb = vt.astype(jnp.bfloat16)

    q_selt = jax.lax.dot_general(qtb, P, (((1,), (1,)), ((), ())),
                                 preferred_element_type=jnp.float32)
    scores = jax.lax.dot_general(q_selt.astype(jnp.bfloat16), ktb,
                                 (((0,), (0,)), ((), ())),
                                 preferred_element_type=jnp.float32)
    scores = scores * (1.0 / math.sqrt(Dh))
    mx = jnp.max(scores, axis=1, keepdims=True)
    e = jnp.exp(scores - mx)
    v_aug = jnp.concatenate(
        [vtb, jnp.ones((1, vtb.shape[1]), jnp.bfloat16)], axis=0)
    o_aug = jax.lax.dot_general(v_aug, e.astype(jnp.bfloat16),
                                (((1,), (1,)), ((), ())),
                                preferred_element_type=jnp.float32)
    o_selt = o_aug[0:Dh, :] * (1.0 / o_aug[Dh:Dh + 1, :])

    meanvt = jnp.mean(vt, axis=1, keepdims=True)
    ir = jax.lax.broadcasted_iota(jnp.int32, (1, 128), 1)
    o_delt = jnp.where(ir == u, 0.0, o_selt - meanvt)
    scat = jax.lax.dot_general(o_delt.astype(jnp.bfloat16), P,
                               (((1,), (0,)), ((), ())),
                               preferred_element_type=jnp.float32)
    o_ref[0] = scat + meanvt


def kernel(Q, K, V):
    B, H, Tq, Dh = Q.shape
    Tk = K.shape[2]
    u = max(1, min(Tq, int(math.ceil(math.log(Tk + 1) * 16))))
    G = B * H
    R = Tq // 128
    Qt = jnp.swapaxes(Q, -1, -2).reshape(G, Dh, Tq)
    Kt = jnp.swapaxes(K, -1, -2).reshape(G, Dh, Tk)
    Vt = jnp.swapaxes(V, -1, -2).reshape(G, Dh, Tk)

    s2, Qtb = pl.pallas_call(
        _score_body,
        grid=(R,),
        in_specs=[pl.BlockSpec((G, Dh, 128), lambda j: (0, 0, j))],
        out_specs=[
            pl.BlockSpec((G, 128), lambda j: (0, j)),
            pl.BlockSpec((G, Dh, 128), lambda j: (0, 0, j)),
        ],
        out_shape=[
            jax.ShapeDtypeStruct((G, Tq), jnp.float32),
            jax.ShapeDtypeStruct((G, Dh, Tq), jnp.bfloat16),
        ],
    )(Qt)

    posp2 = _sc_select(u, G, Tq)(s2)
    posp = posp2.reshape(G, R, 1, 128)

    outt = pl.pallas_call(
        functools.partial(_attn_body, u),
        grid=(G,),
        in_specs=[
            pl.BlockSpec((1, Dh, Tq), lambda i: (i, 0, 0)),
            pl.BlockSpec((1, Dh, Tk), lambda i: (i, 0, 0)),
            pl.BlockSpec((1, Dh, Tk), lambda i: (i, 0, 0)),
            pl.BlockSpec((1, R, 1, 128), lambda i: (i, 0, 0, 0)),
        ],
        out_specs=pl.BlockSpec((1, Dh, Tq), lambda i: (i, 0, 0)),
        out_shape=jax.ShapeDtypeStruct((G, Dh, Tq), jnp.float32),
    )(Qtb, Kt, Vt, posp)
    return jnp.swapaxes(outt.reshape(B, H, Dh, Tq), -1, -2)

# --- scband reference (transcript-rebuilt; emitter-appended) ---
"""Pipeline reference for scband-prob-sparse-attention-25958782337325 (READ-ONLY COPY).

The authoritative reference and input builder live on the scoring server;
editing this copy changes nothing except your own understanding.
"""

import math
import jax, jax.numpy as jnp
import numpy as np


def setup_inputs(seed: int = 0) -> dict:
    key = jax.random.key(seed)
    k1, k2, k3 = jax.random.split(key, 3)
    B, H, Tq, Dh = 2, 16, 2048, 64
    Q = jax.random.normal(k1, (B, H, Tq, Dh), dtype=jnp.float32)
    K = jax.random.normal(k2, (B, H, Tq, Dh), dtype=jnp.float32)
    V = jax.random.normal(k3, (B, H, Tq, Dh), dtype=jnp.float32)
    return {"Q": Q, "K": K, "V": V}


def reference(Q, K, V):
    B, H, Tq, Dh = Q.shape
    Tk = K.shape[2]
    top_u = max(1, min(Tq, int(math.ceil(math.log(Tk + 1) * 16))))
    # q_score = ||q||^2 per query; pick top-u 'active' queries per (b, h)
    q_score = jnp.sum(Q * Q, axis=-1)  # [B, H, Tq]
    _, top_idx = jax.lax.top_k(q_score, top_u)  # [B, H, u]
    # lazy default output: mean of V broadcast over query positions
    context = jnp.mean(V, axis=2, keepdims=True)  # [B, H, 1, Dh]
    out = jnp.broadcast_to(context, (B, H, Tq, Dh))
    scale = 1.0 / math.sqrt(Dh)
    # gather selected queries
    q_sel = jnp.take_along_axis(Q, top_idx[..., None], axis=2)  # [B, H, u, Dh]
    scores = jnp.einsum('bhud,bhkd->bhuk', q_sel, K) * scale  # [B, H, u, Tk]
    attn = jax.nn.softmax(scores, axis=-1)
    # dropout p = 0.0 -> identity
    o_sel = jnp.einsum('bhuk,bhkd->bhud', attn, V)  # [B, H, u, Dh]
    # scatter-overwrite selected query outputs
    b_idx = jnp.arange(B)[:, None, None]
    h_idx = jnp.arange(H)[None, :, None]
    out = out.at[b_idx, h_idx, top_idx].set(o_sel)
    return out

if __name__ == "__main__":
    import jax
    _d = setup_inputs()
    print(jax.jit(kernel)(*tuple(_d.values())))

</pallas_src>

<mosaic_0001>
#map = affine_map<(d0, d1) -> (0, 0)>
module attributes {stable_mosaic.version = 14 : i64} {
  func.func @sel(%arg0: i32, %arg1: i32, %arg2: memref<32x2048xf32, #tpu.memory_space<hbm>>, %arg3: memref<32x2048xi32, #tpu.memory_space<hbm>>, %arg4: memref<2048xf32, #tpu.memory_space<vmem>>, %arg5: memref<2048xi32, #tpu.memory_space<vmem>>) attributes {dimension_semantics = [#tpu.dimension_semantics<core_parallel>, #tpu.dimension_semantics<subcore_parallel>], iteration_bounds = array<i64: 2, 16>, scalar_prefetch = 0 : i64, scratch_operands = 2 : i64, tpu.core_type = #tpu.core_type<sc_vector_subcore>, window_params = [{transform_indices = #map}, {transform_indices = #map}]} {
    %mul3A = arith.constant 2 : i32
    %mul3A_0 = arith.muli %arg1, %mul3A : i32
    %add3A = arith.addi %mul3A_0, %arg0 : i32
    "tpu.region"() ({
      %run_scoped3A = tpu.sem_alloc : memref<!tpu.dma_semaphore, #tpu.memory_space<semaphore_mem>>
      %dma_start3A = arith.constant 0 : i32
      %dma_start3A_32 = tpu.memref_slice %arg2[%add3A, %dma_start3A] : memref<32x2048xf32, #tpu.memory_space<hbm>> -> memref<1x2048xf32, #tpu.memory_space<hbm>>
      %dma_start3A_33 = tpu.memref_squeeze %dma_start3A_32 : memref<1x2048xf32, #tpu.memory_space<hbm>> -> memref<2048xf32, #tpu.memory_space<hbm>>
      %dma_start3A_34 = arith.constant 0 : i32
      %dma_start3A_35 = tpu.memref_slice %arg2[%add3A, %dma_start3A_34] : memref<32x2048xf32, #tpu.memory_space<hbm>> -> memref<1x2048xf32, #tpu.memory_space<hbm>>
      %dma_start3A_36 = tpu.memref_squeeze %dma_start3A_35 : memref<1x2048xf32, #tpu.memory_space<hbm>> -> memref<2048xf32, #tpu.memory_space<hbm>>
      tpu.enqueue_dma source(%dma_start3A_36 : memref<2048xf32, #tpu.memory_space<hbm>>) target(%arg4 : memref<2048xf32, #tpu.memory_space<vmem>>) target_semaphore(%run_scoped3A : memref<!tpu.dma_semaphore, #tpu.memory_space<semaphore_mem>>)
      %dma_wait3A = arith.constant 0 : i32
      %dma_wait3A_37 = tpu.memref_slice %arg2[%add3A, %dma_wait3A] : memref<32x2048xf32, #tpu.memory_space<hbm>> -> memref<1x2048xf32, #tpu.memory_space<hbm>>
      %dma_wait3A_38 = tpu.memref_squeeze %dma_wait3A_37 : memref<1x2048xf32, #tpu.memory_space<hbm>> -> memref<2048xf32, #tpu.memory_space<hbm>>
      %dma_wait3A_39 = arith.constant 0 : i32
      %dma_wait3A_40 = tpu.memref_slice %arg2[%add3A, %dma_wait3A_39] : memref<32x2048xf32, #tpu.memory_space<hbm>> -> memref<1x2048xf32, #tpu.memory_space<hbm>>
      %dma_wait3A_41 = tpu.memref_squeeze %dma_wait3A_40 : memref<1x2048xf32, #tpu.memory_space<hbm>> -> memref<2048xf32, #tpu.memory_space<hbm>>
      tpu.wait_dma2 semaphore(%run_scoped3A : memref<!tpu.dma_semaphore, #tpu.memory_space<semaphore_mem>>) src(%dma_wait3A_41 : memref<2048xf32, #tpu.memory_space<hbm>>) dst(%arg4 : memref<2048xf32, #tpu.memory_space<vmem>>)
      tpu.yield
    }) : () -> ()
    %scan3A = arith.constant 0 : i32
    %scan3A_1 = arith.constant 0 : i32
    %scan3A_2 = arith.constant 31 : i32
    %scan3A_3 = arith.addi %scan3A_1, %scan3A_2 : i32
    %scan3A_4 = arith.constant 1 : i32
    %scan3A_5 = scf.for %scan3A_32 = %scan3A_1 to %scan3A_3 step %scan3A_4 iter_args(%scan3A_33 = %scan3A) -> (i32)  : i32 {
      %sub3A_34 = arith.constant 30 : i32
      %sub3A_35 = arith.subi %sub3A_34, %scan3A_32 : i32
      %shift_left3A = arith.constant 1 : i32
      %shift_left3A_36 = arith.shli %shift_left3A, %sub3A_35 : i32
      %or3A = arith.ori %scan3A_33, %shift_left3A_36 : i32
      %bitcast_convert_type3A_37 = arith.bitcast %or3A : i32 to f32
      %broadcast_in_dim3A_38 = arith.constant 0 : i32
      %broadcast_in_dim3A_39 = vector.broadcast %broadcast_in_dim3A_38 : i32 to vector<16xi32>
      %scan3A_40 = arith.constant 0 : i32
      %scan3A_41 = arith.constant 128 : i32
      %scan3A_42 = arith.addi %scan3A_40, %scan3A_41 : i32
      %scan3A_43 = arith.constant 16 : i32
      %scan3A_44 = scf.for %scan3A_51 = %scan3A_40 to %scan3A_42 step %scan3A_43 iter_args(%scan3A_52 = %broadcast_in_dim3A_39) -> (vector<16xi32>)  : i32 {
        %mul3A_53 = arith.constant 16 : i32
        %mul3A_54 = arith.muli %scan3A_51, %mul3A_53 : i32
        %get3A = arith.index_cast %mul3A_54 : i32 to index
        %get3A_55 = tpu.vector_load %arg4[%get3A] {strides = array<i32>} : memref<2048xf32, #tpu.memory_space<vmem>>, vector<16xf32>,
        %ge3A_56 = vector.broadcast %bitcast_convert_type3A_37 : f32 to vector<16xf32>
        %ge3A_57 = arith.cmpf oge, %get3A_55, %ge3A_56 : vector<16xf32>
        %jit3A = arith.constant 1 : i32
        %jit3A_58 = arith.constant 0 : i32
        %broadcast_in_dim3A_59 = vector.broadcast %jit3A : i32 to vector<16xi32>
        %broadcast_in_dim3A_60 = vector.broadcast %jit3A_58 : i32 to vector<16xi32>
        %select_n3A_61 = arith.select %ge3A_57, %broadcast_in_dim3A_59, %broadcast_in_dim3A_60 : vector<16xi1>, vector<16xi32>
        %add3A_62 = arith.addi %scan3A_52, %select_n3A_61 : vector<16xi32>
        %scan3A_63 = arith.constant 1 : i32
        %scan3A_64 = arith.addi %scan3A_51, %scan3A_63 : i32
        %mul3A_65 = arith.constant 16 : i32
        %mul3A_66 = arith.muli %scan3A_64, %mul3A_65 : i32
        %get3A_67 = arith.index_cast %mul3A_66 : i32 to index
        %get3A_68 = tpu.vector_load %arg4[%get3A_67] {strides = array<i32>} : memref<2048xf32, #tpu.memory_space<vmem>>, vector<16xf32>,
        %ge3A_69 = vector.broadcast %bitcast_convert_type3A_37 : f32 to vector<16xf32>
        %ge3A_70 = arith.cmpf oge, %get3A_68, %ge3A_69 : vector<16xf32>
        %jit3A_71 = arith.constant 1 : i32
        %jit3A_72 = arith.constant 0 : i32
        %broadcast_in_dim3A_73 = vector.broadcast %jit3A_71 : i32 to vector<16xi32>
        %broadcast_in_dim3A_74 = vector.broadcast %jit3A_72 : i32 to vector<16xi32>
        %select_n3A_75 = arith.select %ge3A_70, %broadcast_in_dim3A_73, %broadcast_in_dim3A_74 : vector<16xi1>, vector<16xi32>
        %add3A_76 = arith.addi %add3A_62, %select_n3A_75 : vector<16xi32>
        %scan3A_77 = arith.constant 2 : i32
        %scan3A_78 = arith.addi %scan3A_51, %scan3A_77 : i32
        %mul3A_79 = arith.constant 16 : i32
        %mul3A_80 = arith.muli %scan3A_78, %mul3A_79 : i32
        %get3A_81 = arith.index_cast %mul3A_80 : i32 to index
        %get3A_82 = tpu.vector_load %arg4[%get3A_81] {strides = array<i32>} : memref<2048xf32, #tpu.memory_space<vmem>>, vector<16xf32>,
        %ge3A_83 = vector.broadcast %bitcast_convert_type3A_37 : f32 to vector<16xf32>
        %ge3A_84 = arith.cmpf oge, %get3A_82, %ge3A_83 : vector<16xf32>
        %jit3A_85 = arith.constant 1 : i32
        %jit3A_86 = arith.constant 0 : i32
        %broadcast_in_dim3A_87 = vector.broadcast %jit3A_85 : i32 to vector<16xi32>
        %broadcast_in_dim3A_88 = vector.broadcast %jit3A_86 : i32 to vector<16xi32>
        %select_n3A_89 = arith.select %ge3A_84, %broadcast_in_dim3A_87, %broadcast_in_dim3A_88 : vector<16xi1>, vector<16xi32>
        %add3A_90 = arith.addi %add3A_76, %select_n3A_89 : vector<16xi32>
        %scan3A_91 = arith.constant 3 : i32
        %scan3A_92 = arith.addi %scan3A_51, %scan3A_91 : i32
        %mul3A_93 = arith.constant 16 : i32
        %mul3A_94 = arith.muli %scan3A_92, %mul3A_93 : i32
        %get3A_95 = arith.index_cast %mul3A_94 : i32 to index
        %get3A_96 = tpu.vector_load %arg4[%get3A_95] {strides = array<i32>} : memref<2048xf32, #tpu.memory_space<vmem>>, vector<16xf32>,
        %ge3A_97 = vector.broadcast %bitcast_convert_type3A_37 : f32 to vector<16xf32>
        %ge3A_98 = arith.cmpf oge, %get3A_96, %ge3A_97 : vector<16xf32>
        %jit3A_99 = arith.constant 1 : i32
        %jit3A_100 = arith.constant 0 : i32
        %broadcast_in_dim3A_101 = vector.broadcast %jit3A_99 : i32 to vector<16xi32>
        %broadcast_in_dim3A_102 = vector.broadcast %jit3A_100 : i32 to vector<16xi32>
        %select_n3A_103 = arith.select %ge3A_98, %broadcast_in_dim3A_101, %broadcast_in_dim3A_102 : vector<16xi1>, vector<16xi32>
        %add3A_104 = arith.addi %add3A_90, %select_n3A_103 : vector<16xi32>
        %scan3A_105 = arith.constant 4 : i32
        %scan3A_106 = arith.addi %scan3A_51, %scan3A_105 : i32
        %mul3A_107 = arith.constant 16 : i32
        %mul3A_108 = arith.muli %scan3A_106, %mul3A_107 : i32
        %get3A_109 = arith.index_cast %mul3A_108 : i32 to index
        %get3A_110 = tpu.vector_load %arg4[%get3A_109] {strides = array<i32>} : memref<2048xf32, #tpu.memory_space<vmem>>, vector<16xf32>,
        %ge3A_111 = vector.broadcast %bitcast_convert_type3A_37 : f32 to vector<16xf32>
        %ge3A_112 = arith.cmpf oge, %get3A_110, %ge3A_111 : vector<16xf32>
        %jit3A_113 = arith.constant 1 : i32
        %jit3A_114 = arith.constant 0 : i32
        %broadcast_in_dim3A_115 = vector.broadcast %jit3A_113 : i32 to vector<16xi32>
        %broadcast_in_dim3A_116 = vector.broadcast %jit3A_114 : i32 to vector<16xi32>
        %select_n3A_117 = arith.select %ge3A_112, %broadcast_in_dim3A_115, %broadcast_in_dim3A_116 : vector<16xi1>, vector<16xi32>
        %add3A_118 = arith.addi %add3A_104, %select_n3A_117 : vector<16xi32>
        %scan3A_119 = arith.constant 5 : i32
        %scan3A_120 = arith.addi %scan3A_51, %scan3A_119 : i32
        %mul3A_121 = arith.constant 16 : i32
        %mul3A_122 = arith.muli %scan3A_120, %mul3A_121 : i32
        %get3A_123 = arith.index_cast %mul3A_122 : i32 to index
        %get3A_124 = tpu.vector_load %arg4[%get3A_123] {strides = array<i32>} : memref<2048xf32, #tpu.memory_space<vmem>>, vector<16xf32>,
        %ge3A_125 = vector.broadcast %bitcast_convert_type3A_37 : f32 to vector<16xf32>
        %ge3A_126 = arith.cmpf oge, %get3A_124, %ge3A_125 : vector<16xf32>
        %jit3A_127 = arith.constant 1 : i32
        %jit3A_128 = arith.constant 0 : i32
        %broadcast_in_dim3A_129 = vector.broadcast %jit3A_127 : i32 to vector<16xi32>
        %broadcast_in_dim3A_130 = vector.broadcast %jit3A_128 : i32 to vector<16xi32>
        %select_n3A_131 = arith.select %ge3A_126, %broadcast_in_dim3A_129, %broadcast_in_dim3A_130 : vector<16xi1>, vector<16xi32>
        %add3A_132 = arith.addi %add3A_118, %select_n3A_131 : vector<16xi32>
        %scan3A_133 = arith.constant 6 : i32
        %scan3A_134 = arith.addi %scan3A_51, %scan3A_133 : i32
        %mul3A_135 = arith.constant 16 : i32
        %mul3A_136 = arith.muli %scan3A_134, %mul3A_135 : i32
        %get3A_137 = arith.index_cast %mul3A_136 : i32 to index
        %get3A_138 = tpu.vector_load %arg4[%get3A_137] {strides = array<i32>} : memref<2048xf32, #tpu.memory_space<vmem>>, vector<16xf32>,
        %ge3A_139 = vector.broadcast %bitcast_convert_type3A_37 : f32 to vector<16xf32>
        %ge3A_140 = arith.cmpf oge, %get3A_138, %ge3A_139 : vector<16xf32>
        %jit3A_141 = arith.constant 1 : i32
        %jit3A_142 = arith.constant 0 : i32
        %broadcast_in_dim3A_143 = vector.broadcast %jit3A_141 : i32 to vector<16xi32>
        %broadcast_in_dim3A_144 = vector.broadcast %jit3A_142 : i32 to vector<16xi32>
        %select_n3A_145 = arith.select %ge3A_140, %broadcast_in_dim3A_143, %broadcast_in_dim3A_144 : vector<16xi1>, vector<16xi32>
        %add3A_146 = arith.addi %add3A_132, %select_n3A_145 : vector<16xi32>
        %scan3A_147 = arith.constant 7 : i32
        %scan3A_148 = arith.addi %scan3A_51, %scan3A_147 : i32
        %mul3A_149 = arith.constant 16 : i32
        %mul3A_150 = arith.muli %scan3A_148, %mul3A_149 : i32
        %get3A_151 = arith.index_cast %mul3A_150 : i32 to index
        %get3A_152 = tpu.vector_load %arg4[%get3A_151] {strides = array<i32>} : memref<2048xf32, #tpu.memory_space<vmem>>, vector<16xf32>,
        %ge3A_153 = vector.broadcast %bitcast_convert_type3A_37 : f32 to vector<16xf32>
        %ge3A_154 = arith.cmpf oge, %get3A_152, %ge3A_153 : vector<16xf32>
        %jit3A_155 = arith.constant 1 : i32
        %jit3A_156 = arith.constant 0 : i32
        %broadcast_in_dim3A_157 = vector.broadcast %jit3A_155 : i32 to vector<16xi32>
        %broadcast_in_dim3A_158 = vector.broadcast %jit3A_156 : i32 to vector<16xi32>
        %select_n3A_159 = arith.select %ge3A_154, %broadcast_in_dim3A_157, %broadcast_in_dim3A_158 : vector<16xi1>, vector<16xi32>
        %add3A_160 = arith.addi %add3A_146, %select_n3A_159 : vector<16xi32>
        %scan3A_161 = arith.constant 8 : i32
        %scan3A_162 = arith.addi %scan3A_51, %scan3A_161 : i32
        %mul3A_163 = arith.constant 16 : i32
        %mul3A_164 = arith.muli %scan3A_162, %mul3A_163 : i32
        %get3A_165 = arith.index_cast %mul3A_164 : i32 to index
        %get3A_166 = tpu.vector_load %arg4[%get3A_165] {strides = array<i32>} : memref<2048xf32, #tpu.memory_space<vmem>>, vector<16xf32>,
        %ge3A_167 = vector.broadcast %bitcast_convert_type3A_37 : f32 to vector<16xf32>
        %ge3A_168 = arith.cmpf oge, %get3A_166, %ge3A_167 : vector<16xf32>
        %jit3A_169 = arith.constant 1 : i32
        %jit3A_170 = arith.constant 0 : i32
        %broadcast_in_dim3A_171 = vector.broadcast %jit3A_169 : i32 to vector<16xi32>
        %broadcast_in_dim3A_172 = vector.broadcast %jit3A_170 : i32 to vector<16xi32>
        %select_n3A_173 = arith.select %ge3A_168, %broadcast_in_dim3A_171, %broadcast_in_dim3A_172 : vector<16xi1>, vector<16xi32>
        %add3A_174 = arith.addi %add3A_160, %select_n3A_173 : vector<16xi32>
        %scan3A_175 = arith.constant 9 : i32
        %scan3A_176 = arith.addi %scan3A_51, %scan3A_175 : i32
        %mul3A_177 = arith.constant 16 : i32
        %mul3A_178 = arith.muli %scan3A_176, %mul3A_177 : i32
        %get3A_179 = arith.index_cast %mul3A_178 : i32 to index
        %get3A_180 = tpu.vector_load %arg4[%get3A_179] {strides = array<i32>} : memref<2048xf32, #tpu.memory_space<vmem>>, vector<16xf32>,
        %ge3A_181 = vector.broadcast %bitcast_convert_type3A_37 : f32 to vector<16xf32>
        %ge3A_182 = arith.cmpf oge, %get3A_180, %ge3A_181 : vector<16xf32>
        %jit3A_183 = arith.constant 1 : i32
        %jit3A_184 = arith.constant 0 : i32
        %broadcast_in_dim3A_185 = vector.broadcast %jit3A_183 : i32 to vector<16xi32>
        %broadcast_in_dim3A_186 = vector.broadcast %jit3A_184 : i32 to vector<16xi32>
        %select_n3A_187 = arith.select %ge3A_182, %broadcast_in_dim3A_185, %broadcast_in_dim3A_186 : vector<16xi1>, vector<16xi32>
        %add3A_188 = arith.addi %add3A_174, %select_n3A_187 : vector<16xi32>
        %scan3A_189 = arith.constant 10 : i32
        %scan3A_190 = arith.addi %scan3A_51, %scan3A_189 : i32
        %mul3A_191 = arith.constant 16 : i32
        %mul3A_192 = arith.muli %scan3A_190, %mul3A_191 : i32
        %get3A_193 = arith.index_cast %mul3A_192 : i32 to index
        %get3A_194 = tpu.vector_load %arg4[%get3A_193] {strides = array<i32>} : memref<2048xf32, #tpu.memory_space<vmem>>, vector<16xf32>,
        %ge3A_195 = vector.broadcast %bitcast_convert_type3A_37 : f32 to vector<16xf32>
        %ge3A_196 = arith.cmpf oge, %get3A_194, %ge3A_195 : vector<16xf32>
        %jit3A_197 = arith.constant 1 : i32
        %jit3A_198 = arith.constant 0 : i32
        %broadcast_in_dim3A_199 = vector.broadcast %jit3A_197 : i32 to vector<16xi32>
        %broadcast_in_dim3A_200 = vector.broadcast %jit3A_198 : i32 to vector<16xi32>
        %select_n3A_201 = arith.select %ge3A_196, %broadcast_in_dim3A_199, %broadcast_in_dim3A_200 : vector<16xi1>, vector<16xi32>
        %add3A_202 = arith.addi %add3A_188, %select_n3A_201 : vector<16xi32>
        %scan3A_203 = arith.constant 11 : i32
        %scan3A_204 = arith.addi %scan3A_51, %scan3A_203 : i32
        %mul3A_205 = arith.constant 16 : i32
        %mul3A_206 = arith.muli %scan3A_204, %mul3A_205 : i32
        %get3A_207 = arith.index_cast %mul3A_206 : i32 to index
        %get3A_208 = tpu.vector_load %arg4[%get3A_207] {strides = array<i32>} : memref<2048xf32, #tpu.memory_space<vmem>>, vector<16xf32>,
        %ge3A_209 = vector.broadcast %bitcast_convert_type3A_37 : f32 to vector<16xf32>
        %ge3A_210 = arith.cmpf oge, %get3A_208, %ge3A_209 : vector<16xf32>
        %jit3A_211 = arith.constant 1 : i32
        %jit3A_212 = arith.constant 0 : i32
        %broadcast_in_dim3A_213 = vector.broadcast %jit3A_211 : i32 to vector<16xi32>
        %broadcast_in_dim3A_214 = vector.broadcast %jit3A_212 : i32 to vector<16xi32>
        %select_n3A_215 = arith.select %ge3A_210, %broadcast_in_dim3A_213, %broadcast_in_dim3A_214 : vector<16xi1>, vector<16xi32>
        %add3A_216 = arith.addi %add3A_202, %select_n3A_215 : vector<16xi32>
        %scan3A_217 = arith.constant 12 : i32
        %scan3A_218 = arith.addi %scan3A_51, %scan3A_217 : i32
        %mul3A_219 = arith.constant 16 : i32
        %mul3A_220 = arith.muli %scan3A_218, %mul3A_219 : i32
        %get3A_221 = arith.index_cast %mul3A_220 : i32 to index
        %get3A_222 = tpu.vector_load %arg4[%get3A_221] {strides = array<i32>} : memref<2048xf32, #tpu.memory_space<vmem>>, vector<16xf32>,
        %ge3A_223 = vector.broadcast %bitcast_convert_type3A_37 : f32 to vector<16xf32>
        %ge3A_224 = arith.cmpf oge, %get3A_222, %ge3A_223 : vector<16xf32>
        %jit3A_225 = arith.constant 1 : i32
        %jit3A_226 = arith.constant 0 : i32
        %broadcast_in_dim3A_227 = vector.broadcast %jit3A_225 : i32 to vector<16xi32>
        %broadcast_in_dim3A_228 = vector.broadcast %jit3A_226 : i32 to vector<16xi32>
        %select_n3A_229 = arith.select %ge3A_224, %broadcast_in_dim3A_227, %broadcast_in_dim3A_228 : vector<16xi1>, vector<16xi32>
        %add3A_230 = arith.addi %add3A_216, %select_n3A_229 : vector<16xi32>
        %scan3A_231 = arith.constant 13 : i32
        %scan3A_232 = arith.addi %scan3A_51, %scan3A_231 : i32
        %mul3A_233 = arith.constant 16 : i32
        %mul3A_234 = arith.muli %scan3A_232, %mul3A_233 : i32
        %get3A_235 = arith.index_cast %mul3A_234 : i32 to index
        %get3A_236 = tpu.vector_load %arg4[%get3A_235] {strides = array<i32>} : memref<2048xf32, #tpu.memory_space<vmem>>, vector<16xf32>,
        %ge3A_237 = vector.broadcast %bitcast_convert_type3A_37 : f32 to vector<16xf32>
        %ge3A_238 = arith.cmpf oge, %get3A_236, %ge3A_237 : vector<16xf32>
        %jit3A_239 = arith.constant 1 : i32
        %jit3A_240 = arith.constant 0 : i32
        %broadcast_in_dim3A_241 = vector.broadcast %jit3A_239 : i32 to vector<16xi32>
        %broadcast_in_dim3A_242 = vector.broadcast %jit3A_240 : i32 to vector<16xi32>
        %select_n3A_243 = arith.select %ge3A_238, %broadcast_in_dim3A_241, %broadcast_in_dim3A_242 : vector<16xi1>, vector<16xi32>
        %add3A_244 = arith.addi %add3A_230, %select_n3A_243 : vector<16xi32>
        %scan3A_245 = arith.constant 14 : i32
        %scan3A_246 = arith.addi %scan3A_51, %scan3A_245 : i32
        %mul3A_247 = arith.constant 16 : i32
        %mul3A_248 = arith.muli %scan3A_246, %mul3A_247 : i32
        %get3A_249 = arith.index_cast %mul3A_248 : i32 to index
        %get3A_250 = tpu.vector_load %arg4[%get3A_249] {strides = array<i32>} : memref<2048xf32, #tpu.memory_space<vmem>>, vector<16xf32>,
        %ge3A_251 = vector.broadcast %bitcast_convert_type3A_37 : f32 to vector<16xf32>
        %ge3A_252 = arith.cmpf oge, %get3A_250, %ge3A_251 : vector<16xf32>
        %jit3A_253 = arith.constant 1 : i32
        %jit3A_254 = arith.constant 0 : i32
        %broadcast_in_dim3A_255 = vector.broadcast %jit3A_253 : i32 to vector<16xi32>
        %broadcast_in_dim3A_256 = vector.broadcast %jit3A_254 : i32 to vector<16xi32>
        %select_n3A_257 = arith.select %ge3A_252, %broadcast_in_dim3A_255, %broadcast_in_dim3A_256 : vector<16xi1>, vector<16xi32>
        %add3A_258 = arith.addi %add3A_244, %select_n3A_257 : vector<16xi32>
        %scan3A_259 = arith.constant 15 : i32
        %scan3A_260 = arith.addi %scan3A_51, %scan3A_259 : i32
        %mul3A_261 = arith.constant 16 : i32
        %mul3A_262 = arith.muli %scan3A_260, %mul3A_261 : i32
        %get3A_263 = arith.index_cast %mul3A_262 : i32 to index
        %get3A_264 = tpu.vector_load %arg4[%get3A_263] {strides = array<i32>} : memref<2048xf32, #tpu.memory_space<vmem>>, vector<16xf32>,
        %ge3A_265 = vector.broadcast %bitcast_convert_type3A_37 : f32 to vector<16xf32>
        %ge3A_266 = arith.cmpf oge, %get3A_264, %ge3A_265 : vector<16xf32>
        %jit3A_267 = arith.constant 1 : i32
        %jit3A_268 = arith.constant 0 : i32
        %broadcast_in_dim3A_269 = vector.broadcast %jit3A_267 : i32 to vector<16xi32>
        %broadcast_in_dim3A_270 = vector.broadcast %jit3A_268 : i32 to vector<16xi32>
        %select_n3A_271 = arith.select %ge3A_266, %broadcast_in_dim3A_269, %broadcast_in_dim3A_270 : vector<16xi1>, vector<16xi32>
        %add3A_272 = arith.addi %add3A_258, %select_n3A_271 : vector<16xi32>
        scf.yield %add3A_272 : vector<16xi32>
      }
      %scan3A_45 = arith.constant 128 : i32
      %reduce_sum3A_46 = arith.constant true
      %reduce_sum3A_47 = vector.broadcast %reduce_sum3A_46 : i1 to vector<16xi1>
      %reduce_sum3A_48 = tpu.scan <sum>, %scan3A_44 masked %reduce_sum3A_47 : vector<16xi32>, vector<16xi1> -> vector<16xi32>
      %reduce_sum3A_49 = vector.extract %reduce_sum3A_48[15] : i32 from vector<16xi32>
      %ge3A = arith.constant 123 : i32
      %ge3A_50 = arith.cmpi sge, %reduce_sum3A_49, %ge3A : i32
      %select_n3A = arith.select %ge3A_50, %or3A, %scan3A_33 : i32
      scf.yield %select_n3A : i32
    }
    %scan3A_6 = arith.constant 31 : i32
    %bitcast_convert_type3A = arith.bitcast %scan3A_5 : i32 to f32
    %broadcast_in_dim3A = arith.constant 0 : i32
    %broadcast_in_dim3A_7 = vector.broadcast %broadcast_in_dim3A : i32 to vector<16xi32>
    %scan3A_8 = arith.constant 0 : i32
    %scan3A_9 = arith.constant 128 : i32
    %scan3A_10 = arith.addi %scan3A_8, %scan3A_9 : i32
    %scan3A_11 = arith.constant 16 : i32
    %scan3A_12 = scf.for %scan3A_32 = %scan3A_8 to %scan3A_10 step %scan3A_11 iter_args(%scan3A_33 = %broadcast_in_dim3A_7) -> (vector<16xi32>)  : i32 {
      %mul3A_34 = arith.constant 16 : i32
      %mul3A_35 = arith.muli %scan3A_32, %mul3A_34 : i32
      %get3A = arith.index_cast %mul3A_35 : i32 to index
      %get3A_36 = tpu.vector_load %arg4[%get3A] {strides = array<i32>} : memref<2048xf32, #tpu.memory_space<vmem>>, vector<16xf32>,
      %gt3A = vector.broadcast %bitcast_convert_type3A : f32 to vector<16xf32>
      %gt3A_37 = arith.cmpf ogt, %get3A_36, %gt3A : vector<16xf32>
      %jit3A = arith.constant 1 : i32
      %jit3A_38 = arith.constant 0 : i32
      %broadcast_in_dim3A_39 = vector.broadcast %jit3A : i32 to vector<16xi32>
      %broadcast_in_dim3A_40 = vector.broadcast %jit3A_38 : i32 to vector<16xi32>
      %select_n3A = arith.select %gt3A_37, %broadcast_in_dim3A_39, %broadcast_in_dim3A_40 : vector<16xi1>, vector<16xi32>
      %add3A_41 = arith.addi %scan3A_33, %select_n3A : vector<16xi32>
      %scan3A_42 = arith.constant 1 : i32
      %scan3A_43 = arith.addi %scan3A_32, %scan3A_42 : i32
      %mul3A_44 = arith.constant 16 : i32
      %mul3A_45 = arith.muli %scan3A_43, %mul3A_44 : i32
      %get3A_46 = arith.index_cast %mul3A_45 : i32 to index
      %get3A_47 = tpu.vector_load %arg4[%get3A_46] {strides = array<i32>} : memref<2048xf32, #tpu.memory_space<vmem>>, vector<16xf32>,
      %gt3A_48 = vector.broadcast %bitcast_convert_type3A : f32 to vector<16xf32>
      %gt3A_49 = arith.cmpf ogt, %get3A_47, %gt3A_48 : vector<16xf32>
      %jit3A_50 = arith.constant 1 : i32
      %jit3A_51 = arith.constant 0 : i32
      %broadcast_in_dim3A_52 = vector.broadcast %jit3A_50 : i32 to vector<16xi32>
      %broadcast_in_dim3A_53 = vector.broadcast %jit3A_51 : i32 to vector<16xi32>
      %select_n3A_54 = arith.select %gt3A_49, %broadcast_in_dim3A_52, %broadcast_in_dim3A_53 : vector<16xi1>, vector<16xi32>
      %add3A_55 = arith.addi %add3A_41, %select_n3A_54 : vector<16xi32>
      %scan3A_56 = arith.constant 2 : i32
      %scan3A_57 = arith.addi %scan3A_32, %scan3A_56 : i32
      %mul3A_58 = arith.constant 16 : i32
      %mul3A_59 = arith.muli %scan3A_57, %mul3A_58 : i32
      %get3A_60 = arith.index_cast %mul3A_59 : i32 to index
      %get3A_61 = tpu.vector_load %arg4[%get3A_60] {strides = array<i32>} : memref<2048xf32, #tpu.memory_space<vmem>>, vector<16xf32>,
      %gt3A_62 = vector.broadcast %bitcast_convert_type3A : f32 to vector<16xf32>
      %gt3A_63 = arith.cmpf ogt, %get3A_61, %gt3A_62 : vector<16xf32>
      %jit3A_64 = arith.constant 1 : i32
      %jit3A_65 = arith.constant 0 : i32
      %broadcast_in_dim3A_66 = vector.broadcast %jit3A_64 : i32 to vector<16xi32>
      %broadcast_in_dim3A_67 = vector.broadcast %jit3A_65 : i32 to vector<16xi32>
      %select_n3A_68 = arith.select %gt3A_63, %broadcast_in_dim3A_66, %broadcast_in_dim3A_67 : vector<16xi1>, vector<16xi32>
      %add3A_69 = arith.addi %add3A_55, %select_n3A_68 : vector<16xi32>
      %scan3A_70 = arith.constant 3 : i32
      %scan3A_71 = arith.addi %scan3A_32, %scan3A_70 : i32
      %mul3A_72 = arith.constant 16 : i32
      %mul3A_73 = arith.muli %scan3A_71, %mul3A_72 : i32
      %get3A_74 = arith.index_cast %mul3A_73 : i32 to index
      %get3A_75 = tpu.vector_load %arg4[%get3A_74] {strides = array<i32>} : memref<2048xf32, #tpu.memory_space<vmem>>, vector<16xf32>,
      %gt3A_76 = vector.broadcast %bitcast_convert_type3A : f32 to vector<16xf32>
      %gt3A_77 = arith.cmpf ogt, %get3A_75, %gt3A_76 : vector<16xf32>
      %jit3A_78 = arith.constant 1 : i32
      %jit3A_79 = arith.constant 0 : i32
      %broadcast_in_dim3A_80 = vector.broadcast %jit3A_78 : i32 to vector<16xi32>
      %broadcast_in_dim3A_81 = vector.broadcast %jit3A_79 : i32 to vector<16xi32>
      %select_n3A_82 = arith.select %gt3A_77, %broadcast_in_dim3A_80, %broadcast_in_dim3A_81 : vector<16xi1>, vector<16xi32>
      %add3A_83 = arith.addi %add3A_69, %select_n3A_82 : vector<16xi32>
      %scan3A_84 = arith.constant 4 : i32
      %scan3A_85 = arith.addi %scan3A_32, %scan3A_84 : i32
      %mul3A_86 = arith.constant 16 : i32
      %mul3A_87 = arith.muli %scan3A_85, %mul3A_86 : i32
      %get3A_88 = arith.index_cast %mul3A_87 : i32 to index
      %get3A_89 = tpu.vector_load %arg4[%get3A_88] {strides = array<i32>} : memref<2048xf32, #tpu.memory_space<vmem>>, vector<16xf32>,
      %gt3A_90 = vector.broadcast %bitcast_convert_type3A : f32 to vector<16xf32>
      %gt3A_91 = arith.cmpf ogt, %get3A_89, %gt3A_90 : vector<16xf32>
      %jit3A_92 = arith.constant 1 : i32
      %jit3A_93 = arith.constant 0 : i32
      %broadcast_in_dim3A_94 = vector.broadcast %jit3A_92 : i32 to vector<16xi32>
      %broadcast_in_dim3A_95 = vector.broadcast %jit3A_93 : i32 to vector<16xi32>
      %select_n3A_96 = arith.select %gt3A_91, %broadcast_in_dim3A_94, %broadcast_in_dim3A_95 : vector<16xi1>, vector<16xi32>
      %add3A_97 = arith.addi %add3A_83, %select_n3A_96 : vector<16xi32>
      %scan3A_98 = arith.constant 5 : i32
      %scan3A_99 = arith.addi %scan3A_32, %scan3A_98 : i32
      %mul3A_100 = arith.constant 16 : i32
      %mul3A_101 = arith.muli %scan3A_99, %mul3A_100 : i32
      %get3A_102 = arith.index_cast %mul3A_101 : i32 to index
      %get3A_103 = tpu.vector_load %arg4[%get3A_102] {strides = array<i32>} : memref<2048xf32, #tpu.memory_space<vmem>>, vector<16xf32>,
      %gt3A_104 = vector.broadcast %bitcast_convert_type3A : f32 to vector<16xf32>
      %gt3A_105 = arith.cmpf ogt, %get3A_103, %gt3A_104 : vector<16xf32>
      %jit3A_106 = arith.constant 1 : i32
      %jit3A_107 = arith.constant 0 : i32
      %broadcast_in_dim3A_108 = vector.broadcast %jit3A_106 : i32 to vector<16xi32>
      %broadcast_in_dim3A_109 = vector.broadcast %jit3A_107 : i32 to vector<16xi32>
      %select_n3A_110 = arith.select %gt3A_105, %broadcast_in_dim3A_108, %broadcast_in_dim3A_109 : vector<16xi1>, vector<16xi32>
      %add3A_111 = arith.addi %add3A_97, %select_n3A_110 : vector<16xi32>
      %scan3A_112 = arith.constant 6 : i32
      %scan3A_113 = arith.addi %scan3A_32, %scan3A_112 : i32
      %mul3A_114 = arith.constant 16 : i32
      %mul3A_115 = arith.muli %scan3A_113, %mul3A_114 : i32
      %get3A_116 = arith.index_cast %mul3A_115 : i32 to index
      %get3A_117 = tpu.vector_load %arg4[%get3A_116] {strides = array<i32>} : memref<2048xf32, #tpu.memory_space<vmem>>, vector<16xf32>,
      %gt3A_118 = vector.broadcast %bitcast_convert_type3A : f32 to vector<16xf32>
      %gt3A_119 = arith.cmpf ogt, %get3A_117, %gt3A_118 : vector<16xf32>
      %jit3A_120 = arith.constant 1 : i32
      %jit3A_121 = arith.constant 0 : i32
      %broadcast_in_dim3A_122 = vector.broadcast %jit3A_120 : i32 to vector<16xi32>
      %broadcast_in_dim3A_123 = vector.broadcast %jit3A_121 : i32 to vector<16xi32>
      %select_n3A_124 = arith.select %gt3A_119, %broadcast_in_dim3A_122, %broadcast_in_dim3A_123 : vector<16xi1>, vector<16xi32>
      %add3A_125 = arith.addi %add3A_111, %select_n3A_124 : vector<16xi32>
      %scan3A_126 = arith.constant 7 : i32
      %scan3A_127 = arith.addi %scan3A_32, %scan3A_126 : i32
      %mul3A_128 = arith.constant 16 : i32
      %mul3A_129 = arith.muli %scan3A_127, %mul3A_128 : i32
      %get3A_130 = arith.index_cast %mul3A_129 : i32 to index
      %get3A_131 = tpu.vector_load %arg4[%get3A_130] {strides = array<i32>} : memref<2048xf32, #tpu.memory_space<vmem>>, vector<16xf32>,
      %gt3A_132 = vector.broadcast %bitcast_convert_type3A : f32 to vector<16xf32>
      %gt3A_133 = arith.cmpf ogt, %get3A_131, %gt3A_132 : vector<16xf32>
      %jit3A_134 = arith.constant 1 : i32
      %jit3A_135 = arith.constant 0 : i32
      %broadcast_in_dim3A_136 = vector.broadcast %jit3A_134 : i32 to vector<16xi32>
      %broadcast_in_dim3A_137 = vector.broadcast %jit3A_135 : i32 to vector<16xi32>
      %select_n3A_138 = arith.select %gt3A_133, %broadcast_in_dim3A_136, %broadcast_in_dim3A_137 : vector<16xi1>, vector<16xi32>
      %add3A_139 = arith.addi %add3A_125, %select_n3A_138 : vector<16xi32>
      %scan3A_140 = arith.constant 8 : i32
      %scan3A_141 = arith.addi %scan3A_32, %scan3A_140 : i32
      %mul3A_142 = arith.constant 16 : i32
      %mul3A_143 = arith.muli %scan3A_141, %mul3A_142 : i32
      %get3A_144 = arith.index_cast %mul3A_143 : i32 to index
      %get3A_145 = tpu.vector_load %arg4[%get3A_144] {strides = array<i32>} : memref<2048xf32, #tpu.memory_space<vmem>>, vector<16xf32>,
      %gt3A_146 = vector.broadcast %bitcast_convert_type3A : f32 to vector<16xf32>
      %gt3A_147 = arith.cmpf ogt, %get3A_145, %gt3A_146 : vector<16xf32>
      %jit3A_148 = arith.constant 1 : i32
      %jit3A_149 = arith.constant 0 : i32
      %broadcast_in_dim3A_150 = vector.broadcast %jit3A_148 : i32 to vector<16xi32>
      %broadcast_in_dim3A_151 = vector.broadcast %jit3A_149 : i32 to vector<16xi32>
      %select_n3A_152 = arith.select %gt3A_147, %broadcast_in_dim3A_150, %broadcast_in_dim3A_151 : vector<16xi1>, vector<16xi32>
      %add3A_153 = arith.addi %add3A_139, %select_n3A_152 : vector<16xi32>
      %scan3A_154 = arith.constant 9 : i32
      %scan3A_155 = arith.addi %scan3A_32, %scan3A_154 : i32
      %mul3A_156 = arith.constant 16 : i32
      %mul3A_157 = arith.muli %scan3A_155, %mul3A_156 : i32
      %get3A_158 = arith.index_cast %mul3A_157 : i32 to index
      %get3A_159 = tpu.vector_load %arg4[%get3A_158] {strides = array<i32>} : memref<2048xf32, #tpu.memory_space<vmem>>, vector<16xf32>,
      %gt3A_160 = vector.broadcast %bitcast_convert_type3A : f32 to vector<16xf32>
      %gt3A_161 = arith.cmpf ogt, %get3A_159, %gt3A_160 : vector<16xf32>
      %jit3A_162 = arith.constant 1 : i32
      %jit3A_163 = arith.constant 0 : i32
      %broadcast_in_dim3A_164 = vector.broadcast %jit3A_162 : i32 to vector<16xi32>
      %broadcast_in_dim3A_165 = vector.broadcast %jit3A_163 : i32 to vector<16xi32>
      %select_n3A_166 = arith.select %gt3A_161, %broadcast_in_dim3A_164, %broadcast_in_dim3A_165 : vector<16xi1>, vector<16xi32>
      %add3A_167 = arith.addi %add3A_153, %select_n3A_166 : vector<16xi32>
      %scan3A_168 = arith.constant 10 : i32
      %scan3A_169 = arith.addi %scan3A_32, %scan3A_168 : i32
      %mul3A_170 = arith.constant 16 : i32
      %mul3A_171 = arith.muli %scan3A_169, %mul3A_170 : i32
      %get3A_172 = arith.index_cast %mul3A_171 : i32 to index
      %get3A_173 = tpu.vector_load %arg4[%get3A_172] {strides = array<i32>} : memref<2048xf32, #tpu.memory_space<vmem>>, vector<16xf32>,
      %gt3A_174 = vector.broadcast %bitcast_convert_type3A : f32 to vector<16xf32>
      %gt3A_175 = arith.cmpf ogt, %get3A_173, %gt3A_174 : vector<16xf32>
      %jit3A_176 = arith.constant 1 : i32
      %jit3A_177 = arith.constant 0 : i32
      %broadcast_in_dim3A_178 = vector.broadcast %jit3A_176 : i32 to vector<16xi32>
      %broadcast_in_dim3A_179 = vector.broadcast %jit3A_177 : i32 to vector<16xi32>
      %select_n3A_180 = arith.select %gt3A_175, %broadcast_in_dim3A_178, %broadcast_in_dim3A_179 : vector<16xi1>, vector<16xi32>
      %add3A_181 = arith.addi %add3A_167, %select_n3A_180 : vector<16xi32>
      %scan3A_182 = arith.constant 11 : i32
      %scan3A_183 = arith.addi %scan3A_32, %scan3A_182 : i32
      %mul3A_184 = arith.constant 16 : i32
      %mul3A_185 = arith.muli %scan3A_183, %mul3A_184 : i32
      %get3A_186 = arith.index_cast %mul3A_185 : i32 to index
      %get3A_187 = tpu.vector_load %arg4[%get3A_186] {strides = array<i32>} : memref<2048xf32, #tpu.memory_space<vmem>>, vector<16xf32>,
      %gt3A_188 = vector.broadcast %bitcast_convert_type3A : f32 to vector<16xf32>
      %gt3A_189 = arith.cmpf ogt, %get3A_187, %gt3A_188 : vector<16xf32>
      %jit3A_190 = arith.constant 1 : i32
      %jit3A_191 = arith.constant 0 : i32
      %broadcast_in_dim3A_192 = vector.broadcast %jit3A_190 : i32 to vector<16xi32>
      %broadcast_in_dim3A_193 = vector.broadcast %jit3A_191 : i32 to vector<16xi32>
      %select_n3A_194 = arith.select %gt3A_189, %broadcast_in_dim3A_192, %broadcast_in_dim3A_193 : vector<16xi1>, vector<16xi32>
      %add3A_195 = arith.addi %add3A_181, %select_n3A_194 : vector<16xi32>
      %scan3A_196 = arith.constant 12 : i32
      %scan3A_197 = arith.addi %scan3A_32, %scan3A_196 : i32
      %mul3A_198 = arith.constant 16 : i32
      %mul3A_199 = arith.muli %scan3A_197, %mul3A_198 : i32
      %get3A_200 = arith.index_cast %mul3A_199 : i32 to index
      %get3A_201 = tpu.vector_load %arg4[%get3A_200] {strides = array<i32>} : memref<2048xf32, #tpu.memory_space<vmem>>, vector<16xf32>,
      %gt3A_202 = vector.broadcast %bitcast_convert_type3A : f32 to vector<16xf32>
      %gt3A_203 = arith.cmpf ogt, %get3A_201, %gt3A_202 : vector<16xf32>
      %jit3A_204 = arith.constant 1 : i32
      %jit3A_205 = arith.constant 0 : i32
      %broadcast_in_dim3A_206 = vector.broadcast %jit3A_204 : i32 to vector<16xi32>
      %broadcast_in_dim3A_207 = vector.broadcast %jit3A_205 : i32 to vector<16xi32>
      %select_n3A_208 = arith.select %gt3A_203, %broadcast_in_dim3A_206, %broadcast_in_dim3A_207 : vector<16xi1>, vector<16xi32>
      %add3A_209 = arith.addi %add3A_195, %select_n3A_208 : vector<16xi32>
      %scan3A_210 = arith.constant 13 : i32
      %scan3A_211 = arith.addi %scan3A_32, %scan3A_210 : i32
      %mul3A_212 = arith.constant 16 : i32
      %mul3A_213 = arith.muli %scan3A_211, %mul3A_212 : i32
      %get3A_214 = arith.index_cast %mul3A_213 : i32 to index
      %get3A_215 = tpu.vector_load %arg4[%get3A_214] {strides = array<i32>} : memref<2048xf32, #tpu.memory_space<vmem>>, vector<16xf32>,
      %gt3A_216 = vector.broadcast %bitcast_convert_type3A : f32 to vector<16xf32>
      %gt3A_217 = arith.cmpf ogt, %get3A_215, %gt3A_216 : vector<16xf32>
      %jit3A_218 = arith.constant 1 : i32
      %jit3A_219 = arith.constant 0 : i32
      %broadcast_in_dim3A_220 = vector.broadcast %jit3A_218 : i32 to vector<16xi32>
      %broadcast_in_dim3A_221 = vector.broadcast %jit3A_219 : i32 to vector<16xi32>
      %select_n3A_222 = arith.select %gt3A_217, %broadcast_in_dim3A_220, %broadcast_in_dim3A_221 : vector<16xi1>, vector<16xi32>
      %add3A_223 = arith.addi %add3A_209, %select_n3A_222 : vector<16xi32>
      %scan3A_224 = arith.constant 14 : i32
      %scan3A_225 = arith.addi %scan3A_32, %scan3A_224 : i32
      %mul3A_226 = arith.constant 16 : i32
      %mul3A_227 = arith.muli %scan3A_225, %mul3A_226 : i32
      %get3A_228 = arith.index_cast %mul3A_227 : i32 to index
      %get3A_229 = tpu.vector_load %arg4[%get3A_228] {strides = array<i32>} : memref<2048xf32, #tpu.memory_space<vmem>>, vector<16xf32>,
      %gt3A_230 = vector.broadcast %bitcast_convert_type3A : f32 to vector<16xf32>
      %gt3A_231 = arith.cmpf ogt, %get3A_229, %gt3A_230 : vector<16xf32>
      %jit3A_232 = arith.constant 1 : i32
      %jit3A_233 = arith.constant 0 : i32
      %broadcast_in_dim3A_234 = vector.broadcast %jit3A_232 : i32 to vector<16xi32>
      %broadcast_in_dim3A_235 = vector.broadcast %jit3A_233 : i32 to vector<16xi32>
      %select_n3A_236 = arith.select %gt3A_231, %broadcast_in_dim3A_234, %broadcast_in_dim3A_235 : vector<16xi1>, vector<16xi32>
      %add3A_237 = arith.addi %add3A_223, %select_n3A_236 : vector<16xi32>
      %scan3A_238 = arith.constant 15 : i32
      %scan3A_239 = arith.addi %scan3A_32, %scan3A_238 : i32
      %mul3A_240 = arith.constant 16 : i32
      %mul3A_241 = arith.muli %scan3A_239, %mul3A_240 : i32
      %get3A_242 = arith.index_cast %mul3A_241 : i32 to index
      %get3A_243 = tpu.vector_load %arg4[%get3A_242] {strides = array<i32>} : memref<2048xf32, #tpu.memory_space<vmem>>, vector<16xf32>,
      %gt3A_244 = vector.broadcast %bitcast_convert_type3A : f32 to vector<16xf32>
      %gt3A_245 = arith.cmpf ogt, %get3A_243, %gt3A_244 : vector<16xf32>
      %jit3A_246 = arith.constant 1 : i32
      %jit3A_247 = arith.constant 0 : i32
      %broadcast_in_dim3A_248 = vector.broadcast %jit3A_246 : i32 to vector<16xi32>
      %broadcast_in_dim3A_249 = vector.broadcast %jit3A_247 : i32 to vector<16xi32>
      %select_n3A_250 = arith.select %gt3A_245, %broadcast_in_dim3A_248, %broadcast_in_dim3A_249 : vector<16xi1>, vector<16xi32>
      %add3A_251 = arith.addi %add3A_237, %select_n3A_250 : vector<16xi32>
      scf.yield %add3A_251 : vector<16xi32>
    }
    %scan3A_13 = arith.constant 128 : i32
    %reduce_sum3A = arith.constant true
    %reduce_sum3A_14 = vector.broadcast %reduce_sum3A : i1 to vector<16xi1>
    %reduce_sum3A_15 = tpu.scan <sum>, %scan3A_12 masked %reduce_sum3A_14 : vector<16xi32>, vector<16xi1> -> vector<16xi32>
    %reduce_sum3A_16 = vector.extract %reduce_sum3A_15[15] : i32 from vector<16xi32>
    %sub3A = arith.constant 123 : i32
    %sub3A_17 = arith.subi %sub3A, %reduce_sum3A_16 : i32
    %scan3A_18 = arith.constant 0 : i32
    %scan3A_19 = arith.constant 0 : i32
    %scan3A_20 = arith.constant 11 : i32
    %scan3A_21 = arith.addi %scan3A_19, %scan3A_20 : i32
    %scan3A_22 = arith.constant 1 : i32
    %scan3A_23 = scf.for %scan3A_32 = %scan3A_19 to %scan3A_21 step %scan3A_22 iter_args(%scan3A_33 = %scan3A_18) -> (i32)  : i32 {
      %sub3A_34 = arith.constant 10 : i32
      %sub3A_35 = arith.subi %sub3A_34, %scan3A_32 : i32
      %shift_left3A = arith.constant 1 : i32
      %shift_left3A_36 = arith.shli %shift_left3A, %sub3A_35 : i32
      %or3A = arith.ori %scan3A_33, %shift_left3A_36 : i32
      %broadcast_in_dim3A_37 = arith.constant 0 : i32
      %broadcast_in_dim3A_38 = vector.broadcast %broadcast_in_dim3A_37 : i32 to vector<16xi32>
      %scan3A_39 = arith.constant 0 : i32
      %scan3A_40 = arith.constant 128 : i32
      %scan3A_41 = arith.addi %scan3A_39, %scan3A_40 : i32
      %scan3A_42 = arith.constant 16 : i32
      %scan3A_43 = scf.for %scan3A_49 = %scan3A_39 to %scan3A_41 step %scan3A_42 iter_args(%scan3A_50 = %broadcast_in_dim3A_38) -> (vector<16xi32>)  : i32 {
        %mul3A_51 = arith.constant 16 : i32
        %mul3A_52 = arith.muli %scan3A_49, %mul3A_51 : i32
        %get3A = arith.index_cast %mul3A_52 : i32 to index
        %get3A_53 = tpu.vector_load %arg4[%get3A] {strides = array<i32>} : memref<2048xf32, #tpu.memory_space<vmem>>, vector<16xf32>,
        %iota3A = tpu.iota {dimensions = array<i32: 0>} : vector<16xi32>
        %mul3A_54 = arith.constant 16 : i32
        %mul3A_55 = arith.muli %scan3A_49, %mul3A_54 : i32
        %add3A_56 = vector.broadcast %mul3A_55 : i32 to vector<16xi32>
        %add3A_57 = arith.addi %iota3A, %add3A_56 : vector<16xi32>
        %eq3A = vector.broadcast %bitcast_convert_type3A : f32 to vector<16xf32>
        %eq3A_58 = arith.cmpf oeq, %get3A_53, %eq3A : vector<16xf32>
        %lt3A_59 = vector.broadcast %or3A : i32 to vector<16xi32>
        %lt3A_60 = arith.cmpi slt, %add3A_57, %lt3A_59 : vector<16xi32>
        %and3A = arith.andi %eq3A_58, %lt3A_60 : vector<16xi1>
        %jit3A = arith.constant 1 : i32
        %jit3A_61 = arith.constant 0 : i32
        %broadcast_in_dim3A_62 = vector.broadcast %jit3A : i32 to vector<16xi32>
        %broadcast_in_dim3A_63 = vector.broadcast %jit3A_61 : i32 to vector<16xi32>
        %select_n3A_64 = arith.select %and3A, %broadcast_in_dim3A_62, %broadcast_in_dim3A_63 : vector<16xi1>, vector<16xi32>
        %add3A_65 = arith.addi %scan3A_50, %select_n3A_64 : vector<16xi32>
        %scan3A_66 = arith.constant 1 : i32
        %scan3A_67 = arith.addi %scan3A_49, %scan3A_66 : i32
        %mul3A_68 = arith.constant 16 : i32
        %mul3A_69 = arith.muli %scan3A_67, %mul3A_68 : i32
        %get3A_70 = arith.index_cast %mul3A_69 : i32 to index
        %get3A_71 = tpu.vector_load %arg4[%get3A_70] {strides = array<i32>} : memref<2048xf32, #tpu.memory_space<vmem>>, vector<16xf32>,
        %iota3A_72 = tpu.iota {dimensions = array<i32: 0>} : vector<16xi32>
        %mul3A_73 = arith.constant 16 : i32
        %mul3A_74 = arith.muli %scan3A_67, %mul3A_73 : i32
        %add3A_75 = vector.broadcast %mul3A_74 : i32 to vector<16xi32>
        %add3A_76 = arith.addi %iota3A_72, %add3A_75 : vector<16xi32>
        %eq3A_77 = vector.broadcast %bitcast_convert_type3A : f32 to vector<16xf32>
        %eq3A_78 = arith.cmpf oeq, %get3A_71, %eq3A_77 : vector<16xf32>
        %lt3A_79 = vector.broadcast %or3A : i32 to vector<16xi32>
        %lt3A_80 = arith.cmpi slt, %add3A_76, %lt3A_79 : vector<16xi32>
        %and3A_81 = arith.andi %eq3A_78, %lt3A_80 : vector<16xi1>
        %jit3A_82 = arith.constant 1 : i32
        %jit3A_83 = arith.constant 0 : i32
        %broadcast_in_dim3A_84 = vector.broadcast %jit3A_82 : i32 to vector<16xi32>
        %broadcast_in_dim3A_85 = vector.broadcast %jit3A_83 : i32 to vector<16xi32>
        %select_n3A_86 = arith.select %and3A_81, %broadcast_in_dim3A_84, %broadcast_in_dim3A_85 : vector<16xi1>, vector<16xi32>
        %add3A_87 = arith.addi %add3A_65, %select_n3A_86 : vector<16xi32>
        %scan3A_88 = arith.constant 2 : i32
        %scan3A_89 = arith.addi %scan3A_49, %scan3A_88 : i32
        %mul3A_90 = arith.constant 16 : i32
        %mul3A_91 = arith.muli %scan3A_89, %mul3A_90 : i32
        %get3A_92 = arith.index_cast %mul3A_91 : i32 to index
        %get3A_93 = tpu.vector_load %arg4[%get3A_92] {strides = array<i32>} : memref<2048xf32, #tpu.memory_space<vmem>>, vector<16xf32>,
        %iota3A_94 = tpu.iota {dimensions = array<i32: 0>} : vector<16xi32>
        %mul3A_95 = arith.constant 16 : i32
        %mul3A_96 = arith.muli %scan3A_89, %mul3A_95 : i32
        %add3A_97 = vector.broadcast %mul3A_96 : i32 to vector<16xi32>
        %add3A_98 = arith.addi %iota3A_94, %add3A_97 : vector<16xi32>
        %eq3A_99 = vector.broadcast %bitcast_convert_type3A : f32 to vector<16xf32>
        %eq3A_100 = arith.cmpf oeq, %get3A_93, %eq3A_99 : vector<16xf32>
        %lt3A_101 = vector.broadcast %or3A : i32 to vector<16xi32>
        %lt3A_102 = arith.cmpi slt, %add3A_98, %lt3A_101 : vector<16xi32>
        %and3A_103 = arith.andi %eq3A_100, %lt3A_102 : vector<16xi1>
        %jit3A_104 = arith.constant 1 : i32
        %jit3A_105 = arith.constant 0 : i32
        %broadcast_in_dim3A_106 = vector.broadcast %jit3A_104 : i32 to vector<16xi32>
        %broadcast_in_dim3A_107 = vector.broadcast %jit3A_105 : i32 to vector<16xi32>
        %select_n3A_108 = arith.select %and3A_103, %broadcast_in_dim3A_106, %broadcast_in_dim3A_107 : vector<16xi1>, vector<16xi32>
        %add3A_109 = arith.addi %add3A_87, %select_n3A_108 : vector<16xi32>
        %scan3A_110 = arith.constant 3 : i32
        %scan3A_111 = arith.addi %scan3A_49, %scan3A_110 : i32
        %mul3A_112 = arith.constant 16 : i32
        %mul3A_113 = arith.muli %scan3A_111, %mul3A_112 : i32
        %get3A_114 = arith.index_cast %mul3A_113 : i32 to index
        %get3A_115 = tpu.vector_load %arg4[%get3A_114] {strides = array<i32>} : memref<2048xf32, #tpu.memory_space<vmem>>, vector<16xf32>,
        %iota3A_116 = tpu.iota {dimensions = array<i32: 0>} : vector<16xi32>
        %mul3A_117 = arith.constant 16 : i32
        %mul3A_118 = arith.muli %scan3A_111, %mul3A_117 : i32
        %add3A_119 = vector.broadcast %mul3A_118 : i32 to vector<16xi32>
        %add3A_120 = arith.addi %iota3A_116, %add3A_119 : vector<16xi32>
        %eq3A_121 = vector.broadcast %bitcast_convert_type3A : f32 to vector<16xf32>
        %eq3A_122 = arith.cmpf oeq, %get3A_115, %eq3A_121 : vector<16xf32>
        %lt3A_123 = vector.broadcast %or3A : i32 to vector<16xi32>
        %lt3A_124 = arith.cmpi slt, %add3A_120, %lt3A_123 : vector<16xi32>
        %and3A_125 = arith.andi %eq3A_122, %lt3A_124 : vector<16xi1>
        %jit3A_126 = arith.constant 1 : i32
        %jit3A_127 = arith.constant 0 : i32
        %broadcast_in_dim3A_128 = vector.broadcast %jit3A_126 : i32 to vector<16xi32>
        %broadcast_in_dim3A_129 = vector.broadcast %jit3A_127 : i32 to vector<16xi32>
        %select_n3A_130 = arith.select %and3A_125, %broadcast_in_dim3A_128, %broadcast_in_dim3A_129 : vector<16xi1>, vector<16xi32>
        %add3A_131 = arith.addi %add3A_109, %select_n3A_130 : vector<16xi32>
        %scan3A_132 = arith.constant 4 : i32
        %scan3A_133 = arith.addi %scan3A_49, %scan3A_132 : i32
        %mul3A_134 = arith.constant 16 : i32
        %mul3A_135 = arith.muli %scan3A_133, %mul3A_134 : i32
        %get3A_136 = arith.index_cast %mul3A_135 : i32 to index
        %get3A_137 = tpu.vector_load %arg4[%get3A_136] {strides = array<i32>} : memref<2048xf32, #tpu.memory_space<vmem>>, vector<16xf32>,
        %iota3A_138 = tpu.iota {dimensions = array<i32: 0>} : vector<16xi32>
        %mul3A_139 = arith.constant 16 : i32
        %mul3A_140 = arith.muli %scan3A_133, %mul3A_139 : i32
        %add3A_141 = vector.broadcast %mul3A_140 : i32 to vector<16xi32>
        %add3A_142 = arith.addi %iota3A_138, %add3A_141 : vector<16xi32>
        %eq3A_143 = vector.broadcast %bitcast_convert_type3A : f32 to vector<16xf32>
        %eq3A_144 = arith.cmpf oeq, %get3A_137, %eq3A_143 : vector<16xf32>
        %lt3A_145 = vector.broadcast %or3A : i32 to vector<16xi32>
        %lt3A_146 = arith.cmpi slt, %add3A_142, %lt3A_145 : vector<16xi32>
        %and3A_147 = arith.andi %eq3A_144, %lt3A_146 : vector<16xi1>
        %jit3A_148 = arith.constant 1 : i32
        %jit3A_149 = arith.constant 0 : i32
        %broadcast_in_dim3A_150 = vector.broadcast %jit3A_148 : i32 to vector<16xi32>
        %broadcast_in_dim3A_151 = vector.broadcast %jit3A_149 : i32 to vector<16xi32>
        %select_n3A_152 = arith.select %and3A_147, %broadcast_in_dim3A_150, %broadcast_in_dim3A_151 : vector<16xi1>, vector<16xi32>
        %add3A_153 = arith.addi %add3A_131, %select_n3A_152 : vector<16xi32>
        %scan3A_154 = arith.constant 5 : i32
        %scan3A_155 = arith.addi %scan3A_49, %scan3A_154 : i32
        %mul3A_156 = arith.constant 16 : i32
        %mul3A_157 = arith.muli %scan3A_155, %mul3A_156 : i32
        %get3A_158 = arith.index_cast %mul3A_157 : i32 to index
        %get3A_159 = tpu.vector_load %arg4[%get3A_158] {strides = array<i32>} : memref<2048xf32, #tpu.memory_space<vmem>>, vector<16xf32>,
        %iota3A_160 = tpu.iota {dimensions = array<i32: 0>} : vector<16xi32>
        %mul3A_161 = arith.constant 16 : i32
        %mul3A_162 = arith.muli %scan3A_155, %mul3A_161 : i32
        %add3A_163 = vector.broadcast %mul3A_162 : i32 to vector<16xi32>
        %add3A_164 = arith.addi %iota3A_160, %add3A_163 : vector<16xi32>
        %eq3A_165 = vector.broadcast %bitcast_convert_type3A : f32 to vector<16xf32>
        %eq3A_166 = arith.cmpf oeq, %get3A_159, %eq3A_165 : vector<16xf32>
        %lt3A_167 = vector.broadcast %or3A : i32 to vector<16xi32>
        %lt3A_168 = arith.cmpi slt, %add3A_164, %lt3A_167 : vector<16xi32>
        %and3A_169 = arith.andi %eq3A_166, %lt3A_168 : vector<16xi1>
        %jit3A_170 = arith.constant 1 : i32
        %jit3A_171 = arith.constant 0 : i32
        %broadcast_in_dim3A_172 = vector.broadcast %jit3A_170 : i32 to vector<16xi32>
        %broadcast_in_dim3A_173 = vector.broadcast %jit3A_171 : i32 to vector<16xi32>
        %select_n3A_174 = arith.select %and3A_169, %broadcast_in_dim3A_172, %broadcast_in_dim3A_173 : vector<16xi1>, vector<16xi32>
        %add3A_175 = arith.addi %add3A_153, %select_n3A_174 : vector<16xi32>
        %scan3A_176 = arith.constant 6 : i32
        %scan3A_177 = arith.addi %scan3A_49, %scan3A_176 : i32
        %mul3A_178 = arith.constant 16 : i32
        %mul3A_179 = arith.muli %scan3A_177, %mul3A_178 : i32
        %get3A_180 = arith.index_cast %mul3A_179 : i32 to index
        %get3A_181 = tpu.vector_load %arg4[%get3A_180] {strides = array<i32>} : memref<2048xf32, #tpu.memory_space<vmem>>, vector<16xf32>,
        %iota3A_182 = tpu.iota {dimensions = array<i32: 0>} : vector<16xi32>
        %mul3A_183 = arith.constant 16 : i32
        %mul3A_184 = arith.muli %scan3A_177, %mul3A_183 : i32
        %add3A_185 = vector.broadcast %mul3A_184 : i32 to vector<16xi32>
        %add3A_186 = arith.addi %iota3A_182, %add3A_185 : vector<16xi32>
        %eq3A_187 = vector.broadcast %bitcast_convert_type3A : f32 to vector<16xf32>
        %eq3A_188 = arith.cmpf oeq, %get3A_181, %eq3A_187 : vector<16xf32>
        %lt3A_189 = vector.broadcast %or3A : i32 to vector<16xi32>
        %lt3A_190 = arith.cmpi slt, %add3A_186, %lt3A_189 : vector<16xi32>
        %and3A_191 = arith.andi %eq3A_188, %lt3A_190 : vector<16xi1>
        %jit3A_192 = arith.constant 1 : i32
        %jit3A_193 = arith.constant 0 : i32
        %broadcast_in_dim3A_194 = vector.broadcast %jit3A_192 : i32 to vector<16xi32>
        %broadcast_in_dim3A_195 = vector.broadcast %jit3A_193 : i32 to vector<16xi32>
        %select_n3A_196 = arith.select %and3A_191, %broadcast_in_dim3A_194, %broadcast_in_dim3A_195 : vector<16xi1>, vector<16xi32>
        %add3A_197 = arith.addi %add3A_175, %select_n3A_196 : vector<16xi32>
        %scan3A_198 = arith.constant 7 : i32
        %scan3A_199 = arith.addi %scan3A_49, %scan3A_198 : i32
        %mul3A_200 = arith.constant 16 : i32
        %mul3A_201 = arith.muli %scan3A_199, %mul3A_200 : i32
        %get3A_202 = arith.index_cast %mul3A_201 : i32 to index
        %get3A_203 = tpu.vector_load %arg4[%get3A_202] {strides = array<i32>} : memref<2048xf32, #tpu.memory_space<vmem>>, vector<16xf32>,
        %iota3A_204 = tpu.iota {dimensions = array<i32: 0>} : vector<16xi32>
        %mul3A_205 = arith.constant 16 : i32
        %mul3A_206 = arith.muli %scan3A_199, %mul3A_205 : i32
        %add3A_207 = vector.broadcast %mul3A_206 : i32 to vector<16xi32>
        %add3A_208 = arith.addi %iota3A_204, %add3A_207 : vector<16xi32>
        %eq3A_209 = vector.broadcast %bitcast_convert_type3A : f32 to vector<16xf32>
        %eq3A_210 = arith.cmpf oeq, %get3A_203, %eq3A_209 : vector<16xf32>
        %lt3A_211 = vector.broadcast %or3A : i32 to vector<16xi32>
        %lt3A_212 = arith.cmpi slt, %add3A_208, %lt3A_211 : vector<16xi32>
        %and3A_213 = arith.andi %eq3A_210, %lt3A_212 : vector<16xi1>
        %jit3A_214 = arith.constant 1 : i32
        %jit3A_215 = arith.constant 0 : i32
        %broadcast_in_dim3A_216 = vector.broadcast %jit3A_214 : i32 to vector<16xi32>
        %broadcast_in_dim3A_217 = vector.broadcast %jit3A_215 : i32 to vector<16xi32>
        %select_n3A_218 = arith.select %and3A_213, %broadcast_in_dim3A_216, %broadcast_in_dim3A_217 : vector<16xi1>, vector<16xi32>
        %add3A_219 = arith.addi %add3A_197, %select_n3A_218 : vector<16xi32>
        %scan3A_220 = arith.constant 8 : i32
        %scan3A_221 = arith.addi %scan3A_49, %scan3A_220 : i32
        %mul3A_222 = arith.constant 16 : i32
        %mul3A_223 = arith.muli %scan3A_221, %mul3A_222 : i32
        %get3A_224 = arith.index_cast %mul3A_223 : i32 to index
        %get3A_225 = tpu.vector_load %arg4[%get3A_224] {strides = array<i32>} : memref<2048xf32, #tpu.memory_space<vmem>>, vector<16xf32>,
        %iota3A_226 = tpu.iota {dimensions = array<i32: 0>} : vector<16xi32>
        %mul3A_227 = arith.constant 16 : i32
        %mul3A_228 = arith.muli %scan3A_221, %mul3A_227 : i32
        %add3A_229 = vector.broadcast %mul3A_228 : i32 to vector<16xi32>
        %add3A_230 = arith.addi %iota3A_226, %add3A_229 : vector<16xi32>
        %eq3A_231 = vector.broadcast %bitcast_convert_type3A : f32 to vector<16xf32>
        %eq3A_232 = arith.cmpf oeq, %get3A_225, %eq3A_231 : vector<16xf32>
        %lt3A_233 = vector.broadcast %or3A : i32 to vector<16xi32>
        %lt3A_234 = arith.cmpi slt, %add3A_230, %lt3A_233 : vector<16xi32>
        %and3A_235 = arith.andi %eq3A_232, %lt3A_234 : vector<16xi1>
        %jit3A_236 = arith.constant 1 : i32
        %jit3A_237 = arith.constant 0 : i32
        %broadcast_in_dim3A_238 = vector.broadcast %jit3A_236 : i32 to vector<16xi32>
        %broadcast_in_dim3A_239 = vector.broadcast %jit3A_237 : i32 to vector<16xi32>
        %select_n3A_240 = arith.select %and3A_235, %broadcast_in_dim3A_238, %broadcast_in_dim3A_239 : vector<16xi1>, vector<16xi32>
        %add3A_241 = arith.addi %add3A_219, %select_n3A_240 : vector<16xi32>
        %scan3A_242 = arith.constant 9 : i32
        %scan3A_243 = arith.addi %scan3A_49, %scan3A_242 : i32
        %mul3A_244 = arith.constant 16 : i32
        %mul3A_245 = arith.muli %scan3A_243, %mul3A_244 : i32
        %get3A_246 = arith.index_cast %mul3A_245 : i32 to index
        %get3A_247 = tpu.vector_load %arg4[%get3A_246] {strides = array<i32>} : memref<2048xf32, #tpu.memory_space<vmem>>, vector<16xf32>,
        %iota3A_248 = tpu.iota {dimensions = array<i32: 0>} : vector<16xi32>
        %mul3A_249 = arith.constant 16 : i32
        %mul3A_250 = arith.muli %scan3A_243, %mul3A_249 : i32
        %add3A_251 = vector.broadcast %mul3A_250 : i32 to vector<16xi32>
        %add3A_252 = arith.addi %iota3A_248, %add3A_251 : vector<16xi32>
        %eq3A_253 = vector.broadcast %bitcast_convert_type3A : f32 to vector<16xf32>
        %eq3A_254 = arith.cmpf oeq, %get3A_247, %eq3A_253 : vector<16xf32>
        %lt3A_255 = vector.broadcast %or3A : i32 to vector<16xi32>
        %lt3A_256 = arith.cmpi slt, %add3A_252, %lt3A_255 : vector<16xi32>
        %and3A_257 = arith.andi %eq3A_254, %lt3A_256 : vector<16xi1>
        %jit3A_258 = arith.constant 1 : i32
        %jit3A_259 = arith.constant 0 : i32
        %broadcast_in_dim3A_260 = vector.broadcast %jit3A_258 : i32 to vector<16xi32>
        %broadcast_in_dim3A_261 = vector.broadcast %jit3A_259 : i32 to vector<16xi32>
        %select_n3A_262 = arith.select %and3A_257, %broadcast_in_dim3A_260, %broadcast_in_dim3A_261 : vector<16xi1>, vector<16xi32>
        %add3A_263 = arith.addi %add3A_241, %select_n3A_262 : vector<16xi32>
        %scan3A_264 = arith.constant 10 : i32
        %scan3A_265 = arith.addi %scan3A_49, %scan3A_264 : i32
        %mul3A_266 = arith.constant 16 : i32
        %mul3A_267 = arith.muli %scan3A_265, %mul3A_266 : i32
        %get3A_268 = arith.index_cast %mul3A_267 : i32 to index
        %get3A_269 = tpu.vector_load %arg4[%get3A_268] {strides = array<i32>} : memref<2048xf32, #tpu.memory_space<vmem>>, vector<16xf32>,
        %iota3A_270 = tpu.iota {dimensions = array<i32: 0>} : vector<16xi32>
        %mul3A_271 = arith.constant 16 : i32
        %mul3A_272 = arith.muli %scan3A_265, %mul3A_271 : i32
        %add3A_273 = vector.broadcast %mul3A_272 : i32 to vector<16xi32>
        %add3A_274 = arith.addi %iota3A_270, %add3A_273 : vector<16xi32>
        %eq3A_275 = vector.broadcast %bitcast_convert_type3A : f32 to vector<16xf32>
        %eq3A_276 = arith.cmpf oeq, %get3A_269, %eq3A_275 : vector<16xf32>
        %lt3A_277 = vector.broadcast %or3A : i32 to vector<16xi32>
        %lt3A_278 = arith.cmpi slt, %add3A_274, %lt3A_277 : vector<16xi32>
        %and3A_279 = arith.andi %eq3A_276, %lt3A_278 : vector<16xi1>
        %jit3A_280 = arith.constant 1 : i32
        %jit3A_281 = arith.constant 0 : i32
        %broadcast_in_dim3A_282 = vector.broadcast %jit3A_280 : i32 to vector<16xi32>
        %broadcast_in_dim3A_283 = vector.broadcast %jit3A_281 : i32 to vector<16xi32>
        %select_n3A_284 = arith.select %and3A_279, %broadcast_in_dim3A_282, %broadcast_in_dim3A_283 : vector<16xi1>, vector<16xi32>
        %add3A_285 = arith.addi %add3A_263, %select_n3A_284 : vector<16xi32>
        %scan3A_286 = arith.constant 11 : i32
        %scan3A_287 = arith.addi %scan3A_49, %scan3A_286 : i32
        %mul3A_288 = arith.constant 16 : i32
        %mul3A_289 = arith.muli %scan3A_287, %mul3A_288 : i32
        %get3A_290 = arith.index_cast %mul3A_289 : i32 to index
        %get3A_291 = tpu.vector_load %arg4[%get3A_290] {strides = array<i32>} : memref<2048xf32, #tpu.memory_space<vmem>>, vector<16xf32>,
        %iota3A_292 = tpu.iota {dimensions = array<i32: 0>} : vector<16xi32>
        %mul3A_293 = arith.constant 16 : i32
        %mul3A_294 = arith.muli %scan3A_287, %mul3A_293 : i32
        %add3A_295 = vector.broadcast %mul3A_294 : i32 to vector<16xi32>
        %add3A_296 = arith.addi %iota3A_292, %add3A_295 : vector<16xi32>
        %eq3A_297 = vector.broadcast %bitcast_convert_type3A : f32 to vector<16xf32>
        %eq3A_298 = arith.cmpf oeq, %get3A_291, %eq3A_297 : vector<16xf32>
        %lt3A_299 = vector.broadcast %or3A : i32 to vector<16xi32>
        %lt3A_300 = arith.cmpi slt, %add3A_296, %lt3A_299 : vector<16xi32>
        %and3A_301 = arith.andi %eq3A_298, %lt3A_300 : vector<16xi1>
        %jit3A_302 = arith.constant 1 : i32
        %jit3A_303 = arith.constant 0 : i32
        %broadcast_in_dim3A_304 = vector.broadcast %jit3A_302 : i32 to vector<16xi32>
        %broadcast_in_dim3A_305 = vector.broadcast %jit3A_303 : i32 to vector<16xi32>
        %select_n3A_306 = arith.select %and3A_301, %broadcast_in_dim3A_304, %broadcast_in_dim3A_305 : vector<16xi1>, vector<16xi32>
        %add3A_307 = arith.addi %add3A_285, %select_n3A_306 : vector<16xi32>
        %scan3A_308 = arith.constant 12 : i32
        %scan3A_309 = arith.addi %scan3A_49, %scan3A_308 : i32
        %mul3A_310 = arith.constant 16 : i32
        %mul3A_311 = arith.muli %scan3A_309, %mul3A_310 : i32
        %get3A_312 = arith.index_cast %mul3A_311 : i32 to index
        %get3A_313 = tpu.vector_load %arg4[%get3A_312] {strides = array<i32>} : memref<2048xf32, #tpu.memory_space<vmem>>, vector<16xf32>,
        %iota3A_314 = tpu.iota {dimensions = array<i32: 0>} : vector<16xi32>
        %mul3A_315 = arith.constant 16 : i32
        %mul3A_316 = arith.muli %scan3A_309, %mul3A_315 : i32
        %add3A_317 = vector.broadcast %mul3A_316 : i32 to vector<16xi32>
        %add3A_318 = arith.addi %iota3A_314, %add3A_317 : vector<16xi32>
        %eq3A_319 = vector.broadcast %bitcast_convert_type3A : f32 to vector<16xf32>
        %eq3A_320 = arith.cmpf oeq, %get3A_313, %eq3A_319 : vector<16xf32>
        %lt3A_321 = vector.broadcast %or3A : i32 to vector<16xi32>
        %lt3A_322 = arith.cmpi slt, %add3A_318, %lt3A_321 : vector<16xi32>
        %and3A_323 = arith.andi %eq3A_320, %lt3A_322 : vector<16xi1>
        %jit3A_324 = arith.constant 1 : i32
        %jit3A_325 = arith.constant 0 : i32
        %broadcast_in_dim3A_326 = vector.broadcast %jit3A_324 : i32 to vector<16xi32>
        %broadcast_in_dim3A_327 = vector.broadcast %jit3A_325 : i32 to vector<16xi32>
        %select_n3A_328 = arith.select %and3A_323, %broadcast_in_dim3A_326, %broadcast_in_dim3A_327 : vector<16xi1>, vector<16xi32>
        %add3A_329 = arith.addi %add3A_307, %select_n3A_328 : vector<16xi32>
        %scan3A_330 = arith.constant 13 : i32
        %scan3A_331 = arith.addi %scan3A_49, %scan3A_330 : i32
        %mul3A_332 = arith.constant 16 : i32
        %mul3A_333 = arith.muli %scan3A_331, %mul3A_332 : i32
        %get3A_334 = arith.index_cast %mul3A_333 : i32 to index
        %get3A_335 = tpu.vector_load %arg4[%get3A_334] {strides = array<i32>} : memref<2048xf32, #tpu.memory_space<vmem>>, vector<16xf32>,
        %iota3A_336 = tpu.iota {dimensions = array<i32: 0>} : vector<16xi32>
        %mul3A_337 = arith.constant 16 : i32
        %mul3A_338 = arith.muli %scan3A_331, %mul3A_337 : i32
        %add3A_339 = vector.broadcast %mul3A_338 : i32 to vector<16xi32>
        %add3A_340 = arith.addi %iota3A_336, %add3A_339 : vector<16xi32>
        %eq3A_341 = vector.broadcast %bitcast_convert_type3A : f32 to vector<16xf32>
        %eq3A_342 = arith.cmpf oeq, %get3A_335, %eq3A_341 : vector<16xf32>
        %lt3A_343 = vector.broadcast %or3A : i32 to vector<16xi32>
        %lt3A_344 = arith.cmpi slt, %add3A_340, %lt3A_343 : vector<16xi32>
        %and3A_345 = arith.andi %eq3A_342, %lt3A_344 : vector<16xi1>
        %jit3A_346 = arith.constant 1 : i32
        %jit3A_347 = arith.constant 0 : i32
        %broadcast_in_dim3A_348 = vector.broadcast %jit3A_346 : i32 to vector<16xi32>
        %broadcast_in_dim3A_349 = vector.broadcast %jit3A_347 : i32 to vector<16xi32>
        %select_n3A_350 = arith.select %and3A_345, %broadcast_in_dim3A_348, %broadcast_in_dim3A_349 : vector<16xi1>, vector<16xi32>
        %add3A_351 = arith.addi %add3A_329, %select_n3A_350 : vector<16xi32>
        %scan3A_352 = arith.constant 14 : i32
        %scan3A_353 = arith.addi %scan3A_49, %scan3A_352 : i32
        %mul3A_354 = arith.constant 16 : i32
        %mul3A_355 = arith.muli %scan3A_353, %mul3A_354 : i32
        %get3A_356 = arith.index_cast %mul3A_355 : i32 to index
        %get3A_357 = tpu.vector_load %arg4[%get3A_356] {strides = array<i32>} : memref<2048xf32, #tpu.memory_space<vmem>>, vector<16xf32>,
        %iota3A_358 = tpu.iota {dimensions = array<i32: 0>} : vector<16xi32>
        %mul3A_359 = arith.constant 16 : i32
        %mul3A_360 = arith.muli %scan3A_353, %mul3A_359 : i32
        %add3A_361 = vector.broadcast %mul3A_360 : i32 to vector<16xi32>
        %add3A_362 = arith.addi %iota3A_358, %add3A_361 : vector<16xi32>
        %eq3A_363 = vector.broadcast %bitcast_convert_type3A : f32 to vector<16xf32>
        %eq3A_364 = arith.cmpf oeq, %get3A_357, %eq3A_363 : vector<16xf32>
        %lt3A_365 = vector.broadcast %or3A : i32 to vector<16xi32>
        %lt3A_366 = arith.cmpi slt, %add3A_362, %lt3A_365 : vector<16xi32>
        %and3A_367 = arith.andi %eq3A_364, %lt3A_366 : vector<16xi1>
        %jit3A_368 = arith.constant 1 : i32
        %jit3A_369 = arith.constant 0 : i32
        %broadcast_in_dim3A_370 = vector.broadcast %jit3A_368 : i32 to vector<16xi32>
        %broadcast_in_dim3A_371 = vector.broadcast %jit3A_369 : i32 to vector<16xi32>
        %select_n3A_372 = arith.select %and3A_367, %broadcast_in_dim3A_370, %broadcast_in_dim3A_371 : vector<16xi1>, vector<16xi32>
        %add3A_373 = arith.addi %add3A_351, %select_n3A_372 : vector<16xi32>
        %scan3A_374 = arith.constant 15 : i32
        %scan3A_375 = arith.addi %scan3A_49, %scan3A_374 : i32
        %mul3A_376 = arith.constant 16 : i32
        %mul3A_377 = arith.muli %scan3A_375, %mul3A_376 : i32
        %get3A_378 = arith.index_cast %mul3A_377 : i32 to index
        %get3A_379 = tpu.vector_load %arg4[%get3A_378] {strides = array<i32>} : memref<2048xf32, #tpu.memory_space<vmem>>, vector<16xf32>,
        %iota3A_380 = tpu.iota {dimensions = array<i32: 0>} : vector<16xi32>
        %mul3A_381 = arith.constant 16 : i32
        %mul3A_382 = arith.muli %scan3A_375, %mul3A_381 : i32
        %add3A_383 = vector.broadcast %mul3A_382 : i32 to vector<16xi32>
        %add3A_384 = arith.addi %iota3A_380, %add3A_383 : vector<16xi32>
        %eq3A_385 = vector.broadcast %bitcast_convert_type3A : f32 to vector<16xf32>
        %eq3A_386 = arith.cmpf oeq, %get3A_379, %eq3A_385 : vector<16xf32>
        %lt3A_387 = vector.broadcast %or3A : i32 to vector<16xi32>
        %lt3A_388 = arith.cmpi slt, %add3A_384, %lt3A_387 : vector<16xi32>
        %and3A_389 = arith.andi %eq3A_386, %lt3A_388 : vector<16xi1>
        %jit3A_390 = arith.constant 1 : i32
        %jit3A_391 = arith.constant 0 : i32
        %broadcast_in_dim3A_392 = vector.broadcast %jit3A_390 : i32 to vector<16xi32>
        %broadcast_in_dim3A_393 = vector.broadcast %jit3A_391 : i32 to vector<16xi32>
        %select_n3A_394 = arith.select %and3A_389, %broadcast_in_dim3A_392, %broadcast_in_dim3A_393 : vector<16xi1>, vector<16xi32>
        %add3A_395 = arith.addi %add3A_373, %select_n3A_394 : vector<16xi32>
        scf.yield %add3A_395 : vector<16xi32>
      }
      %scan3A_44 = arith.constant 128 : i32
      %reduce_sum3A_45 = arith.constant true
      %reduce_sum3A_46 = vector.broadcast %reduce_sum3A_45 : i1 to vector<16xi1>
      %reduce_sum3A_47 = tpu.scan <sum>, %scan3A_43 masked %reduce_sum3A_46 : vector<16xi32>, vector<16xi1> -> vector<16xi32>
      %reduce_sum3A_48 = vector.extract %reduce_sum3A_47[15] : i32 from vector<16xi32>
      %lt3A = arith.cmpi slt, %reduce_sum3A_48, %sub3A_17 : i32
      %select_n3A = arith.select %lt3A, %or3A, %scan3A_33 : i32
      scf.yield %select_n3A : i32
    }
    %scan3A_24 = arith.constant 11 : i32
    %scan3A_25 = arith.constant 0 : i32
    %scan3A_26 = arith.constant 0 : i32
    %scan3A_27 = arith.constant 128 : i32
    %scan3A_28 = arith.addi %scan3A_26, %scan3A_27 : i32
    %scan3A_29 = arith.constant 16 : i32
    %scan3A_30 = scf.for %scan3A_32 = %scan3A_26 to %scan3A_28 step %scan3A_29 iter_args(%scan3A_33 = %scan3A_25) -> (i32)  : i32 {
      %mul3A_34 = arith.constant 16 : i32
      %mul3A_35 = arith.muli %scan3A_32, %mul3A_34 : i32
      %get3A = arith.index_cast %mul3A_35 : i32 to index
      %get3A_36 = tpu.vector_load %arg4[%get3A] {strides = array<i32>} : memref<2048xf32, #tpu.memory_space<vmem>>, vector<16xf32>,
      %iota3A = tpu.iota {dimensions = array<i32: 0>} : vector<16xi32>
      %mul3A_37 = arith.constant 16 : i32
      %mul3A_38 = arith.muli %scan3A_32, %mul3A_37 : i32
      %add3A_39 = vector.broadcast %mul3A_38 : i32 to vector<16xi32>
      %add3A_40 = arith.addi %iota3A, %add3A_39 : vector<16xi32>
      %gt3A = vector.broadcast %bitcast_convert_type3A : f32 to vector<16xf32>
      %gt3A_41 = arith.cmpf ogt, %get3A_36, %gt3A : vector<16xf32>
      %eq3A = vector.broadcast %bitcast_convert_type3A : f32 to vector<16xf32>
      %eq3A_42 = arith.cmpf oeq, %get3A_36, %eq3A : vector<16xf32>
      %le3A = vector.broadcast %scan3A_23 : i32 to vector<16xi32>
      %le3A_43 = arith.cmpi sle, %add3A_40, %le3A : vector<16xi32>
      %and3A = arith.andi %eq3A_42, %le3A_43 : vector<16xi1>
      %or3A = arith.ori %gt3A_41, %and3A : vector<16xi1>
      %jit3A = arith.constant 1 : i32
      %jit3A_44 = arith.constant 0 : i32
      %broadcast_in_dim3A_45 = vector.broadcast %jit3A : i32 to vector<16xi32>
      %broadcast_in_dim3A_46 = vector.broadcast %jit3A_44 : i32 to vector<16xi32>
      %select_n3A = arith.select %or3A, %broadcast_in_dim3A_45, %broadcast_in_dim3A_46 : vector<16xi1>, vector<16xi32>
      %cumsum3A = arith.constant true
      %cumsum3A_47 = vector.broadcast %cumsum3A : i1 to vector<16xi1>
      %cumsum3A_48 = tpu.scan <sum>, %select_n3A masked %cumsum3A_47 : vector<16xi32>, vector<16xi1> -> vector<16xi32>
      %add3A_49 = vector.broadcast %scan3A_33 : i32 to vector<16xi32>
      %add3A_50 = arith.addi %add3A_49, %cumsum3A_48 : vector<16xi32>
      %sub3A_51 = arith.subi %add3A_50, %select_n3A : vector<16xi32>
      %jit3A_52 = arith.constant 123 : i32
      %broadcast_in_dim3A_53 = vector.broadcast %jit3A_52 : i32 to vector<16xi32>
      %select_n3A_54 = arith.select %or3A, %sub3A_51, %broadcast_in_dim3A_53 : vector<16xi1>, vector<16xi32>
      %mul3A_55 = arith.constant 16 : i32
      %mul3A_56 = arith.muli %scan3A_32, %mul3A_55 : i32
      %swap3A = arith.index_cast %mul3A_56 : i32 to index
      %swap3A_57 = tpu.vector_load %arg5[%swap3A] {strides = array<i32>} : memref<2048xi32, #tpu.memory_space<vmem>>, vector<16xi32>,
      tpu.vector_store %arg5[%swap3A], %select_n3A_54 {strides = array<i32>} : memref<2048xi32, #tpu.memory_space<vmem>>, vector<16xi32>,
      %reduce_sum3A_58 = arith.constant true
      %reduce_sum3A_59 = vector.broadcast %reduce_sum3A_58 : i1 to vector<16xi1>
      %reduce_sum3A_60 = tpu.scan <sum>, %select_n3A masked %reduce_sum3A_59 : vector<16xi32>, vector<16xi1> -> vector<16xi32>
      %reduce_sum3A_61 = vector.extract %reduce_sum3A_60[15] : i32 from vector<16xi32>
      %add3A_62 = arith.addi %scan3A_33, %reduce_sum3A_61 : i32
      %scan3A_63 = arith.constant 1 : i32
      %scan3A_64 = arith.addi %scan3A_32, %scan3A_63 : i32
      %mul3A_65 = arith.constant 16 : i32
      %mul3A_66 = arith.muli %scan3A_64, %mul3A_65 : i32
      %get3A_67 = arith.index_cast %mul3A_66 : i32 to index
      %get3A_68 = tpu.vector_load %arg4[%get3A_67] {strides = array<i32>} : memref<2048xf32, #tpu.memory_space<vmem>>, vector<16xf32>,
      %iota3A_69 = tpu.iota {dimensions = array<i32: 0>} : vector<16xi32>
      %mul3A_70 = arith.constant 16 : i32
      %mul3A_71 = arith.muli %scan3A_64, %mul3A_70 : i32
      %add3A_72 = vector.broadcast %mul3A_71 : i32 to vector<16xi32>
      %add3A_73 = arith.addi %iota3A_69, %add3A_72 : vector<16xi32>
      %gt3A_74 = vector.broadcast %bitcast_convert_type3A : f32 to vector<16xf32>
      %gt3A_75 = arith.cmpf ogt, %get3A_68, %gt3A_74 : vector<16xf32>
      %eq3A_76 = vector.broadcast %bitcast_convert_type3A : f32 to vector<16xf32>
      %eq3A_77 = arith.cmpf oeq, %get3A_68, %eq3A_76 : vector<16xf32>
      %le3A_78 = vector.broadcast %scan3A_23 : i32 to vector<16xi32>
      %le3A_79 = arith.cmpi sle, %add3A_73, %le3A_78 : vector<16xi32>
      %and3A_80 = arith.andi %eq3A_77, %le3A_79 : vector<16xi1>
      %or3A_81 = arith.ori %gt3A_75, %and3A_80 : vector<16xi1>
      %jit3A_82 = arith.constant 1 : i32
      %jit3A_83 = arith.constant 0 : i32
      %broadcast_in_dim3A_84 = vector.broadcast %jit3A_82 : i32 to vector<16xi32>
      %broadcast_in_dim3A_85 = vector.broadcast %jit3A_83 : i32 to vector<16xi32>
      %select_n3A_86 = arith.select %or3A_81, %broadcast_in_dim3A_84, %broadcast_in_dim3A_85 : vector<16xi1>, vector<16xi32>
      %cumsum3A_87 = arith.constant true
      %cumsum3A_88 = vector.broadcast %cumsum3A_87 : i1 to vector<16xi1>
      %cumsum3A_89 = tpu.scan <sum>, %select_n3A_86 masked %cumsum3A_88 : vector<16xi32>, vector<16xi1> -> vector<16xi32>
      %add3A_90 = vector.broadcast %add3A_62 : i32 to vector<16xi32>
      %add3A_91 = arith.addi %add3A_90, %cumsum3A_89 : vector<16xi32>
      %sub3A_92 = arith.subi %add3A_91, %select_n3A_86 : vector<16xi32>
      %jit3A_93 = arith.constant 123 : i32
      %broadcast_in_dim3A_94 = vector.broadcast %jit3A_93 : i32 to vector<16xi32>
      %select_n3A_95 = arith.select %or3A_81, %sub3A_92, %broadcast_in_dim3A_94 : vector<16xi1>, vector<16xi32>
      %mul3A_96 = arith.constant 16 : i32
      %mul3A_97 = arith.muli %scan3A_64, %mul3A_96 : i32
      %swap3A_98 = arith.index_cast %mul3A_97 : i32 to index
      %swap3A_99 = tpu.vector_load %arg5[%swap3A_98] {strides = array<i32>} : memref<2048xi32, #tpu.memory_space<vmem>>, vector<16xi32>,
      tpu.vector_store %arg5[%swap3A_98], %select_n3A_95 {strides = array<i32>} : memref<2048xi32, #tpu.memory_space<vmem>>, vector<16xi32>,
      %reduce_sum3A_100 = arith.constant true
      %reduce_sum3A_101 = vector.broadcast %reduce_sum3A_100 : i1 to vector<16xi1>
      %reduce_sum3A_102 = tpu.scan <sum>, %select_n3A_86 masked %reduce_sum3A_101 : vector<16xi32>, vector<16xi1> -> vector<16xi32>
      %reduce_sum3A_103 = vector.extract %reduce_sum3A_102[15] : i32 from vector<16xi32>
      %add3A_104 = arith.addi %add3A_62, %reduce_sum3A_103 : i32
      %scan3A_105 = arith.constant 2 : i32
      %scan3A_106 = arith.addi %scan3A_32, %scan3A_105 : i32
      %mul3A_107 = arith.constant 16 : i32
      %mul3A_108 = arith.muli %scan3A_106, %mul3A_107 : i32
      %get3A_109 = arith.index_cast %mul3A_108 : i32 to index
      %get3A_110 = tpu.vector_load %arg4[%get3A_109] {strides = array<i32>} : memref<2048xf32, #tpu.memory_space<vmem>>, vector<16xf32>,
      %iota3A_111 = tpu.iota {dimensions = array<i32: 0>} : vector<16xi32>
      %mul3A_112 = arith.constant 16 : i32
      %mul3A_113 = arith.muli %scan3A_106, %mul3A_112 : i32
      %add3A_114 = vector.broadcast %mul3A_113 : i32 to vector<16xi32>
      %add3A_115 = arith.addi %iota3A_111, %add3A_114 : vector<16xi32>
      %gt3A_116 = vector.broadcast %bitcast_convert_type3A : f32 to vector<16xf32>
      %gt3A_117 = arith.cmpf ogt, %get3A_110, %gt3A_116 : vector<16xf32>
      %eq3A_118 = vector.broadcast %bitcast_convert_type3A : f32 to vector<16xf32>
      %eq3A_119 = arith.cmpf oeq, %get3A_110, %eq3A_118 : vector<16xf32>
      %le3A_120 = vector.broadcast %scan3A_23 : i32 to vector<16xi32>
      %le3A_121 = arith.cmpi sle, %add3A_115, %le3A_120 : vector<16xi32>
      %and3A_122 = arith.andi %eq3A_119, %le3A_121 : vector<16xi1>
      %or3A_123 = arith.ori %gt3A_117, %and3A_122 : vector<16xi1>
      %jit3A_124 = arith.constant 1 : i32
      %jit3A_125 = arith.constant 0 : i32
      %broadcast_in_dim3A_126 = vector.broadcast %jit3A_124 : i32 to vector<16xi32>
      %broadcast_in_dim3A_127 = vector.broadcast %jit3A_125 : i32 to vector<16xi32>
      %select_n3A_128 = arith.select %or3A_123, %broadcast_in_dim3A_126, %broadcast_in_dim3A_127 : vector<16xi1>, vector<16xi32>
      %cumsum3A_129 = arith.constant true
      %cumsum3A_130 = vector.broadcast %cumsum3A_129 : i1 to vector<16xi1>
      %cumsum3A_131 = tpu.scan <sum>, %select_n3A_128 masked %cumsum3A_130 : vector<16xi32>, vector<16xi1> -> vector<16xi32>
      %add3A_132 = vector.broadcast %add3A_104 : i32 to vector<16xi32>
      %add3A_133 = arith.addi %add3A_132, %cumsum3A_131 : vector<16xi32>
      %sub3A_134 = arith.subi %add3A_133, %select_n3A_128 : vector<16xi32>
      %jit3A_135 = arith.constant 123 : i32
      %broadcast_in_dim3A_136 = vector.broadcast %jit3A_135 : i32 to vector<16xi32>
      %select_n3A_137 = arith.select %or3A_123, %sub3A_134, %broadcast_in_dim3A_136 : vector<16xi1>, vector<16xi32>
      %mul3A_138 = arith.constant 16 : i32
      %mul3A_139 = arith.muli %scan3A_106, %mul3A_138 : i32
      %swap3A_140 = arith.index_cast %mul3A_139 : i32 to index
      %swap3A_141 = tpu.vector_load %arg5[%swap3A_140] {strides = array<i32>} : memref<2048xi32, #tpu.memory_space<vmem>>, vector<16xi32>,
      tpu.vector_store %arg5[%swap3A_140], %select_n3A_137 {strides = array<i32>} : memref<2048xi32, #tpu.memory_space<vmem>>, vector<16xi32>,
      %reduce_sum3A_142 = arith.constant true
      %reduce_sum3A_143 = vector.broadcast %reduce_sum3A_142 : i1 to vector<16xi1>
      %reduce_sum3A_144 = tpu.scan <sum>, %select_n3A_128 masked %reduce_sum3A_143 : vector<16xi32>, vector<16xi1> -> vector<16xi32>
      %reduce_sum3A_145 = vector.extract %reduce_sum3A_144[15] : i32 from vector<16xi32>
      %add3A_146 = arith.addi %add3A_104, %reduce_sum3A_145 : i32
      %scan3A_147 = arith.constant 3 : i32
      %scan3A_148 = arith.addi %scan3A_32, %scan3A_147 : i32
      %mul3A_149 = arith.constant 16 : i32
      %mul3A_150 = arith.muli %scan3A_148, %mul3A_149 : i32
      %get3A_151 = arith.index_cast %mul3A_150 : i32 to index
      %get3A_152 = tpu.vector_load %arg4[%get3A_151] {strides = array<i32>} : memref<2048xf32, #tpu.memory_space<vmem>>, vector<16xf32>,
      %iota3A_153 = tpu.iota {dimensions = array<i32: 0>} : vector<16xi32>
      %mul3A_154 = arith.constant 16 : i32
      %mul3A_155 = arith.muli %scan3A_148, %mul3A_154 : i32
      %add3A_156 = vector.broadcast %mul3A_155 : i32 to vector<16xi32>
      %add3A_157 = arith.addi %iota3A_153, %add3A_156 : vector<16xi32>
      %gt3A_158 = vector.broadcast %bitcast_convert_type3A : f32 to vector<16xf32>
      %gt3A_159 = arith.cmpf ogt, %get3A_152, %gt3A_158 : vector<16xf32>
      %eq3A_160 = vector.broadcast %bitcast_convert_type3A : f32 to vector<16xf32>
      %eq3A_161 = arith.cmpf oeq, %get3A_152, %eq3A_160 : vector<16xf32>
      %le3A_162 = vector.broadcast %scan3A_23 : i32 to vector<16xi32>
      %le3A_163 = arith.cmpi sle, %add3A_157, %le3A_162 : vector<16xi32>
      %and3A_164 = arith.andi %eq3A_161, %le3A_163 : vector<16xi1>
      %or3A_165 = arith.ori %gt3A_159, %and3A_164 : vector<16xi1>
      %jit3A_166 = arith.constant 1 : i32
      %jit3A_167 = arith.constant 0 : i32
      %broadcast_in_dim3A_168 = vector.broadcast %jit3A_166 : i32 to vector<16xi32>
      %broadcast_in_dim3A_169 = vector.broadcast %jit3A_167 : i32 to vector<16xi32>
      %select_n3A_170 = arith.select %or3A_165, %broadcast_in_dim3A_168, %broadcast_in_dim3A_169 : vector<16xi1>, vector<16xi32>
      %cumsum3A_171 = arith.constant true
      %cumsum3A_172 = vector.broadcast %cumsum3A_171 : i1 to vector<16xi1>
      %cumsum3A_173 = tpu.scan <sum>, %select_n3A_170 masked %cumsum3A_172 : vector<16xi32>, vector<16xi1> -> vector<16xi32>
      %add3A_174 = vector.broadcast %add3A_146 : i32 to vector<16xi32>
      %add3A_175 = arith.addi %add3A_174, %cumsum3A_173 : vector<16xi32>
      %sub3A_176 = arith.subi %add3A_175, %select_n3A_170 : vector<16xi32>
      %jit3A_177 = arith.constant 123 : i32
      %broadcast_in_dim3A_178 = vector.broadcast %jit3A_177 : i32 to vector<16xi32>
      %select_n3A_179 = arith.select %or3A_165, %sub3A_176, %broadcast_in_dim3A_178 : vector<16xi1>, vector<16xi32>
      %mul3A_180 = arith.constant 16 : i32
      %mul3A_181 = arith.muli %scan3A_148, %mul3A_180 : i32
      %swap3A_182 = arith.index_cast %mul3A_181 : i32 to index
      %swap3A_183 = tpu.vector_load %arg5[%swap3A_182] {strides = array<i32>} : memref<2048xi32, #tpu.memory_space<vmem>>, vector<16xi32>,
      tpu.vector_store %arg5[%swap3A_182], %select_n3A_179 {strides = array<i32>} : memref<2048xi32, #tpu.memory_space<vmem>>, vector<16xi32>,
      %reduce_sum3A_184 = arith.constant true
      %reduce_sum3A_185 = vector.broadcast %reduce_sum3A_184 : i1 to vector<16xi1>
      %reduce_sum3A_186 = tpu.scan <sum>, %select_n3A_170 masked %reduce_sum3A_185 : vector<16xi32>, vector<16xi1> -> vector<16xi32>
      %reduce_sum3A_187 = vector.extract %reduce_sum3A_186[15] : i32 from vector<16xi32>
      %add3A_188 = arith.addi %add3A_146, %reduce_sum3A_187 : i32
      %scan3A_189 = arith.constant 4 : i32
      %scan3A_190 = arith.addi %scan3A_32, %scan3A_189 : i32
      %mul3A_191 = arith.constant 16 : i32
      %mul3A_192 = arith.muli %scan3A_190, %mul3A_191 : i32
      %get3A_193 = arith.index_cast %mul3A_192 : i32 to index
      %get3A_194 = tpu.vector_load %arg4[%get3A_193] {strides = array<i32>} : memref<2048xf32, #tpu.memory_space<vmem>>, vector<16xf32>,
      %iota3A_195 = tpu.iota {dimensions = array<i32: 0>} : vector<16xi32>
      %mul3A_196 = arith.constant 16 : i32
      %mul3A_197 = arith.muli %scan3A_190, %mul3A_196 : i32
      %add3A_198 = vector.broadcast %mul3A_197 : i32 to vector<16xi32>
      %add3A_199 = arith.addi %iota3A_195, %add3A_198 : vector<16xi32>
      %gt3A_200 = vector.broadcast %bitcast_convert_type3A : f32 to vector<16xf32>
      %gt3A_201 = arith.cmpf ogt, %get3A_194, %gt3A_200 : vector<16xf32>
      %eq3A_202 = vector.broadcast %bitcast_convert_type3A : f32 to vector<16xf32>
      %eq3A_203 = arith.cmpf oeq, %get3A_194, %eq3A_202 : vector<16xf32>
      %le3A_204 = vector.broadcast %scan3A_23 : i32 to vector<16xi32>
      %le3A_205 = arith.cmpi sle, %add3A_199, %le3A_204 : vector<16xi32>
      %and3A_206 = arith.andi %eq3A_203, %le3A_205 : vector<16xi1>
      %or3A_207 = arith.ori %gt3A_201, %and3A_206 : vector<16xi1>
      %jit3A_208 = arith.constant 1 : i32
      %jit3A_209 = arith.constant 0 : i32
      %broadcast_in_dim3A_210 = vector.broadcast %jit3A_208 : i32 to vector<16xi32>
      %broadcast_in_dim3A_211 = vector.broadcast %jit3A_209 : i32 to vector<16xi32>
      %select_n3A_212 = arith.select %or3A_207, %broadcast_in_dim3A_210, %broadcast_in_dim3A_211 : vector<16xi1>, vector<16xi32>
      %cumsum3A_213 = arith.constant true
      %cumsum3A_214 = vector.broadcast %cumsum3A_213 : i1 to vector<16xi1>
      %cumsum3A_215 = tpu.scan <sum>, %select_n3A_212 masked %cumsum3A_214 : vector<16xi32>, vector<16xi1> -> vector<16xi32>
      %add3A_216 = vector.broadcast %add3A_188 : i32 to vector<16xi32>
      %add3A_217 = arith.addi %add3A_216, %cumsum3A_215 : vector<16xi32>
      %sub3A_218 = arith.subi %add3A_217, %select_n3A_212 : vector<16xi32>
      %jit3A_219 = arith.constant 123 : i32
      %broadcast_in_dim3A_220 = vector.broadcast %jit3A_219 : i32 to vector<16xi32>
      %select_n3A_221 = arith.select %or3A_207, %sub3A_218, %broadcast_in_dim3A_220 : vector<16xi1>, vector<16xi32>
      %mul3A_222 = arith.constant 16 : i32
      %mul3A_223 = arith.muli %scan3A_190, %mul3A_222 : i32
      %swap3A_224 = arith.index_cast %mul3A_223 : i32 to index
      %swap3A_225 = tpu.vector_load %arg5[%swap3A_224] {strides = array<i32>} : memref<2048xi32, #tpu.memory_space<vmem>>, vector<16xi32>,
      tpu.vector_store %arg5[%swap3A_224], %select_n3A_221 {strides = array<i32>} : memref<2048xi32, #tpu.memory_space<vmem>>, vector<16xi32>,
      %reduce_sum3A_226 = arith.constant true
      %reduce_sum3A_227 = vector.broadcast %reduce_sum3A_226 : i1 to vector<16xi1>
      %reduce_sum3A_228 = tpu.scan <sum>, %select_n3A_212 masked %reduce_sum3A_227 : vector<16xi32>, vector<16xi1> -> vector<16xi32>
      %reduce_sum3A_229 = vector.extract %reduce_sum3A_228[15] : i32 from vector<16xi32>
      %add3A_230 = arith.addi %add3A_188, %reduce_sum3A_229 : i32
      %scan3A_231 = arith.constant 5 : i32
      %scan3A_232 = arith.addi %scan3A_32, %scan3A_231 : i32
      %mul3A_233 = arith.constant 16 : i32
      %mul3A_234 = arith.muli %scan3A_232, %mul3A_233 : i32
      %get3A_235 = arith.index_cast %mul3A_234 : i32 to index
      %get3A_236 = tpu.vector_load %arg4[%get3A_235] {strides = array<i32>} : memref<2048xf32, #tpu.memory_space<vmem>>, vector<16xf32>,
      %iota3A_237 = tpu.iota {dimensions = array<i32: 0>} : vector<16xi32>
      %mul3A_238 = arith.constant 16 : i32
      %mul3A_239 = arith.muli %scan3A_232, %mul3A_238 : i32
      %add3A_240 = vector.broadcast %mul3A_239 : i32 to vector<16xi32>
      %add3A_241 = arith.addi %iota3A_237, %add3A_240 : vector<16xi32>
      %gt3A_242 = vector.broadcast %bitcast_convert_type3A : f32 to vector<16xf32>
      %gt3A_243 = arith.cmpf ogt, %get3A_236, %gt3A_242 : vector<16xf32>
      %eq3A_244 = vector.broadcast %bitcast_convert_type3A : f32 to vector<16xf32>
      %eq3A_245 = arith.cmpf oeq, %get3A_236, %eq3A_244 : vector<16xf32>
      %le3A_246 = vector.broadcast %scan3A_23 : i32 to vector<16xi32>
      %le3A_247 = arith.cmpi sle, %add3A_241, %le3A_246 : vector<16xi32>
      %and3A_248 = arith.andi %eq3A_245, %le3A_247 : vector<16xi1>
      %or3A_249 = arith.ori %gt3A_243, %and3A_248 : vector<16xi1>
      %jit3A_250 = arith.constant 1 : i32
      %jit3A_251 = arith.constant 0 : i32
      %broadcast_in_dim3A_252 = vector.broadcast %jit3A_250 : i32 to vector<16xi32>
      %broadcast_in_dim3A_253 = vector.broadcast %jit3A_251 : i32 to vector<16xi32>
      %select_n3A_254 = arith.select %or3A_249, %broadcast_in_dim3A_252, %broadcast_in_dim3A_253 : vector<16xi1>, vector<16xi32>
      %cumsum3A_255 = arith.constant true
      %cumsum3A_256 = vector.broadcast %cumsum3A_255 : i1 to vector<16xi1>
      %cumsum3A_257 = tpu.scan <sum>, %select_n3A_254 masked %cumsum3A_256 : vector<16xi32>, vector<16xi1> -> vector<16xi32>
      %add3A_258 = vector.broadcast %add3A_230 : i32 to vector<16xi32>
      %add3A_259 = arith.addi %add3A_258, %cumsum3A_257 : vector<16xi32>
      %sub3A_260 = arith.subi %add3A_259, %select_n3A_254 : vector<16xi32>
      %jit3A_261 = arith.constant 123 : i32
      %broadcast_in_dim3A_262 = vector.broadcast %jit3A_261 : i32 to vector<16xi32>
      %select_n3A_263 = arith.select %or3A_249, %sub3A_260, %broadcast_in_dim3A_262 : vector<16xi1>, vector<16xi32>
      %mul3A_264 = arith.constant 16 : i32
      %mul3A_265 = arith.muli %scan3A_232, %mul3A_264 : i32
      %swap3A_266 = arith.index_cast %mul3A_265 : i32 to index
      %swap3A_267 = tpu.vector_load %arg5[%swap3A_266] {strides = array<i32>} : memref<2048xi32, #tpu.memory_space<vmem>>, vector<16xi32>,
      tpu.vector_store %arg5[%swap3A_266], %select_n3A_263 {strides = array<i32>} : memref<2048xi32, #tpu.memory_space<vmem>>, vector<16xi32>,
      %reduce_sum3A_268 = arith.constant true
      %reduce_sum3A_269 = vector.broadcast %reduce_sum3A_268 : i1 to vector<16xi1>
      %reduce_sum3A_270 = tpu.scan <sum>, %select_n3A_254 masked %reduce_sum3A_269 : vector<16xi32>, vector<16xi1> -> vector<16xi32>
      %reduce_sum3A_271 = vector.extract %reduce_sum3A_270[15] : i32 from vector<16xi32>
      %add3A_272 = arith.addi %add3A_230, %reduce_sum3A_271 : i32
      %scan3A_273 = arith.constant 6 : i32
      %scan3A_274 = arith.addi %scan3A_32, %scan3A_273 : i32
      %mul3A_275 = arith.constant 16 : i32
      %mul3A_276 = arith.muli %scan3A_274, %mul3A_275 : i32
      %get3A_277 = arith.index_cast %mul3A_276 : i32 to index
      %get3A_278 = tpu.vector_load %arg4[%get3A_277] {strides = array<i32>} : memref<2048xf32, #tpu.memory_space<vmem>>, vector<16xf32>,
      %iota3A_279 = tpu.iota {dimensions = array<i32: 0>} : vector<16xi32>
      %mul3A_280 = arith.constant 16 : i32
      %mul3A_281 = arith.muli %scan3A_274, %mul3A_280 : i32
      %add3A_282 = vector.broadcast %mul3A_281 : i32 to vector<16xi32>
      %add3A_283 = arith.addi %iota3A_279, %add3A_282 : vector<16xi32>
      %gt3A_284 = vector.broadcast %bitcast_convert_type3A : f32 to vector<16xf32>
      %gt3A_285 = arith.cmpf ogt, %get3A_278, %gt3A_284 : vector<16xf32>
      %eq3A_286 = vector.broadcast %bitcast_convert_type3A : f32 to vector<16xf32>
      %eq3A_287 = arith.cmpf oeq, %get3A_278, %eq3A_286 : vector<16xf32>
      %le3A_288 = vector.broadcast %scan3A_23 : i32 to vector<16xi32>
      %le3A_289 = arith.cmpi sle, %add3A_283, %le3A_288 : vector<16xi32>
      %and3A_290 = arith.andi %eq3A_287, %le3A_289 : vector<16xi1>
      %or3A_291 = arith.ori %gt3A_285, %and3A_290 : vector<16xi1>
      %jit3A_292 = arith.constant 1 : i32
      %jit3A_293 = arith.constant 0 : i32
      %broadcast_in_dim3A_294 = vector.broadcast %jit3A_292 : i32 to vector<16xi32>
      %broadcast_in_dim3A_295 = vector.broadcast %jit3A_293 : i32 to vector<16xi32>
      %select_n3A_296 = arith.select %or3A_291, %broadcast_in_dim3A_294, %broadcast_in_dim3A_295 : vector<16xi1>, vector<16xi32>
      %cumsum3A_297 = arith.constant true
      %cumsum3A_298 = vector.broadcast %cumsum3A_297 : i1 to vector<16xi1>
      %cumsum3A_299 = tpu.scan <sum>, %select_n3A_296 masked %cumsum3A_298 : vector<16xi32>, vector<16xi1> -> vector<16xi32>
      %add3A_300 = vector.broadcast %add3A_272 : i32 to vector<16xi32>
      %add3A_301 = arith.addi %add3A_300, %cumsum3A_299 : vector<16xi32>
      %sub3A_302 = arith.subi %add3A_301, %select_n3A_296 : vector<16xi32>
      %jit3A_303 = arith.constant 123 : i32
      %broadcast_in_dim3A_304 = vector.broadcast %jit3A_303 : i32 to vector<16xi32>
      %select_n3A_305 = arith.select %or3A_291, %sub3A_302, %broadcast_in_dim3A_304 : vector<16xi1>, vector<16xi32>
      %mul3A_306 = arith.constant 16 : i32
      %mul3A_307 = arith.muli %scan3A_274, %mul3A_306 : i32
      %swap3A_308 = arith.index_cast %mul3A_307 : i32 to index
      %swap3A_309 = tpu.vector_load %arg5[%swap3A_308] {strides = array<i32>} : memref<2048xi32, #tpu.memory_space<vmem>>, vector<16xi32>,
      tpu.vector_store %arg5[%swap3A_308], %select_n3A_305 {strides = array<i32>} : memref<2048xi32, #tpu.memory_space<vmem>>, vector<16xi32>,
      %reduce_sum3A_310 = arith.constant true
      %reduce_sum3A_311 = vector.broadcast %reduce_sum3A_310 : i1 to vector<16xi1>
      %reduce_sum3A_312 = tpu.scan <sum>, %select_n3A_296 masked %reduce_sum3A_311 : vector<16xi32>, vector<16xi1> -> vector<16xi32>
      %reduce_sum3A_313 = vector.extract %reduce_sum3A_312[15] : i32 from vector<16xi32>
      %add3A_314 = arith.addi %add3A_272, %reduce_sum3A_313 : i32
      %scan3A_315 = arith.constant 7 : i32
      %scan3A_316 = arith.addi %scan3A_32, %scan3A_315 : i32
      %mul3A_317 = arith.constant 16 : i32
      %mul3A_318 = arith.muli %scan3A_316, %mul3A_317 : i32
      %get3A_319 = arith.index_cast %mul3A_318 : i32 to index
      %get3A_320 = tpu.vector_load %arg4[%get3A_319] {strides = array<i32>} : memref<2048xf32, #tpu.memory_space<vmem>>, vector<16xf32>,
      %iota3A_321 = tpu.iota {dimensions = array<i32: 0>} : vector<16xi32>
      %mul3A_322 = arith.constant 16 : i32
      %mul3A_323 = arith.muli %scan3A_316, %mul3A_322 : i32
      %add3A_324 = vector.broadcast %mul3A_323 : i32 to vector<16xi32>
      %add3A_325 = arith.addi %iota3A_321, %add3A_324 : vector<16xi32>
      %gt3A_326 = vector.broadcast %bitcast_convert_type3A : f32 to vector<16xf32>
      %gt3A_327 = arith.cmpf ogt, %get3A_320, %gt3A_326 : vector<16xf32>
      %eq3A_328 = vector.broadcast %bitcast_convert_type3A : f32 to vector<16xf32>
      %eq3A_329 = arith.cmpf oeq, %get3A_320, %eq3A_328 : vector<16xf32>
      %le3A_330 = vector.broadcast %scan3A_23 : i32 to vector<16xi32>
      %le3A_331 = arith.cmpi sle, %add3A_325, %le3A_330 : vector<16xi32>
      %and3A_332 = arith.andi %eq3A_329, %le3A_331 : vector<16xi1>
      %or3A_333 = arith.ori %gt3A_327, %and3A_332 : vector<16xi1>
      %jit3A_334 = arith.constant 1 : i32
      %jit3A_335 = arith.constant 0 : i32
      %broadcast_in_dim3A_336 = vector.broadcast %jit3A_334 : i32 to vector<16xi32>
      %broadcast_in_dim3A_337 = vector.broadcast %jit3A_335 : i32 to vector<16xi32>
      %select_n3A_338 = arith.select %or3A_333, %broadcast_in_dim3A_336, %broadcast_in_dim3A_337 : vector<16xi1>, vector<16xi32>
      %cumsum3A_339 = arith.constant true
      %cumsum3A_340 = vector.broadcast %cumsum3A_339 : i1 to vector<16xi1>
      %cumsum3A_341 = tpu.scan <sum>, %select_n3A_338 masked %cumsum3A_340 : vector<16xi32>, vector<16xi1> -> vector<16xi32>
      %add3A_342 = vector.broadcast %add3A_314 : i32 to vector<16xi32>
      %add3A_343 = arith.addi %add3A_342, %cumsum3A_341 : vector<16xi32>
      %sub3A_344 = arith.subi %add3A_343, %select_n3A_338 : vector<16xi32>
      %jit3A_345 = arith.constant 123 : i32
      %broadcast_in_dim3A_346 = vector.broadcast %jit3A_345 : i32 to vector<16xi32>
      %select_n3A_347 = arith.select %or3A_333, %sub3A_344, %broadcast_in_dim3A_346 : vector<16xi1>, vector<16xi32>
      %mul3A_348 = arith.constant 16 : i32
      %mul3A_349 = arith.muli %scan3A_316, %mul3A_348 : i32
      %swap3A_350 = arith.index_cast %mul3A_349 : i32 to index
      %swap3A_351 = tpu.vector_load %arg5[%swap3A_350] {strides = array<i32>} : memref<2048xi32, #tpu.memory_space<vmem>>, vector<16xi32>,
      tpu.vector_store %arg5[%swap3A_350], %select_n3A_347 {strides = array<i32>} : memref<2048xi32, #tpu.memory_space<vmem>>, vector<16xi32>,
      %reduce_sum3A_352 = arith.constant true
      %reduce_sum3A_353 = vector.broadcast %reduce_sum3A_352 : i1 to vector<16xi1>
      %reduce_sum3A_354 = tpu.scan <sum>, %select_n3A_338 masked %reduce_sum3A_353 : vector<16xi32>, vector<16xi1> -> vector<16xi32>
      %reduce_sum3A_355 = vector.extract %reduce_sum3A_354[15] : i32 from vector<16xi32>
      %add3A_356 = arith.addi %add3A_314, %reduce_sum3A_355 : i32
      %scan3A_357 = arith.constant 8 : i32
      %scan3A_358 = arith.addi %scan3A_32, %scan3A_357 : i32
      %mul3A_359 = arith.constant 16 : i32
      %mul3A_360 = arith.muli %scan3A_358, %mul3A_359 : i32
      %get3A_361 = arith.index_cast %mul3A_360 : i32 to index
      %get3A_362 = tpu.vector_load %arg4[%get3A_361] {strides = array<i32>} : memref<2048xf32, #tpu.memory_space<vmem>>, vector<16xf32>,
      %iota3A_363 = tpu.iota {dimensions = array<i32: 0>} : vector<16xi32>
      %mul3A_364 = arith.constant 16 : i32
      %mul3A_365 = arith.muli %scan3A_358, %mul3A_364 : i32
      %add3A_366 = vector.broadcast %mul3A_365 : i32 to vector<16xi32>
      %add3A_367 = arith.addi %iota3A_363, %add3A_366 : vector<16xi32>
      %gt3A_368 = vector.broadcast %bitcast_convert_type3A : f32 to vector<16xf32>
      %gt3A_369 = arith.cmpf ogt, %get3A_362, %gt3A_368 : vector<16xf32>
      %eq3A_370 = vector.broadcast %bitcast_convert_type3A : f32 to vector<16xf32>
      %eq3A_371 = arith.cmpf oeq, %get3A_362, %eq3A_370 : vector<16xf32>
      %le3A_372 = vector.broadcast %scan3A_23 : i32 to vector<16xi32>
      %le3A_373 = arith.cmpi sle, %add3A_367, %le3A_372 : vector<16xi32>
      %and3A_374 = arith.andi %eq3A_371, %le3A_373 : vector<16xi1>
      %or3A_375 = arith.ori %gt3A_369, %and3A_374 : vector<16xi1>
      %jit3A_376 = arith.constant 1 : i32
      %jit3A_377 = arith.constant 0 : i32
      %broadcast_in_dim3A_378 = vector.broadcast %jit3A_376 : i32 to vector<16xi32>
      %broadcast_in_dim3A_379 = vector.broadcast %jit3A_377 : i32 to vector<16xi32>
      %select_n3A_380 = arith.select %or3A_375, %broadcast_in_dim3A_378, %broadcast_in_dim3A_379 : vector<16xi1>, vector<16xi32>
      %cumsum3A_381 = arith.constant true
      %cumsum3A_382 = vector.broadcast %cumsum3A_381 : i1 to vector<16xi1>
      %cumsum3A_383 = tpu.scan <sum>, %select_n3A_380 masked %cumsum3A_382 : vector<16xi32>, vector<16xi1> -> vector<16xi32>
      %add3A_384 = vector.broadcast %add3A_356 : i32 to vector<16xi32>
      %add3A_385 = arith.addi %add3A_384, %cumsum3A_383 : vector<16xi32>
      %sub3A_386 = arith.subi %add3A_385, %select_n3A_380 : vector<16xi32>
      %jit3A_387 = arith.constant 123 : i32
      %broadcast_in_dim3A_388 = vector.broadcast %jit3A_387 : i32 to vector<16xi32>
      %select_n3A_389 = arith.select %or3A_375, %sub3A_386, %broadcast_in_dim3A_388 : vector<16xi1>, vector<16xi32>
      %mul3A_390 = arith.constant 16 : i32
      %mul3A_391 = arith.muli %scan3A_358, %mul3A_390 : i32
      %swap3A_392 = arith.index_cast %mul3A_391 : i32 to index
      %swap3A_393 = tpu.vector_load %arg5[%swap3A_392] {strides = array<i32>} : memref<2048xi32, #tpu.memory_space<vmem>>, vector<16xi32>,
      tpu.vector_store %arg5[%swap3A_392], %select_n3A_389 {strides = array<i32>} : memref<2048xi32, #tpu.memory_space<vmem>>, vector<16xi32>,
      %reduce_sum3A_394 = arith.constant true
      %reduce_sum3A_395 = vector.broadcast %reduce_sum3A_394 : i1 to vector<16xi1>
      %reduce_sum3A_396 = tpu.scan <sum>, %select_n3A_380 masked %reduce_sum3A_395 : vector<16xi32>, vector<16xi1> -> vector<16xi32>
      %reduce_sum3A_397 = vector.extract %reduce_sum3A_396[15] : i32 from vector<16xi32>
      %add3A_398 = arith.addi %add3A_356, %reduce_sum3A_397 : i32
      %scan3A_399 = arith.constant 9 : i32
      %scan3A_400 = arith.addi %scan3A_32, %scan3A_399 : i32
      %mul3A_401 = arith.constant 16 : i32
      %mul3A_402 = arith.muli %scan3A_400, %mul3A_401 : i32
      %get3A_403 = arith.index_cast %mul3A_402 : i32 to index
      %get3A_404 = tpu.vector_load %arg4[%get3A_403] {strides = array<i32>} : memref<2048xf32, #tpu.memory_space<vmem>>, vector<16xf32>,
      %iota3A_405 = tpu.iota {dimensions = array<i32: 0>} : vector<16xi32>
      %mul3A_406 = arith.constant 16 : i32
      %mul3A_407 = arith.muli %scan3A_400, %mul3A_406 : i32
      %add3A_408 = vector.broadcast %mul3A_407 : i32 to vector<16xi32>
      %add3A_409 = arith.addi %iota3A_405, %add3A_408 : vector<16xi32>
      %gt3A_410 = vector.broadcast %bitcast_convert_type3A : f32 to vector<16xf32>
      %gt3A_411 = arith.cmpf ogt, %get3A_404, %gt3A_410 : vector<16xf32>
      %eq3A_412 = vector.broadcast %bitcast_convert_type3A : f32 to vector<16xf32>
      %eq3A_413 = arith.cmpf oeq, %get3A_404, %eq3A_412 : vector<16xf32>
      %le3A_414 = vector.broadcast %scan3A_23 : i32 to vector<16xi32>
      %le3A_415 = arith.cmpi sle, %add3A_409, %le3A_414 : vector<16xi32>
      %and3A_416 = arith.andi %eq3A_413, %le3A_415 : vector<16xi1>
      %or3A_417 = arith.ori %gt3A_411, %and3A_416 : vector<16xi1>
      %jit3A_418 = arith.constant 1 : i32
      %jit3A_419 = arith.constant 0 : i32
      %broadcast_in_dim3A_420 = vector.broadcast %jit3A_418 : i32 to vector<16xi32>
      %broadcast_in_dim3A_421 = vector.broadcast %jit3A_419 : i32 to vector<16xi32>
      %select_n3A_422 = arith.select %or3A_417, %broadcast_in_dim3A_420, %broadcast_in_dim3A_421 : vector<16xi1>, vector<16xi32>
      %cumsum3A_423 = arith.constant true
      %cumsum3A_424 = vector.broadcast %cumsum3A_423 : i1 to vector<16xi1>
      %cumsum3A_425 = tpu.scan <sum>, %select_n3A_422 masked %cumsum3A_424 : vector<16xi32>, vector<16xi1> -> vector<16xi32>
      %add3A_426 = vector.broadcast %add3A_398 : i32 to vector<16xi32>
      %add3A_427 = arith.addi %add3A_426, %cumsum3A_425 : vector<16xi32>
      %sub3A_428 = arith.subi %add3A_427, %select_n3A_422 : vector<16xi32>
      %jit3A_429 = arith.constant 123 : i32
      %broadcast_in_dim3A_430 = vector.broadcast %jit3A_429 : i32 to vector<16xi32>
      %select_n3A_431 = arith.select %or3A_417, %sub3A_428, %broadcast_in_dim3A_430 : vector<16xi1>, vector<16xi32>
      %mul3A_432 = arith.constant 16 : i32
      %mul3A_433 = arith.muli %scan3A_400, %mul3A_432 : i32
      %swap3A_434 = arith.index_cast %mul3A_433 : i32 to index
      %swap3A_435 = tpu.vector_load %arg5[%swap3A_434] {strides = array<i32>} : memref<2048xi32, #tpu.memory_space<vmem>>, vector<16xi32>,
      tpu.vector_store %arg5[%swap3A_434], %select_n3A_431 {strides = array<i32>} : memref<2048xi32, #tpu.memory_space<vmem>>, vector<16xi32>,
      %reduce_sum3A_436 = arith.constant true
      %reduce_sum3A_437 = vector.broadcast %reduce_sum3A_436 : i1 to vector<16xi1>
      %reduce_sum3A_438 = tpu.scan <sum>, %select_n3A_422 masked %reduce_sum3A_437 : vector<16xi32>, vector<16xi1> -> vector<16xi32>
      %reduce_sum3A_439 = vector.extract %reduce_sum3A_438[15] : i32 from vector<16xi32>
      %add3A_440 = arith.addi %add3A_398, %reduce_sum3A_439 : i32
      %scan3A_441 = arith.constant 10 : i32
      %scan3A_442 = arith.addi %scan3A_32, %scan3A_441 : i32
      %mul3A_443 = arith.constant 16 : i32
      %mul3A_444 = arith.muli %scan3A_442, %mul3A_443 : i32
      %get3A_445 = arith.index_cast %mul3A_444 : i32 to index
      %get3A_446 = tpu.vector_load %arg4[%get3A_445] {strides = array<i32>} : memref<2048xf32, #tpu.memory_space<vmem>>, vector<16xf32>,
      %iota3A_447 = tpu.iota {dimensions = array<i32: 0>} : vector<16xi32>
      %mul3A_448 = arith.constant 16 : i32
      %mul3A_449 = arith.muli %scan3A_442, %mul3A_448 : i32
      %add3A_450 = vector.broadcast %mul3A_449 : i32 to vector<16xi32>
      %add3A_451 = arith.addi %iota3A_447, %add3A_450 : vector<16xi32>
      %gt3A_452 = vector.broadcast %bitcast_convert_type3A : f32 to vector<16xf32>
      %gt3A_453 = arith.cmpf ogt, %get3A_446, %gt3A_452 : vector<16xf32>
      %eq3A_454 = vector.broadcast %bitcast_convert_type3A : f32 to vector<16xf32>
      %eq3A_455 = arith.cmpf oeq, %get3A_446, %eq3A_454 : vector<16xf32>
      %le3A_456 = vector.broadcast %scan3A_23 : i32 to vector<16xi32>
      %le3A_457 = arith.cmpi sle, %add3A_451, %le3A_456 : vector<16xi32>
      %and3A_458 = arith.andi %eq3A_455, %le3A_457 : vector<16xi1>
      %or3A_459 = arith.ori %gt3A_453, %and3A_458 : vector<16xi1>
      %jit3A_460 = arith.constant 1 : i32
      %jit3A_461 = arith.constant 0 : i32
      %broadcast_in_dim3A_462 = vector.broadcast %jit3A_460 : i32 to vector<16xi32>
      %broadcast_in_dim3A_463 = vector.broadcast %jit3A_461 : i32 to vector<16xi32>
      %select_n3A_464 = arith.select %or3A_459, %broadcast_in_dim3A_462, %broadcast_in_dim3A_463 : vector<16xi1>, vector<16xi32>
      %cumsum3A_465 = arith.constant true
      %cumsum3A_466 = vector.broadcast %cumsum3A_465 : i1 to vector<16xi1>
      %cumsum3A_467 = tpu.scan <sum>, %select_n3A_464 masked %cumsum3A_466 : vector<16xi32>, vector<16xi1> -> vector<16xi32>
      %add3A_468 = vector.broadcast %add3A_440 : i32 to vector<16xi32>
      %add3A_469 = arith.addi %add3A_468, %cumsum3A_467 : vector<16xi32>
      %sub3A_470 = arith.subi %add3A_469, %select_n3A_464 : vector<16xi32>
      %jit3A_471 = arith.constant 123 : i32
      %broadcast_in_dim3A_472 = vector.broadcast %jit3A_471 : i32 to vector<16xi32>
      %select_n3A_473 = arith.select %or3A_459, %sub3A_470, %broadcast_in_dim3A_472 : vector<16xi1>, vector<16xi32>
      %mul3A_474 = arith.constant 16 : i32
      %mul3A_475 = arith.muli %scan3A_442, %mul3A_474 : i32
      %swap3A_476 = arith.index_cast %mul3A_475 : i32 to index
      %swap3A_477 = tpu.vector_load %arg5[%swap3A_476] {strides = array<i32>} : memref<2048xi32, #tpu.memory_space<vmem>>, vector<16xi32>,
      tpu.vector_store %arg5[%swap3A_476], %select_n3A_473 {strides = array<i32>} : memref<2048xi32, #tpu.memory_space<vmem>>, vector<16xi32>,
      %reduce_sum3A_478 = arith.constant true
      %reduce_sum3A_479 = vector.broadcast %reduce_sum3A_478 : i1 to vector<16xi1>
      %reduce_sum3A_480 = tpu.scan <sum>, %select_n3A_464 masked %reduce_sum3A_479 : vector<16xi32>, vector<16xi1> -> vector<16xi32>
      %reduce_sum3A_481 = vector.extract %reduce_sum3A_480[15] : i32 from vector<16xi32>
      %add3A_482 = arith.addi %add3A_440, %reduce_sum3A_481 : i32
      %scan3A_483 = arith.constant 11 : i32
      %scan3A_484 = arith.addi %scan3A_32, %scan3A_483 : i32
      %mul3A_485 = arith.constant 16 : i32
      %mul3A_486 = arith.muli %scan3A_484, %mul3A_485 : i32
      %get3A_487 = arith.index_cast %mul3A_486 : i32 to index
      %get3A_488 = tpu.vector_load %arg4[%get3A_487] {strides = array<i32>} : memref<2048xf32, #tpu.memory_space<vmem>>, vector<16xf32>,
      %iota3A_489 = tpu.iota {dimensions = array<i32: 0>} : vector<16xi32>
      %mul3A_490 = arith.constant 16 : i32
      %mul3A_491 = arith.muli %scan3A_484, %mul3A_490 : i32
      %add3A_492 = vector.broadcast %mul3A_491 : i32 to vector<16xi32>
      %add3A_493 = arith.addi %iota3A_489, %add3A_492 : vector<16xi32>
      %gt3A_494 = vector.broadcast %bitcast_convert_type3A : f32 to vector<16xf32>
      %gt3A_495 = arith.cmpf ogt, %get3A_488, %gt3A_494 : vector<16xf32>
      %eq3A_496 = vector.broadcast %bitcast_convert_type3A : f32 to vector<16xf32>
      %eq3A_497 = arith.cmpf oeq, %get3A_488, %eq3A_496 : vector<16xf32>
      %le3A_498 = vector.broadcast %scan3A_23 : i32 to vector<16xi32>
      %le3A_499 = arith.cmpi sle, %add3A_493, %le3A_498 : vector<16xi32>
      %and3A_500 = arith.andi %eq3A_497, %le3A_499 : vector<16xi1>
      %or3A_501 = arith.ori %gt3A_495, %and3A_500 : vector<16xi1>
      %jit3A_502 = arith.constant 1 : i32
      %jit3A_503 = arith.constant 0 : i32
      %broadcast_in_dim3A_504 = vector.broadcast %jit3A_502 : i32 to vector<16xi32>
      %broadcast_in_dim3A_505 = vector.broadcast %jit3A_503 : i32 to vector<16xi32>
      %select_n3A_506 = arith.select %or3A_501, %broadcast_in_dim3A_504, %broadcast_in_dim3A_505 : vector<16xi1>, vector<16xi32>
      %cumsum3A_507 = arith.constant true
      %cumsum3A_508 = vector.broadcast %cumsum3A_507 : i1 to vector<16xi1>
      %cumsum3A_509 = tpu.scan <sum>, %select_n3A_506 masked %cumsum3A_508 : vector<16xi32>, vector<16xi1> -> vector<16xi32>
      %add3A_510 = vector.broadcast %add3A_482 : i32 to vector<16xi32>
      %add3A_511 = arith.addi %add3A_510, %cumsum3A_509 : vector<16xi32>
      %sub3A_512 = arith.subi %add3A_511, %select_n3A_506 : vector<16xi32>
      %jit3A_513 = arith.constant 123 : i32
      %broadcast_in_dim3A_514 = vector.broadcast %jit3A_513 : i32 to vector<16xi32>
      %select_n3A_515 = arith.select %or3A_501, %sub3A_512, %broadcast_in_dim3A_514 : vector<16xi1>, vector<16xi32>
      %mul3A_516 = arith.constant 16 : i32
      %mul3A_517 = arith.muli %scan3A_484, %mul3A_516 : i32
      %swap3A_518 = arith.index_cast %mul3A_517 : i32 to index
      %swap3A_519 = tpu.vector_load %arg5[%swap3A_518] {strides = array<i32>} : memref<2048xi32, #tpu.memory_space<vmem>>, vector<16xi32>,
      tpu.vector_store %arg5[%swap3A_518], %select_n3A_515 {strides = array<i32>} : memref<2048xi32, #tpu.memory_space<vmem>>, vector<16xi32>,
      %reduce_sum3A_520 = arith.constant true
      %reduce_sum3A_521 = vector.broadcast %reduce_sum3A_520 : i1 to vector<16xi1>
      %reduce_sum3A_522 = tpu.scan <sum>, %select_n3A_506 masked %reduce_sum3A_521 : vector<16xi32>, vector<16xi1> -> vector<16xi32>
      %reduce_sum3A_523 = vector.extract %reduce_sum3A_522[15] : i32 from vector<16xi32>
      %add3A_524 = arith.addi %add3A_482, %reduce_sum3A_523 : i32
      %scan3A_525 = arith.constant 12 : i32
      %scan3A_526 = arith.addi %scan3A_32, %scan3A_525 : i32
      %mul3A_527 = arith.constant 16 : i32
      %mul3A_528 = arith.muli %scan3A_526, %mul3A_527 : i32
      %get3A_529 = arith.index_cast %mul3A_528 : i32 to index
      %get3A_530 = tpu.vector_load %arg4[%get3A_529] {strides = array<i32>} : memref<2048xf32, #tpu.memory_space<vmem>>, vector<16xf32>,
      %iota3A_531 = tpu.iota {dimensions = array<i32: 0>} : vector<16xi32>
      %mul3A_532 = arith.constant 16 : i32
      %mul3A_533 = arith.muli %scan3A_526, %mul3A_532 : i32
      %add3A_534 = vector.broadcast %mul3A_533 : i32 to vector<16xi32>
      %add3A_535 = arith.addi %iota3A_531, %add3A_534 : vector<16xi32>
      %gt3A_536 = vector.broadcast %bitcast_convert_type3A : f32 to vector<16xf32>
      %gt3A_537 = arith.cmpf ogt, %get3A_530, %gt3A_536 : vector<16xf32>
      %eq3A_538 = vector.broadcast %bitcast_convert_type3A : f32 to vector<16xf32>
      %eq3A_539 = arith.cmpf oeq, %get3A_530, %eq3A_538 : vector<16xf32>
      %le3A_540 = vector.broadcast %scan3A_23 : i32 to vector<16xi32>
      %le3A_541 = arith.cmpi sle, %add3A_535, %le3A_540 : vector<16xi32>
      %and3A_542 = arith.andi %eq3A_539, %le3A_541 : vector<16xi1>
      %or3A_543 = arith.ori %gt3A_537, %and3A_542 : vector<16xi1>
      %jit3A_544 = arith.constant 1 : i32
      %jit3A_545 = arith.constant 0 : i32
      %broadcast_in_dim3A_546 = vector.broadcast %jit3A_544 : i32 to vector<16xi32>
      %broadcast_in_dim3A_547 = vector.broadcast %jit3A_545 : i32 to vector<16xi32>
      %select_n3A_548 = arith.select %or3A_543, %broadcast_in_dim3A_546, %broadcast_in_dim3A_547 : vector<16xi1>, vector<16xi32>
      %cumsum3A_549 = arith.constant true
      %cumsum3A_550 = vector.broadcast %cumsum3A_549 : i1 to vector<16xi1>
      %cumsum3A_551 = tpu.scan <sum>, %select_n3A_548 masked %cumsum3A_550 : vector<16xi32>, vector<16xi1> -> vector<16xi32>
      %add3A_552 = vector.broadcast %add3A_524 : i32 to vector<16xi32>
      %add3A_553 = arith.addi %add3A_552, %cumsum3A_551 : vector<16xi32>
      %sub3A_554 = arith.subi %add3A_553, %select_n3A_548 : vector<16xi32>
      %jit3A_555 = arith.constant 123 : i32
      %broadcast_in_dim3A_556 = vector.broadcast %jit3A_555 : i32 to vector<16xi32>
      %select_n3A_557 = arith.select %or3A_543, %sub3A_554, %broadcast_in_dim3A_556 : vector<16xi1>, vector<16xi32>
      %mul3A_558 = arith.constant 16 : i32
      %mul3A_559 = arith.muli %scan3A_526, %mul3A_558 : i32
      %swap3A_560 = arith.index_cast %mul3A_559 : i32 to index
      %swap3A_561 = tpu.vector_load %arg5[%swap3A_560] {strides = array<i32>} : memref<2048xi32, #tpu.memory_space<vmem>>, vector<16xi32>,
      tpu.vector_store %arg5[%swap3A_560], %select_n3A_557 {strides = array<i32>} : memref<2048xi32, #tpu.memory_space<vmem>>, vector<16xi32>,
      %reduce_sum3A_562 = arith.constant true
      %reduce_sum3A_563 = vector.broadcast %reduce_sum3A_562 : i1 to vector<16xi1>
      %reduce_sum3A_564 = tpu.scan <sum>, %select_n3A_548 masked %reduce_sum3A_563 : vector<16xi32>, vector<16xi1> -> vector<16xi32>
      %reduce_sum3A_565 = vector.extract %reduce_sum3A_564[15] : i32 from vector<16xi32>
      %add3A_566 = arith.addi %add3A_524, %reduce_sum3A_565 : i32
      %scan3A_567 = arith.constant 13 : i32
      %scan3A_568 = arith.addi %scan3A_32, %scan3A_567 : i32
      %mul3A_569 = arith.constant 16 : i32
      %mul3A_570 = arith.muli %scan3A_568, %mul3A_569 : i32
      %get3A_571 = arith.index_cast %mul3A_570 : i32 to index
      %get3A_572 = tpu.vector_load %arg4[%get3A_571] {strides = array<i32>} : memref<2048xf32, #tpu.memory_space<vmem>>, vector<16xf32>,
      %iota3A_573 = tpu.iota {dimensions = array<i32: 0>} : vector<16xi32>
      %mul3A_574 = arith.constant 16 : i32
      %mul3A_575 = arith.muli %scan3A_568, %mul3A_574 : i32
      %add3A_576 = vector.broadcast %mul3A_575 : i32 to vector<16xi32>
      %add3A_577 = arith.addi %iota3A_573, %add3A_576 : vector<16xi32>
      %gt3A_578 = vector.broadcast %bitcast_convert_type3A : f32 to vector<16xf32>
      %gt3A_579 = arith.cmpf ogt, %get3A_572, %gt3A_578 : vector<16xf32>
      %eq3A_580 = vector.broadcast %bitcast_convert_type3A : f32 to vector<16xf32>
      %eq3A_581 = arith.cmpf oeq, %get3A_572, %eq3A_580 : vector<16xf32>
      %le3A_582 = vector.broadcast %scan3A_23 : i32 to vector<16xi32>
      %le3A_583 = arith.cmpi sle, %add3A_577, %le3A_582 : vector<16xi32>
      %and3A_584 = arith.andi %eq3A_581, %le3A_583 : vector<16xi1>
      %or3A_585 = arith.ori %gt3A_579, %and3A_584 : vector<16xi1>
      %jit3A_586 = arith.constant 1 : i32
      %jit3A_587 = arith.constant 0 : i32
      %broadcast_in_dim3A_588 = vector.broadcast %jit3A_586 : i32 to vector<16xi32>
      %broadcast_in_dim3A_589 = vector.broadcast %jit3A_587 : i32 to vector<16xi32>
      %select_n3A_590 = arith.select %or3A_585, %broadcast_in_dim3A_588, %broadcast_in_dim3A_589 : vector<16xi1>, vector<16xi32>
      %cumsum3A_591 = arith.constant true
      %cumsum3A_592 = vector.broadcast %cumsum3A_591 : i1 to vector<16xi1>
      %cumsum3A_593 = tpu.scan <sum>, %select_n3A_590 masked %cumsum3A_592 : vector<16xi32>, vector<16xi1> -> vector<16xi32>
      %add3A_594 = vector.broadcast %add3A_566 : i32 to vector<16xi32>
      %add3A_595 = arith.addi %add3A_594, %cumsum3A_593 : vector<16xi32>
      %sub3A_596 = arith.subi %add3A_595, %select_n3A_590 : vector<16xi32>
      %jit3A_597 = arith.constant 123 : i32
      %broadcast_in_dim3A_598 = vector.broadcast %jit3A_597 : i32 to vector<16xi32>
      %select_n3A_599 = arith.select %or3A_585, %sub3A_596, %broadcast_in_dim3A_598 : vector<16xi1>, vector<16xi32>
      %mul3A_600 = arith.constant 16 : i32
      %mul3A_601 = arith.muli %scan3A_568, %mul3A_600 : i32
      %swap3A_602 = arith.index_cast %mul3A_601 : i32 to index
      %swap3A_603 = tpu.vector_load %arg5[%swap3A_602] {strides = array<i32>} : memref<2048xi32, #tpu.memory_space<vmem>>, vector<16xi32>,
      tpu.vector_store %arg5[%swap3A_602], %select_n3A_599 {strides = array<i32>} : memref<2048xi32, #tpu.memory_space<vmem>>, vector<16xi32>,
      %reduce_sum3A_604 = arith.constant true
      %reduce_sum3A_605 = vector.broadcast %reduce_sum3A_604 : i1 to vector<16xi1>
      %reduce_sum3A_606 = tpu.scan <sum>, %select_n3A_590 masked %reduce_sum3A_605 : vector<16xi32>, vector<16xi1> -> vector<16xi32>
      %reduce_sum3A_607 = vector.extract %reduce_sum3A_606[15] : i32 from vector<16xi32>
      %add3A_608 = arith.addi %add3A_566, %reduce_sum3A_607 : i32
      %scan3A_609 = arith.constant 14 : i32
      %scan3A_610 = arith.addi %scan3A_32, %scan3A_609 : i32
      %mul3A_611 = arith.constant 16 : i32
      %mul3A_612 = arith.muli %scan3A_610, %mul3A_611 : i32
      %get3A_613 = arith.index_cast %mul3A_612 : i32 to index
      %get3A_614 = tpu.vector_load %arg4[%get3A_613] {strides = array<i32>} : memref<2048xf32, #tpu.memory_space<vmem>>, vector<16xf32>,
      %iota3A_615 = tpu.iota {dimensions = array<i32: 0>} : vector<16xi32>
      %mul3A_616 = arith.constant 16 : i32
      %mul3A_617 = arith.muli %scan3A_610, %mul3A_616 : i32
      %add3A_618 = vector.broadcast %mul3A_617 : i32 to vector<16xi32>
      %add3A_619 = arith.addi %iota3A_615, %add3A_618 : vector<16xi32>
      %gt3A_620 = vector.broadcast %bitcast_convert_type3A : f32 to vector<16xf32>
      %gt3A_621 = arith.cmpf ogt, %get3A_614, %gt3A_620 : vector<16xf32>
      %eq3A_622 = vector.broadcast %bitcast_convert_type3A : f32 to vector<16xf32>
      %eq3A_623 = arith.cmpf oeq, %get3A_614, %eq3A_622 : vector<16xf32>
      %le3A_624 = vector.broadcast %scan3A_23 : i32 to vector<16xi32>
      %le3A_625 = arith.cmpi sle, %add3A_619, %le3A_624 : vector<16xi32>
      %and3A_626 = arith.andi %eq3A_623, %le3A_625 : vector<16xi1>
      %or3A_627 = arith.ori %gt3A_621, %and3A_626 : vector<16xi1>
      %jit3A_628 = arith.constant 1 : i32
      %jit3A_629 = arith.constant 0 : i32
      %broadcast_in_dim3A_630 = vector.broadcast %jit3A_628 : i32 to vector<16xi32>
      %broadcast_in_dim3A_631 = vector.broadcast %jit3A_629 : i32 to vector<16xi32>
      %select_n3A_632 = arith.select %or3A_627, %broadcast_in_dim3A_630, %broadcast_in_dim3A_631 : vector<16xi1>, vector<16xi32>
      %cumsum3A_633 = arith.constant true
      %cumsum3A_634 = vector.broadcast %cumsum3A_633 : i1 to vector<16xi1>
      %cumsum3A_635 = tpu.scan <sum>, %select_n3A_632 masked %cumsum3A_634 : vector<16xi32>, vector<16xi1> -> vector<16xi32>
      %add3A_636 = vector.broadcast %add3A_608 : i32 to vector<16xi32>
      %add3A_637 = arith.addi %add3A_636, %cumsum3A_635 : vector<16xi32>
      %sub3A_638 = arith.subi %add3A_637, %select_n3A_632 : vector<16xi32>
      %jit3A_639 = arith.constant 123 : i32
      %broadcast_in_dim3A_640 = vector.broadcast %jit3A_639 : i32 to vector<16xi32>
      %select_n3A_641 = arith.select %or3A_627, %sub3A_638, %broadcast_in_dim3A_640 : vector<16xi1>, vector<16xi32>
      %mul3A_642 = arith.constant 16 : i32
      %mul3A_643 = arith.muli %scan3A_610, %mul3A_642 : i32
      %swap3A_644 = arith.index_cast %mul3A_643 : i32 to index
      %swap3A_645 = tpu.vector_load %arg5[%swap3A_644] {strides = array<i32>} : memref<2048xi32, #tpu.memory_space<vmem>>, vector<16xi32>,
      tpu.vector_store %arg5[%swap3A_644], %select_n3A_641 {strides = array<i32>} : memref<2048xi32, #tpu.memory_space<vmem>>, vector<16xi32>,
      %reduce_sum3A_646 = arith.constant true
      %reduce_sum3A_647 = vector.broadcast %reduce_sum3A_646 : i1 to vector<16xi1>
      %reduce_sum3A_648 = tpu.scan <sum>, %select_n3A_632 masked %reduce_sum3A_647 : vector<16xi32>, vector<16xi1> -> vector<16xi32>
      %reduce_sum3A_649 = vector.extract %reduce_sum3A_648[15] : i32 from vector<16xi32>
      %add3A_650 = arith.addi %add3A_608, %reduce_sum3A_649 : i32
      %scan3A_651 = arith.constant 15 : i32
      %scan3A_652 = arith.addi %scan3A_32, %scan3A_651 : i32
      %mul3A_653 = arith.constant 16 : i32
      %mul3A_654 = arith.muli %scan3A_652, %mul3A_653 : i32
      %get3A_655 = arith.index_cast %mul3A_654 : i32 to index
      %get3A_656 = tpu.vector_load %arg4[%get3A_655] {strides = array<i32>} : memref<2048xf32, #tpu.memory_space<vmem>>, vector<16xf32>,
      %iota3A_657 = tpu.iota {dimensions = array<i32: 0>} : vector<16xi32>
      %mul3A_658 = arith.constant 16 : i32
      %mul3A_659 = arith.muli %scan3A_652, %mul3A_658 : i32
      %add3A_660 = vector.broadcast %mul3A_659 : i32 to vector<16xi32>
      %add3A_661 = arith.addi %iota3A_657, %add3A_660 : vector<16xi32>
      %gt3A_662 = vector.broadcast %bitcast_convert_type3A : f32 to vector<16xf32>
      %gt3A_663 = arith.cmpf ogt, %get3A_656, %gt3A_662 : vector<16xf32>
      %eq3A_664 = vector.broadcast %bitcast_convert_type3A : f32 to vector<16xf32>
      %eq3A_665 = arith.cmpf oeq, %get3A_656, %eq3A_664 : vector<16xf32>
      %le3A_666 = vector.broadcast %scan3A_23 : i32 to vector<16xi32>
      %le3A_667 = arith.cmpi sle, %add3A_661, %le3A_666 : vector<16xi32>
      %and3A_668 = arith.andi %eq3A_665, %le3A_667 : vector<16xi1>
      %or3A_669 = arith.ori %gt3A_663, %and3A_668 : vector<16xi1>
      %jit3A_670 = arith.constant 1 : i32
      %jit3A_671 = arith.constant 0 : i32
      %broadcast_in_dim3A_672 = vector.broadcast %jit3A_670 : i32 to vector<16xi32>
      %broadcast_in_dim3A_673 = vector.broadcast %jit3A_671 : i32 to vector<16xi32>
      %select_n3A_674 = arith.select %or3A_669, %broadcast_in_dim3A_672, %broadcast_in_dim3A_673 : vector<16xi1>, vector<16xi32>
      %cumsum3A_675 = arith.constant true
      %cumsum3A_676 = vector.broadcast %cumsum3A_675 : i1 to vector<16xi1>
      %cumsum3A_677 = tpu.scan <sum>, %select_n3A_674 masked %cumsum3A_676 : vector<16xi32>, vector<16xi1> -> vector<16xi32>
      %add3A_678 = vector.broadcast %add3A_650 : i32 to vector<16xi32>
      %add3A_679 = arith.addi %add3A_678, %cumsum3A_677 : vector<16xi32>
      %sub3A_680 = arith.subi %add3A_679, %select_n3A_674 : vector<16xi32>
      %jit3A_681 = arith.constant 123 : i32
      %broadcast_in_dim3A_682 = vector.broadcast %jit3A_681 : i32 to vector<16xi32>
      %select_n3A_683 = arith.select %or3A_669, %sub3A_680, %broadcast_in_dim3A_682 : vector<16xi1>, vector<16xi32>
      %mul3A_684 = arith.constant 16 : i32
      %mul3A_685 = arith.muli %scan3A_652, %mul3A_684 : i32
      %swap3A_686 = arith.index_cast %mul3A_685 : i32 to index
      %swap3A_687 = tpu.vector_load %arg5[%swap3A_686] {strides = array<i32>} : memref<2048xi32, #tpu.memory_space<vmem>>, vector<16xi32>,
      tpu.vector_store %arg5[%swap3A_686], %select_n3A_683 {strides = array<i32>} : memref<2048xi32, #tpu.memory_space<vmem>>, vector<16xi32>,
      %reduce_sum3A_688 = arith.constant true
      %reduce_sum3A_689 = vector.broadcast %reduce_sum3A_688 : i1 to vector<16xi1>
      %reduce_sum3A_690 = tpu.scan <sum>, %select_n3A_674 masked %reduce_sum3A_689 : vector<16xi32>, vector<16xi1> -> vector<16xi32>
      %reduce_sum3A_691 = vector.extract %reduce_sum3A_690[15] : i32 from vector<16xi32>
      %add3A_692 = arith.addi %add3A_650, %reduce_sum3A_691 : i32
      scf.yield %add3A_692 : i32
    }
    %scan3A_31 = arith.constant 128 : i32
    "tpu.region"() ({
      %run_scoped3A = tpu.sem_alloc : memref<!tpu.dma_semaphore, #tpu.memory_space<semaphore_mem>>
      %dma_start3A = arith.constant 0 : i32
      %dma_start3A_32 = tpu.memref_slice %arg3[%add3A, %dma_start3A] : memref<32x2048xi32, #tpu.memory_space<hbm>> -> memref<1x2048xi32, #tpu.memory_space<hbm>>
      %dma_start3A_33 = tpu.memref_squeeze %dma_start3A_32 : memref<1x2048xi32, #tpu.memory_space<hbm>> -> memref<2048xi32, #tpu.memory_space<hbm>>
      %dma_start3A_34 = arith.constant 0 : i32
      %dma_start3A_35 = tpu.memref_slice %arg3[%add3A, %dma_start3A_34] : memref<32x2048xi32, #tpu.memory_space<hbm>> -> memref<1x2048xi32, #tpu.memory_space<hbm>>
      %dma_start3A_36 = tpu.memref_squeeze %dma_start3A_35 : memref<1x2048xi32, #tpu.memory_space<hbm>> -> memref<2048xi32, #tpu.memory_space<hbm>>
      tpu.enqueue_dma source(%arg5 : memref<2048xi32, #tpu.memory_space<vmem>>) target(%dma_start3A_36 : memref<2048xi32, #tpu.memory_space<hbm>>) target_semaphore(%run_scoped3A : memref<!tpu.dma_semaphore, #tpu.memory_space<semaphore_mem>>)
      %dma_wait3A = arith.constant 0 : i32
      %dma_wait3A_37 = tpu.memref_slice %arg3[%add3A, %dma_wait3A] : memref<32x2048xi32, #tpu.memory_space<hbm>> -> memref<1x2048xi32, #tpu.memory_space<hbm>>
      %dma_wait3A_38 = tpu.memref_squeeze %dma_wait3A_37 : memref<1x2048xi32, #tpu.memory_space<hbm>> -> memref<2048xi32, #tpu.memory_space<hbm>>
      %dma_wait3A_39 = arith.constant 0 : i32
      %dma_wait3A_40 = tpu.memref_slice %arg3[%add3A, %dma_wait3A_39] : memref<32x2048xi32, #tpu.memory_space<hbm>> -> memref<1x2048xi32, #tpu.memory_space<hbm>>
      %dma_wait3A_41 = tpu.memref_squeeze %dma_wait3A_40 : memref<1x2048xi32, #tpu.memory_space<hbm>> -> memref<2048xi32, #tpu.memory_space<hbm>>
      tpu.wait_dma2 semaphore(%run_scoped3A : memref<!tpu.dma_semaphore, #tpu.memory_space<semaphore_mem>>) src(%arg5 : memref<2048xi32, #tpu.memory_space<vmem>>) dst(%dma_wait3A_41 : memref<2048xi32, #tpu.memory_space<hbm>>)
      tpu.yield
    }) : () -> ()
    return
  }
}

module attributes {stable_mosaic.version = 14 : i64} {
  func.func @_score_body(%arg0: i32, %arg1: memref<32x64x128xf32, #tpu.memory_space<vmem>>, %arg2: memref<32x128xf32, #tpu.memory_space<vmem>>, %arg3: memref<32x64x128xbf16, #tpu.memory_space<vmem>>) attributes {dimension_semantics = [#tpu.dimension_semantics<arbitrary>], iteration_bounds = array<i64: 16>, scalar_prefetch = 0 : i64, scratch_operands = 0 : i64, tpu.core_type = #tpu.core_type<tc>, window_params = [{transform_indices = @transform_0, window_bounds = array<i64: 32, 64, 128>}, {transform_indices = @transform_1, window_bounds = array<i64: 32, 128>}, {transform_indices = @transform_2, window_bounds = array<i64: 32, 64, 128>}]} {
    %get3A = arith.constant 0 : index
    %get3A_0 = arith.constant 0 : index
    %get3A_1 = arith.constant 0 : index
    %get3A_2 = vector.load %arg1[%get3A, %get3A_0, %get3A_1] : memref<32x64x128xf32, #tpu.memory_space<vmem>>, vector<32x64x128xf32>
    %mul3A = arith.mulf %get3A_2, %get3A_2 : vector<32x64x128xf32>
    %reduce_sum3A = arith.constant dense<0.000000e+00> : vector<32x128xf32>
    %reduce_sum3A_3 = vector.multi_reduction <add>, %mul3A, %reduce_sum3A [1] : vector<32x64x128xf32> to vector<32x128xf32>
    %swap3A = arith.constant 0 : index
    %swap3A_4 = arith.constant 0 : index
    %swap3A_5 = vector.load %arg2[%swap3A, %swap3A_4] : memref<32x128xf32, #tpu.memory_space<vmem>>, vector<32x128xf32>
    tpu.vector_store %arg2[%swap3A, %swap3A_4], %reduce_sum3A_3 {strides = array<i32>} : memref<32x128xf32, #tpu.memory_space<vmem>>, vector<32x128xf32>,
    %convert_element_type3A = arith.truncf %get3A_2 : vector<32x64x128xf32> to vector<32x64x128xbf16>
    %swap3A_6 = arith.constant 0 : index
    %swap3A_7 = arith.constant 0 : index
    %swap3A_8 = arith.constant 0 : index
    %swap3A_9 = vector.load %arg3[%swap3A_6, %swap3A_7, %swap3A_8] : memref<32x64x128xbf16, #tpu.memory_space<vmem>>, vector<32x64x128xbf16>
    tpu.vector_store %arg3[%swap3A_6, %swap3A_7, %swap3A_8], %convert_element_type3A {strides = array<i32>} : memref<32x64x128xbf16, #tpu.memory_space<vmem>>, vector<32x64x128xbf16>,
    return
  }
  func.func @transform_0(%arg0: i32) -> (i32, i32, i32) {
    %c0_i32 = arith.constant 0 : i32
    %c0_i32_0 = arith.constant 0 : i32
    %c0_i32_1 = arith.constant 0 : i32
    return %c0_i32, %c0_i32_0, %arg0 : i32, i32, i32
  }
  func.func @transform_1(%arg0: i32) -> (i32, i32) {
    %c0_i32 = arith.constant 0 : i32
    %c0_i32_0 = arith.constant 0 : i32
    return %c0_i32, %arg0 : i32, i32
  }
  func.func @transform_2(%arg0: i32) -> (i32, i32, i32) {
    %c0_i32 = arith.constant 0 : i32
    %c0_i32_0 = arith.constant 0 : i32
    %c0_i32_1 = arith.constant 0 : i32
    return %c0_i32, %c0_i32_0, %arg0 : i32, i32, i32
  }
}

module attributes {stable_mosaic.version = 14 : i64} {
  func.func @_attn_body(%arg0: i32, %arg1: memref<1x64x2048xbf16, #tpu.memory_space<vmem>>, %arg2: memref<1x64x2048xf32, #tpu.memory_space<vmem>>, %arg3: memref<1x64x2048xf32, #tpu.memory_space<vmem>>, %arg4: memref<1x16x1x128xi32, #tpu.memory_space<vmem>>, %arg5: memref<1x64x2048xf32, #tpu.memory_space<vmem>>) attributes {dimension_semantics = [#tpu.dimension_semantics<arbitrary>], iteration_bounds = array<i64: 32>, scalar_prefetch = 0 : i64, scratch_operands = 0 : i64, tpu.core_type = #tpu.core_type<tc>, window_params = [{transform_indices = @transform_0, window_bounds = array<i64: 1, 64, 2048>}, {transform_indices = @transform_1, window_bounds = array<i64: 1, 64, 2048>}, {transform_indices = @transform_2, window_bounds = array<i64: 1, 64, 2048>}, {transform_indices = @transform_3, window_bounds = array<i64: 1, 16, 1, 128>}, {transform_indices = @transform_4, window_bounds = array<i64: 1, 64, 2048>}]} {
    %get3A = arith.constant 0 : index
    %get3A_0 = arith.constant 0 : index
    %get3A_1 = arith.constant 0 : index
    %get3A_2 = vector.load %arg1[%get3A, %get3A_0, %get3A_1] : memref<1x64x2048xbf16, #tpu.memory_space<vmem>>, vector<1x64x2048xbf16>
    %get3A_3 = vector.shape_cast %get3A_2 : vector<1x64x2048xbf16> to vector<64x2048xbf16>
    %get3A_4 = arith.constant 0 : index
    %get3A_5 = arith.constant 0 : index
    %get3A_6 = arith.constant 0 : index
    %get3A_7 = vector.load %arg2[%get3A_4, %get3A_5, %get3A_6] : memref<1x64x2048xf32, #tpu.memory_space<vmem>>, vector<1x64x2048xf32>
    %get3A_8 = vector.shape_cast %get3A_7 : vector<1x64x2048xf32> to vector<64x2048xf32>
    %get3A_9 = arith.constant 0 : index
    %get3A_10 = arith.constant 0 : index
    %get3A_11 = arith.constant 0 : index
    %get3A_12 = vector.load %arg3[%get3A_9, %get3A_10, %get3A_11] : memref<1x64x2048xf32, #tpu.memory_space<vmem>>, vector<1x64x2048xf32>
    %get3A_13 = vector.shape_cast %get3A_12 : vector<1x64x2048xf32> to vector<64x2048xf32>
    %get3A_14 = arith.constant 0 : index
    %get3A_15 = arith.constant 0 : index
    %get3A_16 = arith.constant 0 : index
    %get3A_17 = arith.constant 0 : index
    %get3A_18 = vector.load %arg4[%get3A_14, %get3A_15, %get3A_16, %get3A_17] : memref<1x16x1x128xi32, #tpu.memory_space<vmem>>, vector<1x16x1x128xi32>
    %get3A_19 = vector.shape_cast %get3A_18 : vector<1x16x1x128xi32> to vector<16x128xi32>
    %iota3A = tpu.iota {dimensions = array<i32: 0>} : vector<128x128xi32>
    %slice3A = vector.extract_strided_slice %get3A_19 {offsets = [0, 0], sizes = [1, 128], strides = [1, 1]} : vector<16x128xi32> to vector<1x128xi32>
    %eq3A = vector.broadcast %slice3A : vector<1x128xi32> to vector<128x128xi32>
    %eq3A_20 = arith.cmpi eq, %iota3A, %eq3A : vector<128x128xi32>
    %slice3A_21 = vector.extract_strided_slice %get3A_19 {offsets = [1, 0], sizes = [1, 128], strides = [1, 1]} : vector<16x128xi32> to vector<1x128xi32>
    %eq3A_22 = vector.broadcast %slice3A_21 : vector<1x128xi32> to vector<128x128xi32>
    %eq3A_23 = arith.cmpi eq, %iota3A, %eq3A_22 : vector<128x128xi32>
    %slice3A_24 = vector.extract_strided_slice %get3A_19 {offsets = [2, 0], sizes = [1, 128], strides = [1, 1]} : vector<16x128xi32> to vector<1x128xi32>
    %eq3A_25 = vector.broadcast %slice3A_24 : vector<1x128xi32> to vector<128x128xi32>
    %eq3A_26 = arith.cmpi eq, %iota3A, %eq3A_25 : vector<128x128xi32>
    %slice3A_27 = vector.extract_strided_slice %get3A_19 {offsets = [3, 0], sizes = [1, 128], strides = [1, 1]} : vector<16x128xi32> to vector<1x128xi32>
    %eq3A_28 = vector.broadcast %slice3A_27 : vector<1x128xi32> to vector<128x128xi32>
    %eq3A_29 = arith.cmpi eq, %iota3A, %eq3A_28 : vector<128x128xi32>
    %slice3A_30 = vector.extract_strided_slice %get3A_19 {offsets = [4, 0], sizes = [1, 128], strides = [1, 1]} : vector<16x128xi32> to vector<1x128xi32>
    %eq3A_31 = vector.broadcast %slice3A_30 : vector<1x128xi32> to vector<128x128xi32>
    %eq3A_32 = arith.cmpi eq, %iota3A, %eq3A_31 : vector<128x128xi32>
    %slice3A_33 = vector.extract_strided_slice %get3A_19 {offsets = [5, 0], sizes = [1, 128], strides = [1, 1]} : vector<16x128xi32> to vector<1x128xi32>
    %eq3A_34 = vector.broadcast %slice3A_33 : vector<1x128xi32> to vector<128x128xi32>
    %eq3A_35 = arith.cmpi eq, %iota3A, %eq3A_34 : vector<128x128xi32>
    %slice3A_36 = vector.extract_strided_slice %get3A_19 {offsets = [6, 0], sizes = [1, 128], strides = [1, 1]} : vector<16x128xi32> to vector<1x128xi32>
    %eq3A_37 = vector.broadcast %slice3A_36 : vector<1x128xi32> to vector<128x128xi32>
    %eq3A_38 = arith.cmpi eq, %iota3A, %eq3A_37 : vector<128x128xi32>
    %slice3A_39 = vector.extract_strided_slice %get3A_19 {offsets = [7, 0], sizes = [1, 128], strides = [1, 1]} : vector<16x128xi32> to vector<1x128xi32>
    %eq3A_40 = vector.broadcast %slice3A_39 : vector<1x128xi32> to vector<128x128xi32>
    %eq3A_41 = arith.cmpi eq, %iota3A, %eq3A_40 : vector<128x128xi32>
    %slice3A_42 = vector.extract_strided_slice %get3A_19 {offsets = [8, 0], sizes = [1, 128], strides = [1, 1]} : vector<16x128xi32> to vector<1x128xi32>
    %eq3A_43 = vector.broadcast %slice3A_42 : vector<1x128xi32> to vector<128x128xi32>
    %eq3A_44 = arith.cmpi eq, %iota3A, %eq3A_43 : vector<128x128xi32>
    %slice3A_45 = vector.extract_strided_slice %get3A_19 {offsets = [9, 0], sizes = [1, 128], strides = [1, 1]} : vector<16x128xi32> to vector<1x128xi32>
    %eq3A_46 = vector.broadcast %slice3A_45 : vector<1x128xi32> to vector<128x128xi32>
    %eq3A_47 = arith.cmpi eq, %iota3A, %eq3A_46 : vector<128x128xi32>
    %slice3A_48 = vector.extract_strided_slice %get3A_19 {offsets = [10, 0], sizes = [1, 128], strides = [1, 1]} : vector<16x128xi32> to vector<1x128xi32>
    %eq3A_49 = vector.broadcast %slice3A_48 : vector<1x128xi32> to vector<128x128xi32>
    %eq3A_50 = arith.cmpi eq, %iota3A, %eq3A_49 : vector<128x128xi32>
    %slice3A_51 = vector.extract_strided_slice %get3A_19 {offsets = [11, 0], sizes = [1, 128], strides = [1, 1]} : vector<16x128xi32> to vector<1x128xi32>
    %eq3A_52 = vector.broadcast %slice3A_51 : vector<1x128xi32> to vector<128x128xi32>
    %eq3A_53 = arith.cmpi eq, %iota3A, %eq3A_52 : vector<128x128xi32>
    %slice3A_54 = vector.extract_strided_slice %get3A_19 {offsets = [12, 0], sizes = [1, 128], strides = [1, 1]} : vector<16x128xi32> to vector<1x128xi32>
    %eq3A_55 = vector.broadcast %slice3A_54 : vector<1x128xi32> to vector<128x128xi32>
    %eq3A_56 = arith.cmpi eq, %iota3A, %eq3A_55 : vector<128x128xi32>
    %slice3A_57 = vector.extract_strided_slice %get3A_19 {offsets = [13, 0], sizes = [1, 128], strides = [1, 1]} : vector<16x128xi32> to vector<1x128xi32>
    %eq3A_58 = vector.broadcast %slice3A_57 : vector<1x128xi32> to vector<128x128xi32>
    %eq3A_59 = arith.cmpi eq, %iota3A, %eq3A_58 : vector<128x128xi32>
    %slice3A_60 = vector.extract_strided_slice %get3A_19 {offsets = [14, 0], sizes = [1, 128], strides = [1, 1]} : vector<16x128xi32> to vector<1x128xi32>
    %eq3A_61 = vector.broadcast %slice3A_60 : vector<1x128xi32> to vector<128x128xi32>
    %eq3A_62 = arith.cmpi eq, %iota3A, %eq3A_61 : vector<128x128xi32>
    %slice3A_63 = vector.extract_strided_slice %get3A_19 {offsets = [15, 0], sizes = [1, 128], strides = [1, 1]} : vector<16x128xi32> to vector<1x128xi32>
    %eq3A_64 = vector.broadcast %slice3A_63 : vector<1x128xi32> to vector<128x128xi32>
    %eq3A_65 = arith.cmpi eq, %iota3A, %eq3A_64 : vector<128x128xi32>
    %concatenate3A = tpu.concatenate %eq3A_20, %eq3A_23, %eq3A_26, %eq3A_29, %eq3A_32, %eq3A_35, %eq3A_38, %eq3A_41, %eq3A_44, %eq3A_47, %eq3A_50, %eq3A_53, %eq3A_56, %eq3A_59, %eq3A_62, %eq3A_65 in 1 : vector<128x128xi1>, vector<128x128xi1>, vector<128x128xi1>, vector<128x128xi1>, vector<128x128xi1>, vector<128x128xi1>, vector<128x128xi1>, vector<128x128xi1>, vector<128x128xi1>, vector<128x128xi1>, vector<128x128xi1>, vector<128x128xi1>, vector<128x128xi1>, vector<128x128xi1>, vector<128x128xi1>, vector<128x128xi1> -> vector<128x2048xi1>
    %convert_element_type3A = arith.extui %concatenate3A : vector<128x2048xi1> to vector<128x2048xi32>
    %convert_element_type3A_66 = arith.sitofp %convert_element_type3A : vector<128x2048xi32> to vector<128x2048xf32>
    %convert_element_type3A_67 = arith.truncf %convert_element_type3A_66 : vector<128x2048xf32> to vector<128x2048xbf16>
    %convert_element_type3A_68 = arith.truncf %get3A_8 : vector<64x2048xf32> to vector<64x2048xbf16>
    %convert_element_type3A_69 = arith.truncf %get3A_13 : vector<64x2048xf32> to vector<64x2048xbf16>
    %dot_general3A = arith.constant dense<0.000000e+00> : vector<64x128xf32>
    %dot_general3A_70 = tpu.matmul %get3A_3, %convert_element_type3A_67, %dot_general3A {dimension_numbers = #tpu.dot_dimension_numbers<[1], [1], [0], [0], [0, 0, 1, 0], [], []>, transpose_lhs_hint = false} : vector<64x2048xbf16>, vector<128x2048xbf16>, vector<64x128xf32> -> vector<64x128xf32>
    %convert_element_type3A_71 = arith.truncf %dot_general3A_70 : vector<64x128xf32> to vector<64x128xbf16>
    %dot_general3A_72 = arith.constant dense<0.000000e+00> : vector<128x2048xf32>
    %dot_general3A_73 = tpu.matmul %convert_element_type3A_71, %convert_element_type3A_68, %dot_general3A_72 {dimension_numbers = #tpu.dot_dimension_numbers<[0], [0], [1], [1], [0, 1, 1, 1], [], []>, transpose_lhs_hint = false} : vector<64x128xbf16>, vector<64x2048xbf16>, vector<128x2048xf32> -> vector<128x2048xf32>
    %mul3A = arith.constant 1.250000e-01 : f32
    %mul3A_74 = vector.broadcast %mul3A : f32 to vector<128x2048xf32>
    %mul3A_75 = arith.mulf %dot_general3A_73, %mul3A_74 : vector<128x2048xf32>
    %reduce_max3A = arith.constant dense<0xFF800000> : vector<128xf32>
    %reduce_max3A_76 = vector.multi_reduction <maximumf>, %mul3A_75, %reduce_max3A [1] : vector<128x2048xf32> to vector<128xf32>
    %broadcast_in_dim3A = vector.shape_cast %reduce_max3A_76 : vector<128xf32> to vector<128x1xf32>
    %sub3A = vector.broadcast %broadcast_in_dim3A : vector<128x1xf32> to vector<128x2048xf32>
    %sub3A_77 = arith.subf %mul3A_75, %sub3A : vector<128x2048xf32>
    %exp3A = math.exp %sub3A_77 : vector<128x2048xf32>
    %broadcast_in_dim3A_78 = arith.constant 1.000000e+00 : bf16
    %broadcast_in_dim3A_79 = vector.broadcast %broadcast_in_dim3A_78 : bf16 to vector<1x2048xbf16>
    %concatenate3A_80 = tpu.concatenate %convert_element_type3A_69, %broadcast_in_dim3A_79 in 0 : vector<64x2048xbf16>, vector<1x2048xbf16> -> vector<65x2048xbf16>
    %convert_element_type3A_81 = arith.truncf %exp3A : vector<128x2048xf32> to vector<128x2048xbf16>
    %dot_general3A_82 = arith.constant dense<0.000000e+00> : vector<65x128xf32>
    %dot_general3A_83 = tpu.matmul %concatenate3A_80, %convert_element_type3A_81, %dot_general3A_82 {dimension_numbers = #tpu.dot_dimension_numbers<[1], [1], [0], [0], [0, 0, 1, 0], [], []>, transpose_lhs_hint = false} : vector<65x2048xbf16>, vector<128x2048xbf16>, vector<65x128xf32> -> vector<65x128xf32>
    %slice3A_84 = vector.extract_strided_slice %dot_general3A_83 {offsets = [0, 0], sizes = [64, 128], strides = [1, 1]} : vector<65x128xf32> to vector<64x128xf32>
    %slice3A_85 = vector.extract_strided_slice %dot_general3A_83 {offsets = [64, 0], sizes = [1, 128], strides = [1, 1]} : vector<65x128xf32> to vector<1x128xf32>
    %div3A = arith.constant 1.000000e+00 : f32
    %div3A_86 = vector.broadcast %div3A : f32 to vector<1x128xf32>
    %div3A_87 = arith.divf %div3A_86, %slice3A_85 : vector<1x128xf32>
    %mul3A_88 = vector.broadcast %div3A_87 : vector<1x128xf32> to vector<64x128xf32>
    %mul3A_89 = arith.mulf %slice3A_84, %mul3A_88 : vector<64x128xf32>
    %reduce_sum3A = arith.constant dense<0.000000e+00> : vector<64xf32>
    %reduce_sum3A_90 = vector.multi_reduction <add>, %get3A_13, %reduce_sum3A [1] : vector<64x2048xf32> to vector<64xf32>
    %broadcast_in_dim3A_91 = vector.shape_cast %reduce_sum3A_90 : vector<64xf32> to vector<64x1xf32>
    %div3A_92 = arith.constant 2.048000e+03 : f32
    %div3A_93 = vector.broadcast %div3A_92 : f32 to vector<64x1xf32>
    %div3A_94 = arith.divf %broadcast_in_dim3A_91, %div3A_93 : vector<64x1xf32>
    %iota3A_95 = tpu.iota {dimensions = array<i32: 1>} : vector<1x128xi32>
    %eq3A_96 = arith.constant 123 : i32
    %eq3A_97 = vector.broadcast %eq3A_96 : i32 to vector<1x128xi32>
    %eq3A_98 = arith.cmpi eq, %iota3A_95, %eq3A_97 : vector<1x128xi32>
    %sub3A_99 = vector.broadcast %div3A_94 : vector<64x1xf32> to vector<64x128xf32>
    %sub3A_100 = arith.subf %mul3A_89, %sub3A_99 : vector<64x128xf32>
    %jit3A = arith.constant 0.000000e+00 : f32
    %broadcast_in_dim3A_101 = vector.shape_cast %eq3A_98 : vector<1x128xi1> to vector<1x128xi1>
    %broadcast_in_dim3A_102 = vector.broadcast %broadcast_in_dim3A_101 : vector<1x128xi1> to vector<64x128xi1>
    %broadcast_in_dim3A_103 = vector.broadcast %jit3A : f32 to vector<64x128xf32>
    %select_n3A = arith.select %broadcast_in_dim3A_102, %broadcast_in_dim3A_103, %sub3A_100 : vector<64x128xi1>, vector<64x128xf32>
    %convert_element_type3A_104 = arith.truncf %select_n3A : vector<64x128xf32> to vector<64x128xbf16>
    %dot_general3A_105 = arith.constant dense<0.000000e+00> : vector<64x2048xf32>
    %dot_general3A_106 = tpu.matmul %convert_element_type3A_104, %convert_element_type3A_67, %dot_general3A_105 {dimension_numbers = #tpu.dot_dimension_numbers<[1], [0], [0], [1], [0, 0, 1, 1], [], []>, transpose_lhs_hint = false} : vector<64x128xbf16>, vector<128x2048xbf16>, vector<64x2048xf32> -> vector<64x2048xf32>
    %add3A = vector.broadcast %div3A_94 : vector<64x1xf32> to vector<64x2048xf32>
    %add3A_107 = arith.addf %dot_general3A_106, %add3A : vector<64x2048xf32>
    %swap3A = arith.constant 0 : index
    %swap3A_108 = arith.constant 0 : index
    %swap3A_109 = arith.constant 0 : index
    %swap3A_110 = vector.load %arg5[%swap3A, %swap3A_108, %swap3A_109] : memref<1x64x2048xf32, #tpu.memory_space<vmem>>, vector<1x64x2048xf32>
    %swap3A_111 = vector.shape_cast %swap3A_110 : vector<1x64x2048xf32> to vector<64x2048xf32>
    %swap3A_112 = vector.shape_cast %add3A_107 : vector<64x2048xf32> to vector<1x64x2048xf32>
    tpu.vector_store %arg5[%swap3A, %swap3A_108, %swap3A_109], %swap3A_112 {strides = array<i32>} : memref<1x64x2048xf32, #tpu.memory_space<vmem>>, vector<1x64x2048xf32>,
    return
  }
  func.func @transform_0(%arg0: i32) -> (i32, i32, i32) {
    %c0_i32 = arith.constant 0 : i32
    %c0_i32_0 = arith.constant 0 : i32
    %c0_i32_1 = arith.constant 0 : i32
    return %arg0, %c0_i32, %c0_i32_0 : i32, i32, i32
  }
  func.func @transform_1(%arg0: i32) -> (i32, i32, i32) {
    %c0_i32 = arith.constant 0 : i32
    %c0_i32_0 = arith.constant 0 : i32
    %c0_i32_1 = arith.constant 0 : i32
    return %arg0, %c0_i32, %c0_i32_0 : i32, i32, i32
  }
  func.func @transform_2(%arg0: i32) -> (i32, i32, i32) {
    %c0_i32 = arith.constant 0 : i32
    %c0_i32_0 = arith.constant 0 : i32
    %c0_i32_1 = arith.constant 0 : i32
    return %arg0, %c0_i32, %c0_i32_0 : i32, i32, i32
  }
  func.func @transform_3(%arg0: i32) -> (i32, i32, i32, i32) {
    %c0_i32 = arith.constant 0 : i32
    %c0_i32_0 = arith.constant 0 : i32
    %c0_i32_1 = arith.constant 0 : i32
    %c0_i32_2 = arith.constant 0 : i32
    return %arg0, %c0_i32, %c0_i32_0, %c0_i32_1 : i32, i32, i32, i32
  }
  func.func @transform_4(%arg0: i32) -> (i32, i32, i32) {
    %c0_i32 = arith.constant 0 : i32
    %c0_i32_0 = arith.constant 0 : i32
    %c0_i32_1 = arith.constant 0 : i32
    return %arg0, %c0_i32, %c0_i32_0 : i32, i32, i32
  }
}

</mosaic_0001>

<sc_bundles>
// kernel: kernel.5.cloned.1.call-start
scs
__scs_entry_jumppad:
0x0: {  	(pc) =	sbr.rel $0x88, $3  }
0x1: {  	(tag) =	ssettag $0x0;
	lr =	simm.s32 $0x1  }
0x2: {  	[smem:$0x3F9E] =	sst lr;
	_ =	strace $0xD0000000  }
0x3: {  	_ = 	snop  }
0x4: {  	_ = 	snop  }
0x5: {  	_ = 	snop  }
0x6: {  	_ = 	snop  }
0x7: {  	_ = 	snop  }
__scs_overlays_trampoline_lowered:
0x8: {  	[smem:$0x3FAD] =	sst s0  }
0x9: {  	[smem:$0x3FAE] =	sst s1  }
0xa: {  	[smem:$0x3FAF] =	sst s2  }
0xb: {  	[smem:$0x3FB0] =	sst s3  }
0xc: {  	[smem:$0x3FB1] =	sst s4  }
0xd: {  	[smem:$0x3FB2] =	sst s5  }
0xe: {  	[smem:$0x3FB3] =	sst s6  }
0xf: {  	[smem:$0x3FB4] =	sst s7  }
0x10: {  	[smem:$0x3FB5] =	sst s8  }
0x11: {  	[smem:$0x3FB6] =	sst s9;
	s0 =	simm.s32 @!p0 $0x0  }
0x12: {  	s1 =	sld [smem:$0x3F9C];
	s0 =	simm.s32 @p0 $0x1  }
0x13: {  	[smem:$0x3FB7] =	sst s0;
	s0 =	simm.s32 @!p1 $0x0  }
0x14: {  	s2 =	sld [smem:$0x3F9B];
	s0 =	simm.s32 @p1 $0x1  }
0x15: {  	[smem:$0x3FB8] =	sst s0;
	s0 =	simm.s32 @!p2 $0x0  }
0x16: {  	s3 =	sld [smem:$0x3FDB];
	s0 =	simm.s32 @p2 $0x1  }
0x17: {  	s4 =	simm.s32 $0x1BF5;
	[smem:$0x3FBA] =	sst s0  }
0x18: {  	s0 =	sld [smem:$0x3F9D];
	_ =	swait.ge [sflag:s4], $0x0  }
0x19: {  	s7 =	sld [smem:$0x3F9E]  }
0x1a: {  	s8 =	sadd.s32 $0xFFFFE003, lr  }
0x1b: {  	s9 =	sadd.s32 $0xFFFFFEF7, lr;
	s5 =	simm.s32 $0xFFFFFFFF;
	p2 =	slt.u32 s8, $0xFFFFF086  }
0x1c: {  	p1 =	slt.u32 s9, $0xF7A;
	s5 =	simm.s32 @!p2 $0x0  }
0x1d: {  	s5 =	simm.s32 @p1 $0x1;
	p0 =	seq.s32 s7, s2  }
0x1e: {  	s7 =	smul.u32 @!p0 $0xF7A, s2;
	p2 =	seq.s32 @!p0 s5, $0x0  }
0x1f: {  	s9 =	smul.u32 $0xF7A, s1;
	s8 =	simm.s32 @!p0 $0x1BF5;
	p2 =	por !p2, p0  }
0x20: {  	[sflag:s8] =	ssyncset.s32 @!p0 $0xFFFFF086;
	s6 =	sadd.s32 @!p0 s3, s7;
	s7 =	simm.s32 @!p0 $0x108  }
0x21: {  	s3 =	sadd.s32 s3, s9;
	s6 =	sadd.s32 @!p0 $0x88, s6;
	s7 =	simm.s32 @p2 $0x1082  }
0x22: {  	[simem:s7], [sflag:s8] =	dma.local @!p0 [hbm:s6], $0xF7A  }
0x23: {  	s9 =	sor.u32 $0xD0000000, s2;
	s6 =	simm.s32 $0x108;
	_ =	swait.ge @!p0 [sflag:s8], $0x0  }
0x24: {  	s3 =	sadd.s32 $0x88, s3;
	s6 =	simm.s32 @!p1 $0x1082;
	[sflag:s4] =	ssyncset.s32 $0xFFFFF086  }
0x25: {  	[simem:s6], [sflag:s4] =	dma.local [hbm:s3], $0xF7A  }
0x26: {  	[smem:$0x3F9E] =	sst s1;
	(tag) =	ssettag s2;
	_ =	strace s9  }
0x27: {  	s1 =	sld [smem:$0x3FAE]  }
0x28: {  	s2 =	sld [smem:$0x3FAF]  }
0x29: {  	s4 =	sld [smem:$0x3FB1]  }
0x2a: {  	p0 =	seq.s32 s5, $0x0;
	s5 =	sld [smem:$0x3FB2]  }
0x2b: {  	s6 =	sld [smem:$0x3FB3]  }
0x2c: {  	s7 =	sld [smem:$0x3FB4]  }
0x2d: {  	s3 =	simm.s32 $0x108;
	s8 =	sld [smem:$0x3FB5]  }
0x2e: {  	s3 =	simm.s32 @!p0 $0x1082;
	s9 =	sld [smem:$0x3FB6]  }
0x2f: {  	lr =	sadd.s32 s0, s3;
	s0 =	sld [smem:$0x3FAD]  }
0x30: {  	s3 =	sld [smem:$0x3FB0]  }
0x31: {  	[smem:$0x3FB9] =	sst s10  }
0x32: {  	s10 =	sld [smem:$0x3FB7];
	_ =	sdelay $0x3  }
0x33: {  	p0 =	seq.s32 s10, $0x1;
	s10 =	sld [smem:$0x3FB9];
	_ =	sdelay $0x3  }
0x34: {  	[smem:$0x3FB9] =	sst s10  }
0x35: {  	s10 =	sld [smem:$0x3FB8];
	_ =	sdelay $0x3  }
0x36: {  	p1 =	seq.s32 s10, $0x1;
	s10 =	sld [smem:$0x3FB9];
	_ =	sdelay $0x3  }
0x37: {  	[smem:$0x3FB9] =	sst s10  }
0x38: {  	s10 =	sld [smem:$0x3FBA]  }
0x39: {  	_ = 	snop;
	(pc) =	sbr.ind lr, $3  }
0x3a: {  	_ = 	snop  }
0x3b: {  	_ = 	snop  }
0x3c: {  	p2 =	seq.s32 s10, $0x1;
	s10 =	sld [smem:$0x3FB9]  }
0x3d: {  	_ =	shalt  }
0x3e: {  	_ =	shalt  }
0x3f: {  	_ =	shalt  }
0x40: {  	_ =	shalt  }
0x41: {  	_ =	shalt  }
0x42: {  	_ =	shalt  }
0x43: {  	_ =	shalt  }
0x44: {  	_ =	shalt  }
0x45: {  	_ =	shalt  }
0x46: {  	_ =	shalt  }
0x47: {  	_ =	shalt  }
0x48: {  	_ =	shalt  }
0x49: {  	_ =	shalt  }
0x4a: {  	_ =	shalt  }
0x4b: {  	_ =	shalt  }
0x4c: {  	_ =	shalt  }
0x4d: {  	_ =	shalt  }
0x4e: {  	_ =	shalt  }
0x4f: {  	_ =	shalt  }
0x50: {  	_ =	shalt  }
0x51: {  	_ =	shalt  }
0x52: {  	_ =	shalt  }
0x53: {  	_ =	shalt  }
0x54: {  	_ =	shalt  }
0x55: {  	_ =	shalt  }
0x56: {  	_ =	shalt  }
0x57: {  	_ =	shalt  }
0x58: {  	_ =	shalt  }
0x59: {  	_ =	shalt  }
0x5a: {  	_ =	shalt  }
0x5b: {  	_ =	shalt  }
0x5c: {  	_ =	shalt  }
0x5d: {  	_ =	shalt  }
0x5e: {  	_ =	shalt  }
0x5f: {  	_ =	shalt  }
0x60: {  	_ =	shalt  }
0x61: {  	_ =	shalt  }
0x62: {  	_ =	shalt  }
0x63: {  	_ =	shalt  }
0x64: {  	_ =	shalt  }
0x65: {  	_ =	shalt  }
0x66: {  	_ =	shalt  }
0x67: {  	_ =	shalt  }
0x68: {  	_ =	shalt  }
0x69: {  	_ =	shalt  }
0x6a: {  	_ =	shalt  }
0x6b: {  	_ =	shalt  }
0x6c: {  	_ =	shalt  }
0x6d: {  	_ =	shalt  }
0x6e: {  	_ =	shalt  }
0x6f: {  	_ =	shalt  }
0x70: {  	_ =	shalt  }
0x71: {  	_ =	shalt  }
0x72: {  	_ =	shalt  }
0x73: {  	_ =	shalt  }
0x74: {  	_ =	shalt  }
0x75: {  	_ =	shalt  }
0x76: {  	_ =	shalt  }
0x77: {  	_ =	shalt  }
0x78: {  	_ =	shalt  }
0x79: {  	_ =	shalt  }
0x7a: {  	_ =	shalt  }
0x7b: {  	_ =	shalt  }
0x7c: {  	_ =	shalt  }
0x7d: {  	_ =	shalt  }
0x7e: {  	_ =	shalt  }
0x7f: {  	_ =	shalt  }
0x80: {  	_ =	shalt  }
0x81: {  	_ =	shalt  }
0x82: {  	_ =	shalt  }
0x83: {  	_ =	shalt  }
0x84: {  	_ =	shalt  }
0x85: {  	_ =	shalt  }
0x86: {  	_ =	shalt  }
0x87: {  	_ =	shalt  }
.Lfunc_end0:
.L_simem_size_0:
called_computation_lowered:
.L_overlay_start_0:
0x88: {  	s2 =	sld [smem:$0x3FD9]  }
0x89: {  	s3 =	sld [smem:$0x3FFE];
	_ =	sdelay $0x1  }
0x8a: {  	s1 =	srdreg.scid  }
0x8b: {  	s0 =	sand.u32 $0x1, s1  }
0x8c: {  	s17 =	sshll.u32 s0, $0xA;
	s2 =	sadd.s32 s3, s2  }
0x8d: {  	s2 =	sadd.s32 s2, s17  }
0x8e: {  	[smem:$0x3FC5] =	sst s2  }
0x8f: {  	_ = 	snop  }
0x90: {  	s2 =	sld [smem:$0x3FD0];
	(tm) =	ssettm $0x1  }
0x91: {  	s18 =	sld [smem:$0x3FFB];
	_ =	sdelay $0x3  }
0x92: {  	_ =	strace s18  }
0x93: {  	s3 =	sld [smem:$0x3FFC];
	_ =	sdelay $0x3  }
0x94: {  	_ =	strace s3  }
0x95: {  	s3 =	sld [smem:$0x3FFD];
	_ =	sdelay $0x3  }
0x96: {  	_ =	strace s3  }
0x97: {  	_ =	strace $0x8FFFFFFF  }
0x98: {  	s19 =	sld [smem:$0x3FDB];
	_ =	sdelay $0x1  }
0x99: {  	s4 =	simm.s32 $_scs_section_size  }
0x9a: {  	s5 =	simm.s32 $_size__tile_overlayer_lowered;
	s6 =	simm.s32 $_tile_overlayer_lowered  }
0x9b: {  	s22 =	simm.s32 $0x1BFF;
	s21 =	sshll.u32 s6, $0x1;
	s3 =	sadd.s32 s4, s19  }
0x9c: {  	s7 =	simm.s32 $0x0;
	s20 =	sshll.u32 s5, $0x1;
	s5 =	sadd.s32 s21, s3  }
0x9d: {  	[timem:s7], [sflag:s22] =	dma.local [hbm:s5], s20  }
0x9e: {  	_ =	swait.ge [sflag:s22], s20  }
0x9f: {  	s4 =	ssub.s32 $0x0, s20;
	[sflag:s22] =	ssyncset.done $0x0  }
0xa0: {  	[sflag:s22] =	ssyncadd.s32 s4;
	_ =	sdelay $0x1  }
0xa1: {  	s23 =	simm.s32 $0x1B8B  }
0xa2: {  	_ =	swait.ge [sflag:s23], $0x1  }
0xa3: {  	[sflag:s23] =	ssyncset.done $0x0  }
0xa4: {  	s25 =	simm.s32 $0x1B8E;
	s24 =	sld [smem:$0x3FFE];
	[sflag:s23] =	ssyncadd.s32 $0xFFFFFFFF  }
0xa5: {  	s26 =	simm.s32 $execute0_lowered;
	[smem:$0x3FD2] =	sst s25  }
0xa6: {  	s5 =	sshll.u32 s26, $0x1;
	_ =	strace $0x80000046;
	[dreg:$0x1] =	wrdreg $0xFFFFFFFF  }
0xa7: {  	s28 =	simm.s32 $_size_execute0_lowered;
	s3 =	sadd.s32 s3, s5;
	[dreg:$0x0] =	wrdreg $0x0  }
0xa8: {  	s5 =	sshll.u32 s28, $0x1;
	[dreg:$0x2] =	wrdreg s3  }
0xa9: {  	[dreg:$0x3] =	wrdreg s5  }
0xaa: {  	[dreg:$0x4] =	wrdreg $0xC0  }
0xab: {  	_ =	task [dreg:s7], $0x5FFFF  }
0xac: {  	[dreg:$0x1] =	wrdreg $0xFFFFFFFF  }
0xad: {  	[dreg:$0x0] =	wrdreg $0x60  }
0xae: {  	[dreg:$0x2] =	wrdreg s2  }
0xaf: {  	[dreg:$0x3] =	wrdreg s24  }
0xb0: {  	[dreg:$0x4] =	wrdreg $0x9  }
0xb1: {  	_ =	task.clear_ibuf [dreg:s7], $0x5FFFF;
	_ =	strace $0x90000046  }
0xb2: {  	s29 =	simm.s32 $0x9;
	_ =	strace $0x80000048  }
0xb3: {  	_ =	swait.ge [sflag:s29], $0x1  }
0xb4: {  	[sflag:s29] =	ssyncadd.s32 $0xFFFFFFFF  }
0xb5: {  	_ =	strace $0x90000048  }
0xb6: {  	_ =	sfence  }
0xb7: {  	s30 =	sld [smem:$0x0];
	_ =	sdelay $0x2  }
0xb8: {  	s31 =	sshll.u32 s1, $0xD;
	s1 =	sshrl.u32 s1, $0x2  }
0xb9: {  	s3 =	sand.u32 $0x4000, s31;
	s1 =	sadd.s32 s1, s30  }
0xba: {  	s0 =	sor.u32 s3, s0;
	s1 =	sshll.u32 s1, $0x11  }
0xbb: {  	s0 =	sor.u32 s1, s0  }
0xbc: {  	s0 =	sadd.s32 $0x8F2B, s0  }
0xbd: {  	[sflag:s0] =	ssyncadd.remote.s32 $0x1  }
0xbe: {  	_ =	sfence.sel $0xFFFF  }
0xbf: {  	[dreg:$0x0] =	wrdreg $0xFFFFFFFF;
	(pc) =	sbr.abs _section_cstart, $3  }
0xc0: {  	[dreg:$0x1] =	wrdreg $0xFFFFFFFF  }
0xc1: {  	_ =	task.clear_ibuf [dreg:s7], $0x2FFFF;
	_ =	strace $0x9FFFFFFF  }
0xc2: {  	(tm) =	ssettm $0x7FFFFFFF  }
0xc3: {  	_ =	shalt  }
tec
execute0_lowered:
.L_overlay_start_1:
0x0: {  	(tag) =	ssettag $0x1  }
0x1: {  	s3 =	rddreg [dreg:$0x0]  }
0x2: {  	s4 =	rddreg [dreg:$0x1]  }
0x3: {  	s0 =	rddreg [dreg:$0x2]  }
0x4: {  	s5 =	srdreg.scid;
	s1 =	stileid.u32  }
0x5: {  	s2 =	simm.s32 $0x0;
	s9 =	simm.s32 $0x40000000;
	s10 =	simm.s32 $0x800  }
0x6: {  	s11 =	simm.s32 $0x0;
	s5 =	sand.u32 $0x1, s5;
	s6 =	sshll.u32 s1, $0x5  }
0x7: {  	s7 =	sshll.u32 s1, $0x9;
	[smem:$0x7FF] =	sst s2;
	s8 =	sshll.u32 s5, $0x4  }
0x8: {  	s6 =	sand.u32 $0x60, s6;
	s7 =	sand.u32 $0x1800, s7;
	s5 =	ssub.s32 $0x2, s5  }
0x9: {  	_ =	strace $0x80000047;
	s6 =	sor.u32 s8, s6;
	s31 =	sshrl.u32 s5, $0x1  }
0xa: {  	s8 =	simm.s32 $0x1;
	s6 =	sor.u32 s7, s6;
	s5 =	ssub.s32 s5, s31  }
0xb: {  	s7 =	simm.s32 $0x400;
	s4 =	sadd.s32 s6, s4;
	s3 =	sadd.s32 s3, s6  }
0xc: {  	v0 =	vimm.s32 $0x0;
	v1 =	vlaneseq.u32;
	s5 =	smax.u32 s5, $0x1;
	s6 =	simm.s32 $0x80;
	s4 =	sadd.s32 $0x800, s4  }
.LBB2_1:
0xd: {  	[tilespmem:s2], [sflag:$0x1] =	stream.strided.gather [hbm4b:s3+s6], $0x800, s7, s6, $0x38;
	[tilespmem:$0x1000] =	vst v63  }
0xe: {  	_ =	swait.ge [sflag:s8], $0x800  }
0xf: {  	[sflag:s8] =	ssyncset.done $0x0  }
0x10: {  	s12 =	simm.s32 $0x0;
	s13 =	simm.s32 $0x0;
	[sflag:s8] =	ssyncadd.s32 $0xFFFFF800  }
.LBB2_2:
0x11: {  	s16 =	simm.s32 $0x80  }
0x12: {  	s14 =	sshrl.u32 s9, s13;
	v3 =	vld [tilespmem:s16+$0xFFFFFF80]  }
0x13: {  	s14 =	sor.u32 s14, s12;
	v4 =	vld [tilespmem:s16+$0xFFFFFF90]  }
0x14: {  	v5 =	vld [tilespmem:s16+$0xFFFFFFA0];
	v2 =	vmov s14  }
0x15: {  	v6 =	vld [tilespmem:s16+$0xFFFFFFB0];
	v2 =	vbroadcast v2, $0x0  }
0x16: {  	v7 =	vld [tilespmem:s16+$0xFFFFFFC0]  }
0x17: {  	vm0 =	vge.f32 v3, v2;
	v3 =	vld [tilespmem:s16+$0xFFFFFFD0]  }
0x18: {  	v8 =	vimm.s32 $0x0;
	v9 =	vsel vm0, $0x1, v0;
	vm0 =	vge.f32 v4, v2;
	v4 =	vld [tilespmem:s16+$0xFFFFFFE0]  }
0x19: {  	v8 =	vadd.s32 v9, v8;
	v9 =	vsel vm0, $0x1, v0;
	vm0 =	vge.f32 v5, v2;
	v5 =	vld [tilespmem:s16+$0xFFFFFFF0]  }
0x1a: {  	v8 =	vadd.s32 v9, v8;
	v9 =	vsel vm0, $0x1, v0;
	vm0 =	vge.f32 v6, v2;
	v6 =	vld [tilespmem:s16+$0x0]  }
0x1b: {  	v8 =	vadd.s32 v9, v8;
	v9 =	vsel vm0, $0x1, v0;
	vm0 =	vge.f32 v7, v2;
	v7 =	vld [tilespmem:s16+$0x10]  }
0x1c: {  	v10 =	vld [tilespmem:s16+$0x20];
	v8 =	vadd.s32 v9, v8;
	v9 =	vsel vm0, $0x1, v0;
	vm0 =	vge.f32 v3, v2  }
0x1d: {  	v3 =	vld [tilespmem:s16+$0x30];
	v8 =	vadd.s32 v9, v8;
	v9 =	vsel vm0, $0x1, v0;
	vm0 =	vge.f32 v4, v2  }
0x1e: {  	v4 =	vld [tilespmem:s16+$0x40];
	v8 =	vadd.s32 v9, v8;
	v9 =	vsel vm0, $0x1, v0;
	vm0 =	vge.f32 v5, v2  }
0x1f: {  	v5 =	vld [tilespmem:s16+$0x50];
	v8 =	vadd.s32 v9, v8;
	v9 =	vsel vm0, $0x1, v0;
	vm0 =	vge.f32 v6, v2  }
0x20: {  	v6 =	vld [tilespmem:s16+$0x60];
	v8 =	vadd.s32 v9, v8;
	v9 =	vsel vm0, $0x1, v0;
	vm0 =	vge.f32 v7, v2  }
0x21: {  	s15 =	simm.s32 $0x0;
	v7 =	vld [tilespmem:s16+$0x70];
	s16 =	simm.s32 $0x180;
	v8 =	vadd.s32 v9, v8;
	v9 =	vsel vm0, $0x1, v0;
	vm0 =	vge.f32 v10, v2  }
.LBB2_3:
0x22: {  	v10 =	vld [tilespmem:s16+$0xFFFFFF80];
	s15 =	sadd.s32 $0x10, s15;
	v8 =	vadd.s32 v9, v8;
	v9 =	vsel vm0, $0x1, v0;
	vm0 =	vge.f32 v3, v2  }
0x23: {  	v3 =	vld [tilespmem:s16+$0xFFFFFF90];
	p0 =	slt.u32 s15, $0x70;
	v8 =	vadd.s32 v9, v8;
	v9 =	vsel vm0, $0x1, v0;
	vm0 =	vge.f32 v4, v2  }
0x24: {  	v4 =	vld [tilespmem:s16+$0xFFFFFFA0];
	v8 =	vadd.s32 v9, v8;
	v9 =	vsel vm0, $0x1, v0;
	vm0 =	vge.f32 v5, v2  }
0x25: {  	v5 =	vld [tilespmem:s16+$0xFFFFFFB0];
	v8 =	vadd.s32 v9, v8;
	v9 =	vsel vm0, $0x1, v0;
	vm0 =	vge.f32 v6, v2  }
0x26: {  	v6 =	vld [tilespmem:s16+$0xFFFFFFC0];
	v8 =	vadd.s32 v9, v8;
	v9 =	vsel vm0, $0x1, v0;
	vm0 =	vge.f32 v7, v2  }
0x27: {  	vm1 =	vge.f32 v10, v2;
	v7 =	vld [tilespmem:s16+$0xFFFFFFD0];
	v8 =	vadd.s32 v9, v8;
	v9 =	vsel vm0, $0x1, v0  }
0x28: {  	v10 =	vsel vm1, $0x1, v0;
	vm0 =	vge.f32 v3, v2;
	v3 =	vld [tilespmem:s16+$0xFFFFFFE0];
	v8 =	vadd.s32 v9, v8  }
0x29: {  	v8 =	vadd.s32 v10, v8;
	v9 =	vsel vm0, $0x1, v0;
	vm0 =	vge.f32 v4, v2;
	v4 =	vld [tilespmem:s16+$0xFFFFFFF0]  }
0x2a: {  	v8 =	vadd.s32 v9, v8;
	v9 =	vsel vm0, $0x1, v0;
	vm0 =	vge.f32 v5, v2;
	v5 =	vld [tilespmem:s16+$0x0]  }
0x2b: {  	v8 =	vadd.s32 v9, v8;
	v9 =	vsel vm0, $0x1, v0;
	vm0 =	vge.f32 v6, v2;
	v6 =	vld [tilespmem:s16+$0x10]  }
0x2c: {  	v8 =	vadd.s32 v9, v8;
	v9 =	vsel vm0, $0x1, v0;
	vm0 =	vge.f32 v7, v2;
	v7 =	vld [tilespmem:s16+$0x20]  }
.Ltmp0:
0x2d: {  	v8 =	vadd.s32 v9, v8;
	v9 =	vsel vm0, $0x1, v0;
	vm0 =	vge.f32 v3, v2;
	v3 =	vld [tilespmem:s16+$0x30];
	(pc) =	sbr.rel @p0 .LBB2_3-.Ltmp0, $4  }
0x2e: {  	v8 =	vadd.s32 v9, v8;
	v9 =	vsel vm0, $0x1, v0;
	vm0 =	vge.f32 v4, v2;
	v4 =	vld [tilespmem:s16+$0x40]  }
0x2f: {  	v8 =	vadd.s32 v9, v8;
	v9 =	vsel vm0, $0x1, v0;
	vm0 =	vge.f32 v5, v2;
	v5 =	vld [tilespmem:s16+$0x50]  }
0x30: {  	v8 =	vadd.s32 v9, v8;
	v9 =	vsel vm0, $0x1, v0;
	vm0 =	vge.f32 v6, v2;
	v6 =	vld [tilespmem:s16+$0x60]  }
0x31: {  	v8 =	vadd.s32 v9, v8;
	v9 =	vsel vm0, $0x1, v0;
	vm0 =	vge.f32 v7, v2;
	v7 =	vld [tilespmem:s16+$0x70];
	s16 =	sadd.s32 $0x100, s16  }
0x32: {  	v8 =	vadd.s32 v9, v8;
	v60 =	vsel vm0, $0x1, v0;
	vm11 =	vge.f32 v3, v2  }
0x33: {  	v3 =	vadd.s32 v60, v8;
	v61 =	vsel vm11, $0x1, v0;
	vm12 =	vge.f32 v4, v2  }
0x34: {  	v3 =	vadd.s32 v61, v3;
	v4 =	vsel vm12, $0x1, v0;
	vm13 =	vge.f32 v5, v2  }
0x35: {  	v3 =	vadd.s32 v4, v3;
	v62 =	vsel vm13, $0x1, v0;
	vm14 =	vge.f32 v6, v2  }
0x36: {  	v3 =	vadd.s32 v62, v3;
	v63 =	vsel vm14, $0x1, v0;
	vm15 =	vge.f32 v7, v2  }
0x37: {  	v2 =	vadd.s32 v63, v3;
	v3 =	vsel vm15, $0x1, v0  }
0x38: {  	v2 =	vadd.s32 v3, v2  }
0x39: {  	(xrf0) =	vadd.scan.msk.s32 $0xffff, v2;
	_ =	sdelay $0x5  }
0x3a: {  	v2, _, _ =	vpop (xrf0)  }
0x3b: {  	(v2sf) =	vpush v2, $0xF;
	_ =	sdelay $0xa  }
0x3c: {  	s13 =	sadd.s32 $0x1, s13  }
0x3d: {  	p1 =	sne.s32 s13, $0x1F  }
.Ltmp1:
0x3e: {  	_ = 	snop;
	(pc) =	sbr.rel @p1 .LBB2_2-.Ltmp1, $4  }
0x3f: {  	_ = 	snop  }
0x40: {  	s15 =	spop (v2sf)  }
0x41: {  	p0 =	sgt.s32 s15, $0x7A  }
0x42: {  	s12 =	smov.u32 @p0 s14  }
0x43: {  	s13 =	simm.s32 $0x80  }
0x44: {  	v3 =	vld [tilespmem:s13+$0xFFFFFF80]  }
0x45: {  	v4 =	vld [tilespmem:s13+$0xFFFFFF90]  }
0x46: {  	v2 =	vmov s12;
	v5 =	vld [tilespmem:s13+$0xFFFFFFA0]  }
0x47: {  	v2 =	vbroadcast v2, $0x0;
	v6 =	vld [tilespmem:s13+$0xFFFFFFB0]  }
0x48: {  	v7 =	vld [tilespmem:s13+$0xFFFFFFC0]  }
0x49: {  	vm0 =	vgt.f32 v3, v2;
	v3 =	vld [tilespmem:s13+$0xFFFFFFD0]  }
0x4a: {  	v8 =	vimm.s32 $0x0;
	v9 =	vsel vm0, $0x1, v0;
	vm0 =	vgt.f32 v4, v2;
	v4 =	vld [tilespmem:s13+$0xFFFFFFE0]  }
0x4b: {  	v8 =	vadd.s32 v9, v8;
	v9 =	vsel vm0, $0x1, v0;
	vm0 =	vgt.f32 v5, v2;
	v5 =	vld [tilespmem:s13+$0xFFFFFFF0]  }
0x4c: {  	v8 =	vadd.s32 v9, v8;
	v9 =	vsel vm0, $0x1, v0;
	vm0 =	vgt.f32 v6, v2;
	v6 =	vld [tilespmem:s13+$0x0]  }
0x4d: {  	v8 =	vadd.s32 v9, v8;
	v9 =	vsel vm0, $0x1, v0;
	vm0 =	vgt.f32 v7, v2;
	v7 =	vld [tilespmem:s13+$0x10]  }
0x4e: {  	v10 =	vld [tilespmem:s13+$0x20];
	v8 =	vadd.s32 v9, v8;
	v9 =	vsel vm0, $0x1, v0;
	vm0 =	vgt.f32 v3, v2  }
0x4f: {  	v3 =	vld [tilespmem:s13+$0x30];
	v8 =	vadd.s32 v9, v8;
	v9 =	vsel vm0, $0x1, v0;
	vm0 =	vgt.f32 v4, v2  }
0x50: {  	v4 =	vld [tilespmem:s13+$0x40];
	v8 =	vadd.s32 v9, v8;
	v9 =	vsel vm0, $0x1, v0;
	vm0 =	vgt.f32 v5, v2  }
0x51: {  	v5 =	vld [tilespmem:s13+$0x50];
	v8 =	vadd.s32 v9, v8;
	v9 =	vsel vm0, $0x1, v0;
	vm0 =	vgt.f32 v6, v2  }
0x52: {  	v6 =	vld [tilespmem:s13+$0x60];
	v8 =	vadd.s32 v9, v8;
	v9 =	vsel vm0, $0x1, v0;
	vm0 =	vgt.f32 v7, v2  }
0x53: {  	s12 =	simm.s32 $0x0;
	v7 =	vld [tilespmem:s13+$0x70];
	s13 =	simm.s32 $0x180;
	v8 =	vadd.s32 v9, v8;
	v9 =	vsel vm0, $0x1, v0;
	vm0 =	vgt.f32 v10, v2  }
.LBB2_6:
0x54: {  	v10 =	vld [tilespmem:s13+$0xFFFFFF80];
	s12 =	sadd.s32 $0x10, s12;
	v8 =	vadd.s32 v9, v8;
	v9 =	vsel vm0, $0x1, v0;
	vm0 =	vgt.f32 v3, v2  }
0x55: {  	v3 =	vld [tilespmem:s13+$0xFFFFFF90];
	p0 =	slt.u32 s12, $0x70;
	v8 =	vadd.s32 v9, v8;
	v9 =	vsel vm0, $0x1, v0;
	vm0 =	vgt.f32 v4, v2  }
0x56: {  	v4 =	vld [tilespmem:s13+$0xFFFFFFA0];
	v8 =	vadd.s32 v9, v8;
	v9 =	vsel vm0, $0x1, v0;
	vm0 =	vgt.f32 v5, v2  }
0x57: {  	v5 =	vld [tilespmem:s13+$0xFFFFFFB0];
	v8 =	vadd.s32 v9, v8;
	v9 =	vsel vm0, $0x1, v0;
	vm0 =	vgt.f32 v6, v2  }
0x58: {  	v6 =	vld [tilespmem:s13+$0xFFFFFFC0];
	v8 =	vadd.s32 v9, v8;
	v9 =	vsel vm0, $0x1, v0;
	vm0 =	vgt.f32 v7, v2  }
0x59: {  	vm1 =	vgt.f32 v10, v2;
	v7 =	vld [tilespmem:s13+$0xFFFFFFD0];
	v8 =	vadd.s32 v9, v8;
	v9 =	vsel vm0, $0x1, v0  }
0x5a: {  	v10 =	vsel vm1, $0x1, v0;
	vm0 =	vgt.f32 v3, v2;
	v3 =	vld [tilespmem:s13+$0xFFFFFFE0];
	v8 =	vadd.s32 v9, v8  }
0x5b: {  	v8 =	vadd.s32 v10, v8;
	v9 =	vsel vm0, $0x1, v0;
	vm0 =	vgt.f32 v4, v2;
	v4 =	vld [tilespmem:s13+$0xFFFFFFF0]  }
0x5c: {  	v8 =	vadd.s32 v9, v8;
	v9 =	vsel vm0, $0x1, v0;
	vm0 =	vgt.f32 v5, v2;
	v5 =	vld [tilespmem:s13+$0x0]  }
0x5d: {  	v8 =	vadd.s32 v9, v8;
	v9 =	vsel vm0, $0x1, v0;
	vm0 =	vgt.f32 v6, v2;
	v6 =	vld [tilespmem:s13+$0x10]  }
0x5e: {  	v8 =	vadd.s32 v9, v8;
	v9 =	vsel vm0, $0x1, v0;
	vm0 =	vgt.f32 v7, v2;
	v7 =	vld [tilespmem:s13+$0x20]  }
.Ltmp2:
0x5f: {  	v8 =	vadd.s32 v9, v8;
	v9 =	vsel vm0, $0x1, v0;
	vm0 =	vgt.f32 v3, v2;
	v3 =	vld [tilespmem:s13+$0x30];
	(pc) =	sbr.rel @p0 .LBB2_6-.Ltmp2, $4  }
0x60: {  	v8 =	vadd.s32 v9, v8;
	v9 =	vsel vm0, $0x1, v0;
	vm0 =	vgt.f32 v4, v2;
	v4 =	vld [tilespmem:s13+$0x40]  }
0x61: {  	v8 =	vadd.s32 v9, v8;
	v9 =	vsel vm0, $0x1, v0;
	vm0 =	vgt.f32 v5, v2;
	v5 =	vld [tilespmem:s13+$0x50]  }
0x62: {  	v8 =	vadd.s32 v9, v8;
	v9 =	vsel vm0, $0x1, v0;
	vm0 =	vgt.f32 v6, v2;
	v6 =	vld [tilespmem:s13+$0x60]  }
0x63: {  	v8 =	vadd.s32 v9, v8;
	v9 =	vsel vm0, $0x1, v0;
	vm0 =	vgt.f32 v7, v2;
	v7 =	vld [tilespmem:s13+$0x70];
	s13 =	sadd.s32 $0x100, s13  }
0x64: {  	v8 =	vadd.s32 v9, v8;
	v59 =	vsel vm0, $0x1, v0;
	vm11 =	vgt.f32 v3, v2  }
0x65: {  	v3 =	vadd.s32 v59, v8;
	v60 =	vsel vm11, $0x1, v0;
	vm12 =	vgt.f32 v4, v2  }
0x66: {  	v3 =	vadd.s32 v60, v3;
	v4 =	vsel vm12, $0x1, v0;
	vm13 =	vgt.f32 v5, v2  }
0x67: {  	v3 =	vadd.s32 v4, v3;
	v61 =	vsel vm13, $0x1, v0;
	vm14 =	vgt.f32 v6, v2  }
0x68: {  	v3 =	vadd.s32 v61, v3;
	v62 =	vsel vm14, $0x1, v0;
	vm15 =	vgt.f32 v7, v2  }
0x69: {  	v3 =	vadd.s32 v62, v3;
	v63 =	vsel vm15, $0x1, v0  }
0x6a: {  	v3 =	vadd.s32 v63, v3  }
0x6b: {  	(xrf0) =	vadd.scan.msk.s32 $0xffff, v3;
	_ =	sdelay $0x5  }
0x6c: {  	v3, _, _ =	vpop (xrf0)  }
0x6d: {  	(v2sf) =	vpush v3, $0xF;
	_ =	sdelay $0xe  }
0x6e: {  	s12 =	spop (v2sf)  }
0x6f: {  	s14 =	simm.s32 $0x0;
	s13 =	ssub.s32 $0x7B, s12;
	s12 =	simm.s32 $0x0  }
.LBB2_8:
0x70: {  	s15 =	sshrl.u32 s7, s14;
	s16 =	simm.s32 $0xF0;
	s17 =	simm.s32 $0x80  }
0x71: {  	s18 =	simm.s32 $0xE0;
	v5 =	vimm.s32 $0x0;
	s20 =	simm.s32 $0xC0;
	s21 =	simm.s32 $0xD0;
	v4 =	vor.u32 s16, v1  }
0x72: {  	s31 =	simm.s32 $0x80;
	s22 =	simm.s32 $0x90;
	s23 =	simm.s32 $0xA0;
	v6 =	vor.u32 s18, v1;
	v7 =	vor.u32 s20, v1;
	v8 =	vor.u32 s21, v1  }
0x73: {  	s24 =	simm.s32 $0x60;
	s25 =	simm.s32 $0x70;
	s26 =	simm.s32 $0x20;
	v9 =	vld [tilespmem:s17+$0xFFFFFF80];
	v10 =	vor.u32 s31, v1;
	v11 =	vor.u32 s22, v1;
	v12 =	vor.u32 s23, v1  }
0x74: {  	s28 =	simm.s32 $0x30;
	s29 =	simm.s32 $0x40;
	s30 =	simm.s32 $0x0;
	v13 =	vld [tilespmem:s17+$0xFFFFFF90];
	v15 =	vor.u32 s24, v1;
	v16 =	vor.u32 s25, v1;
	v17 =	vor.u32 s26, v1  }
0x75: {  	s15 =	sor.u32 s15, s12;
	s21 =	simm.s32 $0x50;
	s31 =	simm.s32 $0x10;
	v18 =	vor.u32 s28, v1;
	v19 =	vor.u32 s29, v1;
	v21 =	vor.u32 s30, v1  }
0x76: {  	s19 =	simm.s32 $0xB0;
	v20 =	vld [tilespmem:s17+$0xFFFFFFA0];
	v3 =	vmov s15;
	v14 =	vor.u32 s21, v1;
	v22 =	vor.u32 s31, v1  }
0x77: {  	vm8 =	vlt.s32 v4, v3;
	v4 =	vor.u32 s19, v1;
	vm9 =	vlt.s32 v6, v3;
	v6 =	vld [tilespmem:s17+$0xFFFFFFB0]  }
0x78: {  	vm1 =	vlt.s32 v21, v3;
	vm0 =	vlt.s32 v4, v3;
	v4 =	vld [tilespmem:s17+$0xFFFFFFC0];
	vm2 =	veq.f32 v9, v2  }
0x79: {  	vm3 =	vlt.s32 v22, v3;
	vm1 =	vmand vm1, vm2;
	vm2 =	veq.f32 v13, v2  }
0x7a: {  	v49 =	vld [tilespmem:s17+$0xFFFFFFD0];
	vm4 =	vlt.s32 v17, v3;
	vm2 =	vmand vm3, vm2;
	vm3 =	vlt.s32 v18, v3  }
0x7b: {  	v50 =	vld [tilespmem:s17+$0xFFFFFFE0];
	v51 =	vsel vm1, $0x1, v0;
	vm1 =	veq.f32 v20, v2;
	v52 =	vsel vm2, $0x1, v0  }
0x7c: {  	v58 =	vld [tilespmem:s17+$0x70];
	vm2 =	vlt.s32 v19, v3;
	vm1 =	vmand vm4, vm1;
	vm4 =	veq.f32 v6, v2  }
0x7d: {  	v6 =	vld [tilespmem:s17+$0xFFFFFFF0];
	vm5 =	veq.f32 v4, v2;
	v53 =	vsel vm1, $0x1, v0;
	vm3 =	vmand vm3, vm4  }
0x7e: {  	vm1 =	vlt.s32 v7, v3;
	vm2 =	vmand vm2, vm5;
	vm4 =	vlt.s32 v14, v3  }
0x7f: {  	v4 =	vld [tilespmem:s17+$0x0];
	v7 =	vsel vm3, $0x1, v0;
	vm3 =	veq.f32 v49, v2;
	v54 =	vsel vm2, $0x1, v0  }
0x80: {  	vm2 =	vlt.s32 v15, v3;
	vm3 =	vmand vm4, vm3;
	vm4 =	veq.f32 v50, v2  }
0x81: {  	v55 =	vld [tilespmem:s17+$0x10];
	vm12 =	veq.f32 v58, v2;
	v56 =	vsel vm3, $0x1, v0;
	vm2 =	vmand vm2, vm4  }
0x82: {  	vm3 =	vlt.s32 v16, v3;
	v57 =	vsel vm2, $0x1, v0;
	vm2 =	veq.f32 v6, v2  }
0x83: {  	v5 =	vadd.s32 v51, v5;
	v6 =	vld [tilespmem:s17+$0x20];
	vm2 =	vmand vm3, vm2;
	vm3 =	vlt.s32 v10, v3  }
0x84: {  	v62 =	vld [tilespmem:s17+$0x60];
	v59 =	vsel vm2, $0x1, v0;
	vm2 =	veq.f32 v4, v2;
	v4 =	vadd.s32 v52, v5  }
0x85: {  	v5 =	vld [tilespmem:s17+$0x30];
	vm2 =	vmand vm3, vm2;
	vm3 =	vlt.s32 v11, v3;
	v4 =	vadd.s32 v53, v4  }
0x86: {  	v60 =	vld [tilespmem:s17+$0x40];
	v61 =	vsel vm2, $0x1, v0;
	vm2 =	veq.f32 v55, v2;
	v4 =	vadd.s32 v7, v4  }
0x87: {  	v7 =	vld [tilespmem:s17+$0x50];
	vm2 =	vmand vm3, vm2;
	vm3 =	vlt.s32 v12, v3;
	v4 =	vadd.s32 v54, v4  }
0x88: {  	v63 =	vsel vm2, $0x1, v0;
	vm2 =	veq.f32 v6, v2;
	v4 =	vadd.s32 v56, v4  }
0x89: {  	vm6 =	veq.f32 v62, v2;
	vm2 =	vmand vm3, vm2;
	v4 =	vadd.s32 v57, v4  }
0x8a: {  	v6 =	vsel vm2, $0x1, v0;
	vm2 =	veq.f32 v5, v2;
	v4 =	vadd.s32 v59, v4  }
0x8b: {  	vm5 =	vlt.s32 v8, v3;
	vm0 =	vmand vm0, vm2;
	v5 =	vadd.s32 v61, v4  }
0x8c: {  	vm2 =	veq.f32 v60, v2;
	vm7 =	veq.f32 v7, v2;
	v5 =	vadd.s32 v63, v5  }
0x8d: {  	s18 =	simm.s32 $0x180;
	s17 =	simm.s32 $0x0;
	v4 =	vsel vm0, $0x1, v0;
	vm0 =	vmand vm1, vm2;
	v5 =	vadd.s32 v6, v5  }
.LBB2_9:
0x8e: {  	v4 =	vadd.s32 v4, v5  }
0x8f: {  	v5 =	vsel vm0, $0x1, v0;
	vm0 =	vmand vm5, vm7;
	v46 =	vimm.s32 $0x0  }
0x90: {  	v48 =	vimm.s32 $0x0;
	v50 =	vimm.s32 $0x0;
	v51 =	vimm.s32 $0x0  }
0x91: {  	v52 =	vimm.s32 $0x0;
	v54 =	vimm.s32 $0x0;
	v55 =	vimm.s32 $0x0  }
0x92: {  	v56 =	vimm.s32 $0x0;
	v58 =	vimm.s32 $0x0;
	v59 =	vimm.s32 $0x0  }
0x93: {  	s16 =	sadd.s32 $0x100, s16;
	v60 =	vimm.s32 $0x0;
	v4 =	vadd.s32 v5, v4;
	v5 =	vsel vm0, $0x1, v0  }
0x94: {  	vm0 =	vmand vm9, vm6;
	s19 =	sadd.s32 $0xFFFFFFF0, s16;
	v10 =	vor.u32 s16, v1;
	v4 =	vadd.s32 v5, v4  }
0x95: {  	s20 =	sadd.s32 $0xFFFFFFC0, s16;
	s21 =	sadd.s32 $0xFFFFFFD0, s16;
	s22 =	sadd.s32 $0xFFFFFFE0, s16;
	v5 =	vsel vm0, $0x1, v0;
	vm0 =	vmand vm8, vm12;
	v12 =	vor.u32 s19, v1  }
0x96: {  	s31 =	sadd.s32 $0xFFFFFF90, s16;
	s23 =	sadd.s32 $0xFFFFFFA0, s16;
	s24 =	sadd.s32 $0xFFFFFFB0, s16;
	v47 =	vor.u32 s20, v1;
	v13 =	vor.u32 s21, v1;
	v14 =	vor.u32 s22, v1  }
0x97: {  	v15 =	vor.u32 s31, v1;
	v17 =	vor.u32 s23, v1;
	v18 =	vor.u32 s24, v1  }
0x98: {  	s25 =	sadd.s32 $0xFFFFFF80, s16;
	v4 =	vadd.s32 v5, v4;
	v5 =	vsel vm0, $0x1, v0;
	vm0 =	vlt.s32 v10, v3  }
0x99: {  	v6 =	vld [tilespmem:s18+$0x70];
	v21 =	vor.u32 s25, v1;
	v10 =	vsel vm0, $0xFFFFFFFF, v46;
	vm0 =	vlt.s32 v12, v3  }
0x9a: {  	s30 =	sadd.s32 $0xFFFFFF10, s16;
	v4 =	vadd.s32 v5, v4;
	v5 =	vld [tilespmem:s18+$0x20];
	v12 =	vsel vm0, $0xFFFFFFFF, v48;
	vm0 =	vlt.s32 v47, v3  }
0x9b: {  	v61 =	vld [tilespmem:s18+$0xFFFFFF80];
	s21 =	sadd.s32 $0xFFFFFF60, s16;
	v27 =	vor.u32 s30, v1;
	[tilespmem:$0x1FF20] =	vst v10;
	v10 =	vsel vm0, $0xFFFFFFFF, v50;
	vm0 =	vlt.s32 v13, v3  }
0x9c: {  	v11 =	vld [tilespmem:s18+$0x30];
	s22 =	sadd.s32 $0xFFFFFF70, s16;
	v19 =	vor.u32 s21, v1;
	[tilespmem:$0x1FFC0] =	vst v10;
	v10 =	vsel vm0, $0xFFFFFFFF, v51;
	vm0 =	vlt.s32 v14, v3  }
0x9d: {  	v20 =	vor.u32 s22, v1;
	[tilespmem:$0x1FFE0] =	vst v10;
	v10 =	vsel vm0, $0xFFFFFFFF, v52;
	vm0 =	vlt.s32 v15, v3  }
0x9e: {  	vm11 =	vlt.s32 v27, v3;
	vm12 =	veq.f32 v6, v2;
	v6 =	vld [tilespmem:s18+$0xFFFFFFA0];
	v13 =	vsel vm0, $0xFFFFFFFF, v54  }
0x9f: {  	vm0 =	vlt.s32 v17, v3;
	vm2 =	veq.f32 v5, v2;
	v5 =	vimm.s32 $0x0  }
0xa0: {  	vm3 =	veq.f32 v61, v2;
	[tilespmem:$0x1FF80] =	vst v13;
	v13 =	vsel vm0, $0xFFFFFFFF, v55;
	v5 =	vsel vm2, $0xFFFFFFFF, v5  }
0xa1: {  	v62 =	vld [tilespmem:s18+$0xFFFFFF90];
	vm0 =	vlt.s32 v18, v3;
	vm2 =	veq.f32 v11, v2;
	[tilespmem:$0x1FFB0] =	vst v5;
	v5 =	vimm.s32 $0x0  }
0xa2: {  	vm3 =	vmand vm11, vm3;
	[tilespmem:$0x1FF90] =	vst v13;
	v13 =	vsel vm0, $0xFFFFFFFF, v56;
	v5 =	vsel vm2, $0xFFFFFFFF, v5  }
0xa3: {  	s26 =	sadd.s32 $0xFFFFFF30, s16;
	vm0 =	vlt.s32 v19, v3;
	[tilespmem:$0x1FFD0] =	vst v5;
	v5 =	vsel vm3, $0x1, v0;
	vm3 =	veq.f32 v6, v2;
	v6 =	vld [tilespmem:$0x1FF20]  }
0xa4: {  	s31 =	sadd.s32 $0xFFFFFF20, s16;
	v23 =	vor.u32 s26, v1;
	v14 =	vsel vm0, $0xFFFFFFFF, v58;
	vm0 =	vlt.s32 v20, v3  }
0xa5: {  	v28 =	vor.u32 s31, v1;
	[tilespmem:$0x1FF40] =	vst v14;
	v14 =	vsel vm0, $0xFFFFFFFF, v59;
	vm0 =	vlt.s32 v21, v3  }
0xa6: {  	vm11 =	veq.f32 v62, v2;
	[tilespmem:$0x1FF50] =	vst v14;
	v14 =	vsel vm0, $0xFFFFFFFF, v60;
	vm0 =	vlt.s32 v28, v3  }
0xa7: {  	v57 =	vld [tilespmem:s18+$0xFFFFFFB0];
	vm8 =	vlt.s32 v23, v3;
	[tilespmem:$0x1FF30] =	vst v10;
	v4 =	vadd.s32 v5, v4;
	vm0 =	vmand vm0, vm11  }
0xa8: {  	v5 =	vsel vm0, $0x1, v0;
	vm0 =	vmand vm8, vm3;
	vm8 =	vnez.u8 v6;
	v6 =	vld [tilespmem:$0x1FF30];
	_ =	sdelay $0x1  }
0xa9: {  	s28 =	sadd.s32 $0xFFFFFF40, s16  }
0xaa: {  	v53 =	vld [tilespmem:s18+$0xFFFFFFC0];
	v24 =	vor.u32 s28, v1  }
0xab: {  	vm5 =	vlt.s32 v24, v3;
	vm15 =	veq.f32 v57, v2;
	v4 =	vadd.s32 v5, v4  }
0xac: {  	v5 =	vsel vm0, $0x1, v0;
	vm0 =	vmand vm5, vm15;
	vm5 =	vnez.u8 v6;
	v6 =	vld [tilespmem:$0x1FF40]  }
0xad: {  	s29 =	sadd.s32 $0xFFFFFF50, s16  }
0xae: {  	v25 =	vor.u32 s29, v1  }
0xaf: {  	v49 =	vld [tilespmem:s18+$0xFFFFFFD0];
	vm4 =	vlt.s32 v25, v3;
	vm13 =	veq.f32 v53, v2  }
0xb0: {  	v4 =	vadd.s32 v5, v4;
	v5 =	vsel vm0, $0x1, v0;
	vm0 =	vmand vm4, vm13  }
0xb1: {  	v4 =	vadd.s32 v5, v4;
	v5 =	vsel vm0, $0x1, v0;
	vm0 =	vnez.u8 v6;
	v6 =	vld [tilespmem:$0x1FF50];
	_ =	sdelay $0x2  }
0xb2: {  	v29 =	vld [tilespmem:s18+$0xFFFFFFE0];
	vm14 =	veq.f32 v49, v2  }
0xb3: {  	[tilespmem:$0x1FF60] =	vst v14;
	vm0 =	vmand vm0, vm14  }
0xb4: {  	v4 =	vadd.s32 v5, v4;
	v5 =	vsel vm0, $0x1, v0;
	vm0 =	vnez.u8 v6;
	v6 =	vld [tilespmem:$0x1FF60];
	_ =	sdelay $0x2  }
0xb5: {  	vm10 =	veq.f32 v29, v2  }
0xb6: {  	v26 =	vld [tilespmem:s18+$0xFFFFFFF0];
	[tilespmem:$0x1FF70] =	vst v12;
	vm0 =	vmand vm0, vm10  }
0xb7: {  	v4 =	vadd.s32 v5, v4;
	v5 =	vsel vm0, $0x1, v0;
	vm0 =	vnez.u8 v6;
	v6 =	vld [tilespmem:$0x1FF70];
	_ =	sdelay $0x3  }
0xb8: {  	vm9 =	veq.f32 v26, v2  }
0xb9: {  	vm0 =	vmand vm0, vm9;
	vm9 =	vnez.u8 v6;
	v6 =	vld [tilespmem:$0x1FF80];
	_ =	sdelay $0x2  }
0xba: {  	v22 =	vld [tilespmem:s18+$0x0];
	_ =	sdelay $0x1  }
0xbb: {  	v4 =	vadd.s32 v5, v4;
	v5 =	vsel vm0, $0x1, v0;
	vm0 =	vnez.u8 v6;
	v6 =	vld [tilespmem:$0x1FF90];
	_ =	sdelay $0x1  }
0xbc: {  	v9 =	vld [tilespmem:s18+$0x40]  }
0xbd: {  	v16 =	vld [tilespmem:s18+$0x10];
	vm2 =	veq.f32 v22, v2  }
0xbe: {  	[tilespmem:$0x1FFA0] =	vst v13;
	vm0 =	vmand vm0, vm2  }
0xbf: {  	v4 =	vadd.s32 v5, v4;
	v5 =	vsel vm0, $0x1, v0;
	vm0 =	vnez.u8 v6;
	v6 =	vld [tilespmem:$0x1FFA0];
	_ =	sdelay $0x1  }
0xc0: {  	v63 =	vimm.s32 $0x0;
	vm1 =	veq.f32 v9, v2  }
0xc1: {  	v9 =	vsel vm1, $0xFFFFFFFF, v63;
	vm1 =	veq.f32 v16, v2  }
0xc2: {  	vm0 =	vmand vm0, vm1  }
0xc3: {  	v4 =	vadd.s32 v5, v4;
	v5 =	vsel vm0, $0x1, v0;
	vm0 =	vnez.u8 v6;
	v6 =	vld [tilespmem:$0x1FFB0];
	_ =	sdelay $0x4  }
0xc4: {  	vm1 =	vnez.u8 v6;
	v6 =	vld [tilespmem:$0x1FFC0];
	_ =	sdelay $0x3  }
0xc5: {  	vm0 =	vmand vm0, vm1  }
0xc6: {  	v4 =	vadd.s32 v5, v4;
	v5 =	vsel vm0, $0x1, v0;
	vm0 =	vnez.u8 v6;
	v6 =	vld [tilespmem:$0x1FFD0];
	_ =	sdelay $0x4  }
0xc7: {  	vm1 =	vnez.u8 v6;
	v6 =	vld [tilespmem:$0x1FFE0];
	_ =	sdelay $0x3  }
0xc8: {  	v7 =	vld [tilespmem:s18+$0x60];
	[tilespmem:$0x1FFF0] =	vst v9;
	vm0 =	vmand vm0, vm1  }
0xc9: {  	s17 =	sadd.s32 $0x10, s17;
	v5 =	vadd.s32 v5, v4;
	v4 =	vsel vm0, $0x1, v0;
	vm0 =	vnez.u8 v6;
	v6 =	vld [tilespmem:$0x1FFF0]  }
0xca: {  	v8 =	vld [tilespmem:s18+$0x50];
	p0 =	slt.u32 s17, $0x70  }
.Ltmp3:
0xcb: {  	_ = 	snop;
	(pc) =	sbr.rel @p0 .LBB2_9-.Ltmp3, $3  }
0xcc: {  	_ =	sdelay $0x1  }
0xcd: {  	vm1 =	vnez.u8 v6  }
0xce: {  	vm7 =	veq.f32 v8, v2;
	vm6 =	veq.f32 v7, v2;
	s18 =	sadd.s32 $0x100, s18;
	vm0 =	vmand vm0, vm1  }
0xcf: {  	v3 =	vadd.s32 v4, v5;
	v60 =	vsel vm0, $0x1, v0;
	vm13 =	vmand vm5, vm7  }
0xd0: {  	vm14 =	vmand vm9, vm6;
	v3 =	vadd.s32 v60, v3;
	v61 =	vsel vm13, $0x1, v0  }
0xd1: {  	vm15 =	vmand vm8, vm12;
	v62 =	vsel vm14, $0x1, v0;
	v3 =	vadd.s32 v61, v3  }
0xd2: {  	v63 =	vsel vm15, $0x1, v0;
	v3 =	vadd.s32 v62, v3  }
0xd3: {  	v3 =	vadd.s32 v63, v3  }
0xd4: {  	(xrf0) =	vadd.scan.msk.s32 $0xffff, v3;
	_ =	sdelay $0x5  }
0xd5: {  	v3, _, _ =	vpop (xrf0)  }
0xd6: {  	(v2sf) =	vpush v3, $0xF;
	_ =	sdelay $0xa  }
0xd7: {  	s14 =	sadd.s32 $0x1, s14  }
0xd8: {  	p1 =	seq.s32 s14, $0xB  }
.Ltmp4:
0xd9: {  	_ = 	snop;
	(pc) =	sbr.rel @!p1 .LBB2_8-.Ltmp4, $4  }
0xda: {  	_ = 	snop  }
0xdb: {  	s16 =	spop (v2sf)  }
0xdc: {  	p0 =	slt.s32 s16, s13  }
0xdd: {  	s12 =	smov.u32 @p0 s15  }
0xde: {  	s14 =	simm.s32 $0x80  }
0xdf: {  	v4 =	vld [tilespmem:s14+$0xFFFFFF80];
	_ =	sdelay $0x2  }
0xe0: {  	s16 =	simm.s32 $0x0  }
0xe1: {  	v3 =	vmov s12;
	v5 =	vor.u32 s16, v1  }
0xe2: {  	vm1 =	vle.s32 v5, v3;
	vm0 =	veq.f32 v4, v2  }
0xe3: {  	vm2 =	vgt.f32 v4, v2;
	vm0 =	vmand vm1, vm0  }
0xe4: {  	vm0 =	vmor vm2, vm0  }
0xe5: {  	v4 =	vsel vm0, $0x1, v0  }
0xe6: {  	(xrf0) =	vadd.scan.msk.s32 $0xffff, v4;
	_ =	sdelay $0x4  }
0xe7: {  	s15 =	simm.s32 $0x0;
	v4 =	vsel vm0, $0xFFFFFFFF, v0  }
0xe8: {  	v4 =	vadd.s32 s15, v4;
	v5, _, _ =	vpop (xrf0)  }
0xe9: {  	v4 =	vadd.s32 v5, v4  }
0xea: {  	s12 =	simm.s32 $0x880;
	v4 =	vnsel vm0, $0x7B, v4  }
0xeb: {  	[tilespmem:s12+$0xFFFFFF80] =	vst v4  }
0xec: {  	(v2sf) =	vpush v5, $0xF;
	v4 =	vld [tilespmem:s14+$0xFFFFFF90];
	_ =	sdelay $0x2  }
0xed: {  	s31 =	simm.s32 $0x10  }
0xee: {  	v5 =	vor.u32 s31, v1  }
0xef: {  	vm1 =	vle.s32 v5, v3;
	vm0 =	veq.f32 v4, v2  }
0xf0: {  	vm2 =	vgt.f32 v4, v2;
	vm0 =	vmand vm1, vm0  }
0xf1: {  	vm0 =	vmor vm2, vm0  }
0xf2: {  	v4 =	vsel vm0, $0x1, v0  }
0xf3: {  	(xrf0) =	vadd.scan.msk.s32 $0xffff, v4;
	_ =	sdelay $0x5  }
0xf4: {  	v4 =	vsel vm0, $0xFFFFFFFF, v0;
	s16 =	spop (v2sf);
	v5, _, _ =	vpop (xrf0)  }
0xf5: {  	s15 =	sadd.s32 $0x0, s16;
	v4 =	vadd.s32 v4, v5  }
0xf6: {  	v4 =	vadd.s32 s15, v4  }
0xf7: {  	v4 =	vnsel vm0, $0x7B, v4  }
0xf8: {  	[tilespmem:s12+$0xFFFFFF90] =	vst v4  }
0xf9: {  	(v2sf) =	vpush v5, $0xF;
	v4 =	vld [tilespmem:s14+$0xFFFFFFA0];
	_ =	sdelay $0x2  }
0xfa: {  	s17 =	simm.s32 $0x20  }
0xfb: {  	v5 =	vor.u32 s17, v1  }
0xfc: {  	vm1 =	vle.s32 v5, v3;
	vm0 =	veq.f32 v4, v2  }
0xfd: {  	vm2 =	vgt.f32 v4, v2;
	vm0 =	vmand vm1, vm0  }
0xfe: {  	vm0 =	vmor vm2, vm0  }
0xff: {  	v4 =	vsel vm0, $0x1, v0  }
0x100: {  	(xrf0) =	vadd.scan.msk.s32 $0xffff, v4;
	_ =	sdelay $0x5  }
0x101: {  	v4 =	vsel vm0, $0xFFFFFFFF, v0;
	s18 =	spop (v2sf);
	v5, _, _ =	vpop (xrf0)  }
0x102: {  	s15 =	sadd.s32 s15, s18;
	v4 =	vadd.s32 v4, v5  }
0x103: {  	v4 =	vadd.s32 s15, v4  }
0x104: {  	v4 =	vnsel vm0, $0x7B, v4  }
0x105: {  	[tilespmem:s12+$0xFFFFFFA0] =	vst v4  }
0x106: {  	(v2sf) =	vpush v5, $0xF;
	v4 =	vld [tilespmem:s14+$0xFFFFFFB0];
	_ =	sdelay $0x2  }
0x107: {  	s19 =	simm.s32 $0x30  }
0x108: {  	v5 =	vor.u32 s19, v1  }
0x109: {  	vm1 =	vle.s32 v5, v3;
	vm0 =	veq.f32 v4, v2  }
0x10a: {  	vm2 =	vgt.f32 v4, v2;
	vm0 =	vmand vm1, vm0  }
0x10b: {  	vm0 =	vmor vm2, vm0  }
0x10c: {  	v4 =	vsel vm0, $0x1, v0  }
0x10d: {  	(xrf0) =	vadd.scan.msk.s32 $0xffff, v4;
	_ =	sdelay $0x5  }
0x10e: {  	v4 =	vsel vm0, $0xFFFFFFFF, v0;
	s20 =	spop (v2sf);
	v5, _, _ =	vpop (xrf0)  }
0x10f: {  	s15 =	sadd.s32 s15, s20;
	v4 =	vadd.s32 v4, v5  }
0x110: {  	v4 =	vadd.s32 s15, v4  }
0x111: {  	v4 =	vnsel vm0, $0x7B, v4  }
0x112: {  	[tilespmem:s12+$0xFFFFFFB0] =	vst v4  }
0x113: {  	(v2sf) =	vpush v5, $0xF;
	v4 =	vld [tilespmem:s14+$0xFFFFFFC0];
	_ =	sdelay $0x2  }
0x114: {  	s21 =	simm.s32 $0x40  }
0x115: {  	v5 =	vor.u32 s21, v1  }
0x116: {  	vm1 =	vle.s32 v5, v3;
	vm0 =	veq.f32 v4, v2  }
0x117: {  	vm2 =	vgt.f32 v4, v2;
	vm0 =	vmand vm1, vm0  }
0x118: {  	vm0 =	vmor vm2, vm0  }
0x119: {  	v4 =	vsel vm0, $0x1, v0  }
0x11a: {  	(xrf0) =	vadd.scan.msk.s32 $0xffff, v4;
	_ =	sdelay $0x5  }
0x11b: {  	v4 =	vsel vm0, $0xFFFFFFFF, v0;
	s22 =	spop (v2sf);
	v5, _, _ =	vpop (xrf0)  }
0x11c: {  	s15 =	sadd.s32 s15, s22;
	v4 =	vadd.s32 v4, v5  }
0x11d: {  	v4 =	vadd.s32 s15, v4  }
0x11e: {  	v4 =	vnsel vm0, $0x7B, v4  }
0x11f: {  	[tilespmem:s12+$0xFFFFFFC0] =	vst v4  }
0x120: {  	(v2sf) =	vpush v5, $0xF;
	v4 =	vld [tilespmem:s14+$0xFFFFFFD0];
	_ =	sdelay $0x2  }
0x121: {  	s23 =	simm.s32 $0x50  }
0x122: {  	v5 =	vor.u32 s23, v1  }
0x123: {  	vm1 =	vle.s32 v5, v3;
	vm0 =	veq.f32 v4, v2  }
0x124: {  	vm2 =	vgt.f32 v4, v2;
	vm0 =	vmand vm1, vm0  }
0x125: {  	vm0 =	vmor vm2, vm0  }
0x126: {  	v4 =	vsel vm0, $0x1, v0  }
0x127: {  	(xrf0) =	vadd.scan.msk.s32 $0xffff, v4;
	_ =	sdelay $0x5  }
0x128: {  	v4 =	vsel vm0, $0xFFFFFFFF, v0;
	s24 =	spop (v2sf);
	v5, _, _ =	vpop (xrf0)  }
0x129: {  	s15 =	sadd.s32 s15, s24;
	v4 =	vadd.s32 v4, v5  }
0x12a: {  	v4 =	vadd.s32 s15, v4  }
0x12b: {  	v4 =	vnsel vm0, $0x7B, v4  }
0x12c: {  	[tilespmem:s12+$0xFFFFFFD0] =	vst v4  }
0x12d: {  	(v2sf) =	vpush v5, $0xF;
	v4 =	vld [tilespmem:s14+$0xFFFFFFE0];
	_ =	sdelay $0x2  }
0x12e: {  	s25 =	simm.s32 $0x60  }
0x12f: {  	v5 =	vor.u32 s25, v1  }
0x130: {  	vm1 =	vle.s32 v5, v3;
	vm0 =	veq.f32 v4, v2  }
0x131: {  	vm2 =	vgt.f32 v4, v2;
	vm0 =	vmand vm1, vm0  }
0x132: {  	vm0 =	vmor vm2, vm0  }
0x133: {  	v4 =	vsel vm0, $0x1, v0  }
0x134: {  	(xrf0) =	vadd.scan.msk.s32 $0xffff, v4;
	_ =	sdelay $0x5  }
0x135: {  	v4 =	vsel vm0, $0xFFFFFFFF, v0;
	s26 =	spop (v2sf);
	v5, _, _ =	vpop (xrf0)  }
0x136: {  	s15 =	sadd.s32 s15, s26;
	v4 =	vadd.s32 v4, v5  }
0x137: {  	v4 =	vadd.s32 s15, v4  }
0x138: {  	v4 =	vnsel vm0, $0x7B, v4  }
0x139: {  	[tilespmem:s12+$0xFFFFFFE0] =	vst v4  }
0x13a: {  	(v2sf) =	vpush v5, $0xF;
	v4 =	vld [tilespmem:s14+$0xFFFFFFF0];
	_ =	sdelay $0x2  }
0x13b: {  	s28 =	simm.s32 $0x70  }
0x13c: {  	v5 =	vor.u32 s28, v1  }
0x13d: {  	vm1 =	vle.s32 v5, v3;
	vm0 =	veq.f32 v4, v2  }
0x13e: {  	vm2 =	vgt.f32 v4, v2;
	vm0 =	vmand vm1, vm0  }
0x13f: {  	vm0 =	vmor vm2, vm0  }
0x140: {  	v4 =	vsel vm0, $0x1, v0  }
0x141: {  	(xrf0) =	vadd.scan.msk.s32 $0xffff, v4;
	_ =	sdelay $0x5  }
0x142: {  	v4 =	vsel vm0, $0xFFFFFFFF, v0;
	s29 =	spop (v2sf);
	v5, _, _ =	vpop (xrf0)  }
0x143: {  	s15 =	sadd.s32 s15, s29;
	v4 =	vadd.s32 v4, v5  }
0x144: {  	v4 =	vadd.s32 s15, v4  }
0x145: {  	v4 =	vnsel vm0, $0x7B, v4  }
0x146: {  	[tilespmem:s12+$0xFFFFFFF0] =	vst v4  }
0x147: {  	(v2sf) =	vpush v5, $0xF;
	v4 =	vld [tilespmem:s14+$0x0];
	_ =	sdelay $0x2  }
0x148: {  	s30 =	simm.s32 $0x80  }
0x149: {  	v5 =	vor.u32 s30, v1  }
0x14a: {  	vm1 =	vle.s32 v5, v3;
	vm0 =	veq.f32 v4, v2  }
0x14b: {  	vm2 =	vgt.f32 v4, v2;
	vm0 =	vmand vm1, vm0  }
0x14c: {  	vm0 =	vmor vm2, vm0  }
0x14d: {  	v4 =	vsel vm0, $0x1, v0  }
0x14e: {  	(xrf0) =	vadd.scan.msk.s32 $0xffff, v4;
	_ =	sdelay $0x5  }
0x14f: {  	v4 =	vsel vm0, $0xFFFFFFFF, v0;
	s31 =	spop (v2sf);
	v5, _, _ =	vpop (xrf0)  }
0x150: {  	s15 =	sadd.s32 s15, s31;
	v4 =	vadd.s32 v4, v5  }
0x151: {  	v4 =	vadd.s32 s15, v4  }
0x152: {  	v4 =	vnsel vm0, $0x7B, v4  }
0x153: {  	[tilespmem:s12+$0x0] =	vst v4  }
0x154: {  	(v2sf) =	vpush v5, $0xF;
	v4 =	vld [tilespmem:s14+$0x10];
	_ =	sdelay $0x2  }
0x155: {  	s17 =	simm.s32 $0x90  }
0x156: {  	v5 =	vor.u32 s17, v1  }
0x157: {  	vm1 =	vle.s32 v5, v3;
	vm0 =	veq.f32 v4, v2  }
0x158: {  	vm2 =	vgt.f32 v4, v2;
	vm0 =	vmand vm1, vm0  }
0x159: {  	vm0 =	vmor vm2, vm0  }
0x15a: {  	v4 =	vsel vm0, $0x1, v0  }
0x15b: {  	(xrf0) =	vadd.scan.msk.s32 $0xffff, v4;
	_ =	sdelay $0x5  }
0x15c: {  	v4 =	vsel vm0, $0xFFFFFFFF, v0;
	s18 =	spop (v2sf);
	v5, _, _ =	vpop (xrf0)  }
0x15d: {  	s15 =	sadd.s32 s15, s18;
	v4 =	vadd.s32 v4, v5  }
0x15e: {  	v4 =	vadd.s32 s15, v4  }
0x15f: {  	v4 =	vnsel vm0, $0x7B, v4  }
0x160: {  	[tilespmem:s12+$0x10] =	vst v4  }
0x161: {  	(v2sf) =	vpush v5, $0xF;
	v4 =	vld [tilespmem:s14+$0x20];
	_ =	sdelay $0x2  }
0x162: {  	s19 =	simm.s32 $0xA0  }
0x163: {  	v5 =	vor.u32 s19, v1  }
0x164: {  	vm1 =	vle.s32 v5, v3;
	vm0 =	veq.f32 v4, v2  }
0x165: {  	vm2 =	vgt.f32 v4, v2;
	vm0 =	vmand vm1, vm0  }
0x166: {  	vm0 =	vmor vm2, vm0  }
0x167: {  	v4 =	vsel vm0, $0x1, v0  }
0x168: {  	(xrf0) =	vadd.scan.msk.s32 $0xffff, v4;
	_ =	sdelay $0x5  }
0x169: {  	v4 =	vsel vm0, $0xFFFFFFFF, v0;
	s20 =	spop (v2sf);
	v5, _, _ =	vpop (xrf0)  }
0x16a: {  	s15 =	sadd.s32 s15, s20;
	v4 =	vadd.s32 v4, v5  }
0x16b: {  	v4 =	vadd.s32 s15, v4  }
0x16c: {  	v4 =	vnsel vm0, $0x7B, v4  }
0x16d: {  	[tilespmem:s12+$0x20] =	vst v4  }
0x16e: {  	(v2sf) =	vpush v5, $0xF;
	v4 =	vld [tilespmem:s14+$0x30];
	_ =	sdelay $0x2  }
0x16f: {  	s21 =	simm.s32 $0xB0  }
0x170: {  	v5 =	vor.u32 s21, v1  }
0x171: {  	vm1 =	vle.s32 v5, v3;
	vm0 =	veq.f32 v4, v2  }
0x172: {  	vm2 =	vgt.f32 v4, v2;
	vm0 =	vmand vm1, vm0  }
0x173: {  	vm0 =	vmor vm2, vm0  }
0x174: {  	v4 =	vsel vm0, $0x1, v0  }
0x175: {  	(xrf0) =	vadd.scan.msk.s32 $0xffff, v4;
	_ =	sdelay $0x5  }
0x176: {  	v4 =	vsel vm0, $0xFFFFFFFF, v0;
	s22 =	spop (v2sf);
	v5, _, _ =	vpop (xrf0)  }
0x177: {  	s15 =	sadd.s32 s15, s22;
	v4 =	vadd.s32 v4, v5  }
0x178: {  	v4 =	vadd.s32 s15, v4  }
0x179: {  	v4 =	vnsel vm0, $0x7B, v4  }
0x17a: {  	[tilespmem:s12+$0x30] =	vst v4  }
0x17b: {  	(v2sf) =	vpush v5, $0xF;
	v4 =	vld [tilespmem:s14+$0x40];
	_ =	sdelay $0x2  }
0x17c: {  	s23 =	simm.s32 $0xC0  }
0x17d: {  	v5 =	vor.u32 s23, v1  }
0x17e: {  	vm1 =	vle.s32 v5, v3;
	vm0 =	veq.f32 v4, v2  }
0x17f: {  	vm2 =	vgt.f32 v4, v2;
	vm0 =	vmand vm1, vm0  }
0x180: {  	vm0 =	vmor vm2, vm0  }
0x181: {  	v4 =	vsel vm0, $0x1, v0  }
0x182: {  	(xrf0) =	vadd.scan.msk.s32 $0xffff, v4;
	_ =	sdelay $0x5  }
0x183: {  	v4 =	vsel vm0, $0xFFFFFFFF, v0;
	s24 =	spop (v2sf);
	v5, _, _ =	vpop (xrf0)  }
0x184: {  	s15 =	sadd.s32 s15, s24;
	v4 =	vadd.s32 v4, v5  }
0x185: {  	v4 =	vadd.s32 s15, v4  }
0x186: {  	v4 =	vnsel vm0, $0x7B, v4  }
0x187: {  	[tilespmem:s12+$0x40] =	vst v4  }
0x188: {  	(v2sf) =	vpush v5, $0xF;
	v4 =	vld [tilespmem:s14+$0x50];
	_ =	sdelay $0x2  }
0x189: {  	s25 =	simm.s32 $0xD0  }
0x18a: {  	v5 =	vor.u32 s25, v1  }
0x18b: {  	vm1 =	vle.s32 v5, v3;
	vm0 =	veq.f32 v4, v2  }
0x18c: {  	vm2 =	vgt.f32 v4, v2;
	vm0 =	vmand vm1, vm0  }
0x18d: {  	vm0 =	vmor vm2, vm0  }
0x18e: {  	v4 =	vsel vm0, $0x1, v0  }
0x18f: {  	(xrf0) =	vadd.scan.msk.s32 $0xffff, v4;
	_ =	sdelay $0x5  }
0x190: {  	v4 =	vsel vm0, $0xFFFFFFFF, v0;
	s26 =	spop (v2sf);
	v5, _, _ =	vpop (xrf0)  }
0x191: {  	s15 =	sadd.s32 s15, s26;
	v4 =	vadd.s32 v4, v5  }
0x192: {  	v4 =	vadd.s32 s15, v4  }
0x193: {  	v4 =	vnsel vm0, $0x7B, v4  }
0x194: {  	[tilespmem:s12+$0x50] =	vst v4  }
0x195: {  	(v2sf) =	vpush v5, $0xF;
	v4 =	vld [tilespmem:s14+$0x60];
	_ =	sdelay $0x2  }
0x196: {  	s28 =	simm.s32 $0xE0  }
0x197: {  	v5 =	vor.u32 s28, v1  }
0x198: {  	vm1 =	vle.s32 v5, v3;
	vm0 =	veq.f32 v4, v2  }
0x199: {  	vm2 =	vgt.f32 v4, v2;
	vm0 =	vmand vm1, vm0  }
0x19a: {  	vm0 =	vmor vm2, vm0  }
0x19b: {  	v4 =	vsel vm0, $0x1, v0  }
0x19c: {  	(xrf0) =	vadd.scan.msk.s32 $0xffff, v4;
	_ =	sdelay $0x5  }
0x19d: {  	v4 =	vsel vm0, $0xFFFFFFFF, v0;
	s29 =	spop (v2sf);
	v5, _, _ =	vpop (xrf0)  }
0x19e: {  	s15 =	sadd.s32 s15, s29;
	v4 =	vadd.s32 v4, v5  }
0x19f: {  	v4 =	vadd.s32 s15, v4  }
0x1a0: {  	v4 =	vnsel vm0, $0x7B, v4  }
0x1a1: {  	[tilespmem:s12+$0x60] =	vst v4  }
0x1a2: {  	(v2sf) =	vpush v5, $0xF;
	v4 =	vld [tilespmem:s14+$0x70];
	_ =	sdelay $0x2  }
0x1a3: {  	s13 =	simm.s32 $0xF0  }
0x1a4: {  	v5 =	vor.u32 s13, v1  }
0x1a5: {  	vm1 =	vle.s32 v5, v3;
	vm0 =	veq.f32 v4, v2  }
0x1a6: {  	vm2 =	vgt.f32 v4, v2;
	vm0 =	vmand vm1, vm0  }
0x1a7: {  	vm0 =	vmor vm2, vm0  }
0x1a8: {  	v4 =	vsel vm0, $0x1, v0  }
0x1a9: {  	(xrf0) =	vadd.scan.msk.s32 $0xffff, v4;
	_ =	sdelay $0x5  }
0x1aa: {  	v5 =	vsel vm0, $0xFFFFFFFF, v0;
	s30 =	spop (v2sf);
	v4, _, _ =	vpop (xrf0)  }
0x1ab: {  	s16 =	sadd.s32 s15, s30;
	(v2sf) =	vpush v4, $0xF;
	v4 =	vadd.s32 v5, v4  }
0x1ac: {  	v4 =	vadd.s32 s16, v4  }
0x1ad: {  	v4 =	vnsel vm0, $0x7B, v4  }
0x1ae: {  	s13 =	simm.s32 $0x180;
	[tilespmem:s12+$0x70] =	vst v4  }
0x1af: {  	v4 =	vld [tilespmem:s13+$0xFFFFFF80];
	_ =	sdelay $0x2  }
0x1b0: {  	s31 =	simm.s32 $0x100  }
0x1b1: {  	v5 =	vor.u32 s31, v1  }
0x1b2: {  	vm1 =	vle.s32 v5, v3;
	vm0 =	veq.f32 v4, v2  }
0x1b3: {  	vm2 =	vgt.f32 v4, v2;
	vm0 =	vmand vm1, vm0  }
0x1b4: {  	vm0 =	vmor vm2, vm0  }
0x1b5: {  	v4 =	vsel vm0, $0x1, v0  }
0x1b6: {  	(xrf0) =	vadd.scan.msk.s32 $0xffff, v4;
	_ =	sdelay $0x1  }
0x1b7: {  	s14 =	simm.s32 $0x1F0;
	s15 =	simm.s32 $0x10;
	s17 =	spop (v2sf)  }
.LBB2_12:
0x1b8: {  	s15 =	sadd.s32 $0x10, s15;
	s16 =	sadd.s32 s16, s17;
	s12 =	sadd.s32 $0x100, s12  }
0x1b9: {  	p0 =	slt.u32 s15, $0x70  }
0x1ba: {  	v4 =	vsel vm0, $0xFFFFFFFF, v0  }
0x1bb: {  	v4 =	vadd.s32 s16, v4;
	v5, _, _ =	vpop (xrf0)  }
0x1bc: {  	v4 =	vadd.s32 v5, v4;
	(v2sf) =	vpush v5, $0xF  }
0x1bd: {  	v4 =	vnsel vm0, $0x7B, v4  }
0x1be: {  	[tilespmem:s12+$0xFFFFFF80] =	vst v4  }
0x1bf: {  	v4 =	vld [tilespmem:s13+$0xFFFFFF90];
	_ =	sdelay $0x2  }
0x1c0: {  	s17 =	sadd.s32 $0xFFFFFF20, s14  }
0x1c1: {  	v5 =	vor.u32 s17, v1  }
0x1c2: {  	vm1 =	vle.s32 v5, v3;
	vm0 =	veq.f32 v4, v2  }
0x1c3: {  	vm2 =	vgt.f32 v4, v2;
	vm0 =	vmand vm1, vm0  }
0x1c4: {  	vm0 =	vmor vm2, vm0  }
0x1c5: {  	v4 =	vsel vm0, $0x1, v0  }
0x1c6: {  	(xrf0) =	vadd.scan.msk.s32 $0xffff, v4;
	_ =	sdelay $0x2  }
0x1c7: {  	s17 =	spop (v2sf);
	_ =	sdelay $0x2  }
0x1c8: {  	v4 =	vsel vm0, $0xFFFFFFFF, v0;
	v5, _, _ =	vpop (xrf0)  }
0x1c9: {  	s16 =	sadd.s32 s16, s17;
	v4 =	vadd.s32 v4, v5;
	(v2sf) =	vpush v5, $0xF  }
0x1ca: {  	v4 =	vadd.s32 s16, v4  }
0x1cb: {  	v4 =	vnsel vm0, $0x7B, v4  }
0x1cc: {  	[tilespmem:s12+$0xFFFFFF90] =	vst v4  }
0x1cd: {  	v4 =	vld [tilespmem:s13+$0xFFFFFFA0];
	_ =	sdelay $0x2  }
0x1ce: {  	s17 =	sadd.s32 $0xFFFFFF30, s14  }
0x1cf: {  	v5 =	vor.u32 s17, v1  }
0x1d0: {  	vm1 =	vle.s32 v5, v3;
	vm0 =	veq.f32 v4, v2  }
0x1d1: {  	vm2 =	vgt.f32 v4, v2;
	vm0 =	vmand vm1, vm0  }
0x1d2: {  	vm0 =	vmor vm2, vm0  }
0x1d3: {  	v4 =	vsel vm0, $0x1, v0  }
0x1d4: {  	(xrf0) =	vadd.scan.msk.s32 $0xffff, v4;
	_ =	sdelay $0x1  }
0x1d5: {  	s17 =	spop (v2sf)  }
0x1d6: {  	s16 =	sadd.s32 s16, s17;
	_ =	sdelay $0x2  }
0x1d7: {  	v4 =	vsel vm0, $0xFFFFFFFF, v0;
	v5, _, _ =	vpop (xrf0)  }
0x1d8: {  	v4 =	vadd.s32 v4, v5;
	(v2sf) =	vpush v5, $0xF  }
0x1d9: {  	v4 =	vadd.s32 s16, v4  }
0x1da: {  	v4 =	vnsel vm0, $0x7B, v4  }
0x1db: {  	[tilespmem:s12+$0xFFFFFFA0] =	vst v4  }
0x1dc: {  	v4 =	vld [tilespmem:s13+$0xFFFFFFB0];
	_ =	sdelay $0x2  }
0x1dd: {  	s17 =	sadd.s32 $0xFFFFFF40, s14  }
0x1de: {  	v5 =	vor.u32 s17, v1  }
0x1df: {  	vm1 =	vle.s32 v5, v3;
	vm0 =	veq.f32 v4, v2  }
0x1e0: {  	vm2 =	vgt.f32 v4, v2;
	vm0 =	vmand vm1, vm0  }
0x1e1: {  	vm0 =	vmor vm2, vm0  }
0x1e2: {  	v4 =	vsel vm0, $0x1, v0  }
0x1e3: {  	(xrf0) =	vadd.scan.msk.s32 $0xffff, v4;
	_ =	sdelay $0x1  }
0x1e4: {  	s17 =	spop (v2sf)  }
0x1e5: {  	s16 =	sadd.s32 s16, s17;
	_ =	sdelay $0x2  }
0x1e6: {  	v4 =	vsel vm0, $0xFFFFFFFF, v0;
	v5, _, _ =	vpop (xrf0)  }
0x1e7: {  	v4 =	vadd.s32 v4, v5;
	(v2sf) =	vpush v5, $0xF  }
0x1e8: {  	v4 =	vadd.s32 s16, v4  }
0x1e9: {  	v4 =	vnsel vm0, $0x7B, v4  }
0x1ea: {  	[tilespmem:s12+$0xFFFFFFB0] =	vst v4  }
0x1eb: {  	v4 =	vld [tilespmem:s13+$0xFFFFFFC0];
	_ =	sdelay $0x2  }
0x1ec: {  	s17 =	sadd.s32 $0xFFFFFF50, s14  }
0x1ed: {  	v5 =	vor.u32 s17, v1  }
0x1ee: {  	vm1 =	vle.s32 v5, v3;
	vm0 =	veq.f32 v4, v2  }
0x1ef: {  	vm2 =	vgt.f32 v4, v2;
	vm0 =	vmand vm1, vm0  }
0x1f0: {  	vm0 =	vmor vm2, vm0  }
0x1f1: {  	v4 =	vsel vm0, $0x1, v0  }
0x1f2: {  	(xrf0) =	vadd.scan.msk.s32 $0xffff, v4;
	_ =	sdelay $0x1  }
0x1f3: {  	s17 =	spop (v2sf)  }
0x1f4: {  	s16 =	sadd.s32 s16, s17;
	_ =	sdelay $0x2  }
0x1f5: {  	v4 =	vsel vm0, $0xFFFFFFFF, v0;
	v5, _, _ =	vpop (xrf0)  }
0x1f6: {  	v4 =	vadd.s32 v4, v5;
	(v2sf) =	vpush v5, $0xF  }
0x1f7: {  	v4 =	vadd.s32 s16, v4  }
0x1f8: {  	v4 =	vnsel vm0, $0x7B, v4  }
0x1f9: {  	[tilespmem:s12+$0xFFFFFFC0] =	vst v4  }
0x1fa: {  	v4 =	vld [tilespmem:s13+$0xFFFFFFD0];
	_ =	sdelay $0x2  }
0x1fb: {  	s17 =	sadd.s32 $0xFFFFFF60, s14  }
0x1fc: {  	v5 =	vor.u32 s17, v1  }
0x1fd: {  	vm1 =	vle.s32 v5, v3;
	vm0 =	veq.f32 v4, v2  }
0x1fe: {  	vm2 =	vgt.f32 v4, v2;
	vm0 =	vmand vm1, vm0  }
0x1ff: {  	vm0 =	vmor vm2, vm0  }
0x200: {  	v4 =	vsel vm0, $0x1, v0  }
0x201: {  	(xrf0) =	vadd.scan.msk.s32 $0xffff, v4;
	_ =	sdelay $0x1  }
0x202: {  	s17 =	spop (v2sf)  }
0x203: {  	s16 =	sadd.s32 s16, s17;
	_ =	sdelay $0x2  }
0x204: {  	v4 =	vsel vm0, $0xFFFFFFFF, v0;
	v5, _, _ =	vpop (xrf0)  }
0x205: {  	v4 =	vadd.s32 v4, v5;
	(v2sf) =	vpush v5, $0xF  }
0x206: {  	v4 =	vadd.s32 s16, v4  }
0x207: {  	v4 =	vnsel vm0, $0x7B, v4  }
0x208: {  	[tilespmem:s12+$0xFFFFFFD0] =	vst v4  }
0x209: {  	v4 =	vld [tilespmem:s13+$0xFFFFFFE0];
	_ =	sdelay $0x2  }
0x20a: {  	s17 =	sadd.s32 $0xFFFFFF70, s14  }
0x20b: {  	v5 =	vor.u32 s17, v1  }
0x20c: {  	vm1 =	vle.s32 v5, v3;
	vm0 =	veq.f32 v4, v2  }
0x20d: {  	vm2 =	vgt.f32 v4, v2;
	vm0 =	vmand vm1, vm0  }
0x20e: {  	vm0 =	vmor vm2, vm0  }
0x20f: {  	v4 =	vsel vm0, $0x1, v0  }
0x210: {  	(xrf0) =	vadd.scan.msk.s32 $0xffff, v4;
	_ =	sdelay $0x1  }
0x211: {  	s17 =	spop (v2sf)  }
0x212: {  	s16 =	sadd.s32 s16, s17;
	_ =	sdelay $0x2  }
0x213: {  	v4 =	vsel vm0, $0xFFFFFFFF, v0;
	v5, _, _ =	vpop (xrf0)  }
0x214: {  	v4 =	vadd.s32 v4, v5;
	(v2sf) =	vpush v5, $0xF  }
0x215: {  	v4 =	vadd.s32 s16, v4  }
0x216: {  	v4 =	vnsel vm0, $0x7B, v4  }
0x217: {  	[tilespmem:s12+$0xFFFFFFE0] =	vst v4  }
0x218: {  	v4 =	vld [tilespmem:s13+$0xFFFFFFF0];
	_ =	sdelay $0x2  }
0x219: {  	s17 =	sadd.s32 $0xFFFFFF80, s14  }
0x21a: {  	v5 =	vor.u32 s17, v1  }
0x21b: {  	vm1 =	vle.s32 v5, v3;
	vm0 =	veq.f32 v4, v2  }
0x21c: {  	vm2 =	vgt.f32 v4, v2;
	vm0 =	vmand vm1, vm0  }
0x21d: {  	vm0 =	vmor vm2, vm0  }
0x21e: {  	v4 =	vsel vm0, $0x1, v0  }
0x21f: {  	(xrf0) =	vadd.scan.msk.s32 $0xffff, v4;
	_ =	sdelay $0x1  }
0x220: {  	s17 =	spop (v2sf)  }
0x221: {  	s16 =	sadd.s32 s16, s17;
	_ =	sdelay $0x2  }
0x222: {  	v4 =	vsel vm0, $0xFFFFFFFF, v0;
	v5, _, _ =	vpop (xrf0)  }
0x223: {  	v4 =	vadd.s32 v4, v5;
	(v2sf) =	vpush v5, $0xF  }
0x224: {  	v4 =	vadd.s32 s16, v4  }
0x225: {  	v4 =	vnsel vm0, $0x7B, v4  }
0x226: {  	[tilespmem:s12+$0xFFFFFFF0] =	vst v4  }
0x227: {  	v4 =	vld [tilespmem:s13+$0x0];
	_ =	sdelay $0x2  }
0x228: {  	s17 =	sadd.s32 $0xFFFFFF90, s14  }
0x229: {  	v5 =	vor.u32 s17, v1  }
0x22a: {  	vm1 =	vle.s32 v5, v3;
	vm0 =	veq.f32 v4, v2  }
0x22b: {  	vm2 =	vgt.f32 v4, v2;
	vm0 =	vmand vm1, vm0  }
0x22c: {  	vm0 =	vmor vm2, vm0  }
0x22d: {  	v4 =	vsel vm0, $0x1, v0  }
0x22e: {  	(xrf0) =	vadd.scan.msk.s32 $0xffff, v4;
	_ =	sdelay $0x1  }
0x22f: {  	s17 =	spop (v2sf)  }
0x230: {  	s16 =	sadd.s32 s16, s17;
	_ =	sdelay $0x2  }
0x231: {  	v4 =	vsel vm0, $0xFFFFFFFF, v0;
	v5, _, _ =	vpop (xrf0)  }
0x232: {  	v4 =	vadd.s32 v4, v5;
	(v2sf) =	vpush v5, $0xF  }
0x233: {  	v4 =	vadd.s32 s16, v4  }
0x234: {  	v4 =	vnsel vm0, $0x7B, v4  }
0x235: {  	[tilespmem:s12+$0x0] =	vst v4  }
0x236: {  	v4 =	vld [tilespmem:s13+$0x10];
	_ =	sdelay $0x2  }
0x237: {  	s17 =	sadd.s32 $0xFFFFFFA0, s14  }
0x238: {  	v5 =	vor.u32 s17, v1  }
0x239: {  	vm1 =	vle.s32 v5, v3;
	vm0 =	veq.f32 v4, v2  }
0x23a: {  	vm2 =	vgt.f32 v4, v2;
	vm0 =	vmand vm1, vm0  }
0x23b: {  	vm0 =	vmor vm2, vm0  }
0x23c: {  	v4 =	vsel vm0, $0x1, v0  }
0x23d: {  	(xrf0) =	vadd.scan.msk.s32 $0xffff, v4;
	_ =	sdelay $0x1  }
0x23e: {  	s17 =	spop (v2sf)  }
0x23f: {  	s16 =	sadd.s32 s16, s17;
	_ =	sdelay $0x2  }
0x240: {  	v4 =	vsel vm0, $0xFFFFFFFF, v0;
	v5, _, _ =	vpop (xrf0)  }
0x241: {  	v4 =	vadd.s32 v4, v5;
	(v2sf) =	vpush v5, $0xF  }
0x242: {  	v4 =	vadd.s32 s16, v4  }
0x243: {  	v4 =	vnsel vm0, $0x7B, v4  }
0x244: {  	[tilespmem:s12+$0x10] =	vst v4  }
0x245: {  	v4 =	vld [tilespmem:s13+$0x20];
	_ =	sdelay $0x2  }
0x246: {  	s17 =	sadd.s32 $0xFFFFFFB0, s14  }
0x247: {  	v5 =	vor.u32 s17, v1  }
0x248: {  	vm1 =	vle.s32 v5, v3;
	vm0 =	veq.f32 v4, v2  }
0x249: {  	vm2 =	vgt.f32 v4, v2;
	vm0 =	vmand vm1, vm0  }
0x24a: {  	vm0 =	vmor vm2, vm0  }
0x24b: {  	v4 =	vsel vm0, $0x1, v0  }
0x24c: {  	(xrf0) =	vadd.scan.msk.s32 $0xffff, v4;
	_ =	sdelay $0x1  }
0x24d: {  	s17 =	spop (v2sf)  }
0x24e: {  	s16 =	sadd.s32 s16, s17;
	_ =	sdelay $0x2  }
0x24f: {  	v4 =	vsel vm0, $0xFFFFFFFF, v0;
	v5, _, _ =	vpop (xrf0)  }
0x250: {  	v4 =	vadd.s32 v4, v5;
	(v2sf) =	vpush v5, $0xF  }
0x251: {  	v4 =	vadd.s32 s16, v4  }
0x252: {  	v4 =	vnsel vm0, $0x7B, v4  }
0x253: {  	[tilespmem:s12+$0x20] =	vst v4  }
0x254: {  	v4 =	vld [tilespmem:s13+$0x30];
	_ =	sdelay $0x2  }
0x255: {  	s17 =	sadd.s32 $0xFFFFFFC0, s14  }
0x256: {  	v5 =	vor.u32 s17, v1  }
0x257: {  	vm1 =	vle.s32 v5, v3;
	vm0 =	veq.f32 v4, v2  }
0x258: {  	vm2 =	vgt.f32 v4, v2;
	vm0 =	vmand vm1, vm0  }
0x259: {  	vm0 =	vmor vm2, vm0  }
0x25a: {  	v4 =	vsel vm0, $0x1, v0  }
0x25b: {  	(xrf0) =	vadd.scan.msk.s32 $0xffff, v4;
	_ =	sdelay $0x1  }
0x25c: {  	s17 =	spop (v2sf)  }
0x25d: {  	s16 =	sadd.s32 s16, s17;
	_ =	sdelay $0x2  }
0x25e: {  	v4 =	vsel vm0, $0xFFFFFFFF, v0;
	v5, _, _ =	vpop (xrf0)  }
0x25f: {  	v4 =	vadd.s32 v4, v5;
	(v2sf) =	vpush v5, $0xF  }
0x260: {  	v4 =	vadd.s32 s16, v4  }
0x261: {  	v4 =	vnsel vm0, $0x7B, v4  }
0x262: {  	[tilespmem:s12+$0x30] =	vst v4  }
0x263: {  	v4 =	vld [tilespmem:s13+$0x40];
	_ =	sdelay $0x2  }
0x264: {  	s17 =	sadd.s32 $0xFFFFFFD0, s14  }
0x265: {  	v5 =	vor.u32 s17, v1  }
0x266: {  	vm1 =	vle.s32 v5, v3;
	vm0 =	veq.f32 v4, v2  }
0x267: {  	vm2 =	vgt.f32 v4, v2;
	vm0 =	vmand vm1, vm0  }
0x268: {  	vm0 =	vmor vm2, vm0  }
0x269: {  	v4 =	vsel vm0, $0x1, v0  }
0x26a: {  	(xrf0) =	vadd.scan.msk.s32 $0xffff, v4;
	_ =	sdelay $0x1  }
0x26b: {  	s17 =	spop (v2sf)  }
0x26c: {  	s16 =	sadd.s32 s16, s17;
	_ =	sdelay $0x2  }
0x26d: {  	v4 =	vsel vm0, $0xFFFFFFFF, v0;
	v5, _, _ =	vpop (xrf0)  }
0x26e: {  	v4 =	vadd.s32 v4, v5;
	(v2sf) =	vpush v5, $0xF  }
0x26f: {  	v4 =	vadd.s32 s16, v4  }
0x270: {  	v4 =	vnsel vm0, $0x7B, v4  }
0x271: {  	[tilespmem:s12+$0x40] =	vst v4  }
0x272: {  	v4 =	vld [tilespmem:s13+$0x50];
	_ =	sdelay $0x2  }
0x273: {  	s17 =	sadd.s32 $0xFFFFFFE0, s14  }
0x274: {  	v5 =	vor.u32 s17, v1  }
0x275: {  	vm1 =	vle.s32 v5, v3;
	vm0 =	veq.f32 v4, v2  }
0x276: {  	vm2 =	vgt.f32 v4, v2;
	vm0 =	vmand vm1, vm0  }
0x277: {  	vm0 =	vmor vm2, vm0  }
0x278: {  	v4 =	vsel vm0, $0x1, v0  }
0x279: {  	(xrf0) =	vadd.scan.msk.s32 $0xffff, v4;
	_ =	sdelay $0x1  }
0x27a: {  	s17 =	spop (v2sf)  }
0x27b: {  	s16 =	sadd.s32 s16, s17;
	_ =	sdelay $0x2  }
0x27c: {  	v4 =	vsel vm0, $0xFFFFFFFF, v0;
	v5, _, _ =	vpop (xrf0)  }
0x27d: {  	v4 =	vadd.s32 v4, v5;
	(v2sf) =	vpush v5, $0xF  }
0x27e: {  	v4 =	vadd.s32 s16, v4  }
0x27f: {  	v4 =	vnsel vm0, $0x7B, v4  }
0x280: {  	[tilespmem:s12+$0x50] =	vst v4  }
0x281: {  	v4 =	vld [tilespmem:s13+$0x60];
	_ =	sdelay $0x2  }
0x282: {  	s17 =	sadd.s32 $0xFFFFFFF0, s14  }
0x283: {  	v5 =	vor.u32 s17, v1  }
0x284: {  	vm1 =	vle.s32 v5, v3;
	vm0 =	veq.f32 v4, v2  }
0x285: {  	vm2 =	vgt.f32 v4, v2;
	vm0 =	vmand vm1, vm0  }
0x286: {  	vm0 =	vmor vm2, vm0  }
0x287: {  	v4 =	vsel vm0, $0x1, v0  }
0x288: {  	(xrf0) =	vadd.scan.msk.s32 $0xffff, v4;
	_ =	sdelay $0x1  }
0x289: {  	s17 =	spop (v2sf)  }
0x28a: {  	s16 =	sadd.s32 s16, s17;
	_ =	sdelay $0x2  }
0x28b: {  	v4 =	vsel vm0, $0xFFFFFFFF, v0;
	v5, _, _ =	vpop (xrf0)  }
0x28c: {  	v4 =	vadd.s32 v4, v5;
	(v2sf) =	vpush v5, $0xF  }
0x28d: {  	v4 =	vadd.s32 s16, v4  }
0x28e: {  	v4 =	vnsel vm0, $0x7B, v4  }
0x28f: {  	[tilespmem:s12+$0x60] =	vst v4  }
0x290: {  	v4 =	vld [tilespmem:s13+$0x70];
	_ =	sdelay $0x3  }
0x291: {  	v5 =	vor.u32 s14, v1  }
0x292: {  	vm1 =	vle.s32 v5, v3;
	vm0 =	veq.f32 v4, v2  }
0x293: {  	vm2 =	vgt.f32 v4, v2;
	vm0 =	vmand vm1, vm0  }
0x294: {  	vm0 =	vmor vm2, vm0  }
0x295: {  	v4 =	vsel vm0, $0x1, v0  }
0x296: {  	(xrf0) =	vadd.scan.msk.s32 $0xffff, v4;
	_ =	sdelay $0x1  }
0x297: {  	s17 =	spop (v2sf);
	_ =	sdelay $0x3  }
0x298: {  	v4 =	vsel vm0, $0xFFFFFFFF, v0;
	v5, _, _ =	vpop (xrf0)  }
0x299: {  	s16 =	sadd.s32 s16, s17;
	v4 =	vadd.s32 v4, v5;
	(v2sf) =	vpush v5, $0xF  }
0x29a: {  	v4 =	vadd.s32 s16, v4  }
0x29b: {  	v4 =	vnsel vm0, $0x7B, v4  }
0x29c: {  	s13 =	sadd.s32 $0x100, s13;
	[tilespmem:s12+$0x70] =	vst v4  }
0x29d: {  	v4 =	vld [tilespmem:s13+$0xFFFFFF80];
	_ =	sdelay $0x1  }
0x29e: {  	s14 =	sadd.s32 $0x100, s14  }
0x29f: {  	s17 =	sadd.s32 $0xFFFFFF10, s14  }
0x2a0: {  	v5 =	vor.u32 s17, v1  }
0x2a1: {  	vm1 =	vle.s32 v5, v3;
	vm0 =	veq.f32 v4, v2  }
0x2a2: {  	vm2 =	vgt.f32 v4, v2;
	vm0 =	vmand vm1, vm0  }
.Ltmp5:
0x2a3: {  	vm0 =	vmor vm2, vm0;
	(pc) =	sbr.rel @p0 .LBB2_12-.Ltmp5, $3  }
0x2a4: {  	v4 =	vsel vm0, $0x1, v0  }
0x2a5: {  	(xrf0) =	vadd.scan.msk.s32 $0xffff, v4;
	_ =	sdelay $0x1  }
0x2a6: {  	s17 =	spop (v2sf)  }
0x2a7: {  	_ =	sdelay $0x1  }
0x2a8: {  	s15 =	sadd.s32 s16, s17;
	v4 =	vsel vm0, $0xFFFFFFFF, v0  }
0x2a9: {  	v4 =	vadd.s32 s15, v4;
	v5, _, _ =	vpop (xrf0)  }
0x2aa: {  	v4 =	vadd.s32 v5, v4  }
0x2ab: {  	s12 =	sadd.s32 $0x100, s12;
	v4 =	vnsel vm0, $0x7B, v4  }
0x2ac: {  	[tilespmem:s12+$0xFFFFFF80] =	vst v4  }
0x2ad: {  	(v2sf) =	vpush v5, $0xF;
	v4 =	vld [tilespmem:s13+$0xFFFFFF90];
	_ =	sdelay $0x2  }
0x2ae: {  	s30 =	sadd.s32 $0xFFFFFF20, s14  }
0x2af: {  	v8 =	vor.u32 s30, v1  }
0x2b0: {  	vm1 =	vle.s32 v8, v3;
	vm9 =	veq.f32 v4, v2  }
0x2b1: {  	vm2 =	vgt.f32 v4, v2;
	vm0 =	vmand vm1, vm9  }
0x2b2: {  	vm0 =	vmor vm2, vm0  }
0x2b3: {  	v9 =	vsel vm0, $0x1, v0  }
0x2b4: {  	(xrf0) =	vadd.scan.msk.s32 $0xffff, v9;
	_ =	sdelay $0x5  }
0x2b5: {  	v10 =	vsel vm0, $0xFFFFFFFF, v0;
	s31 =	spop (v2sf);
	v11, _, _ =	vpop (xrf0)  }
0x2b6: {  	s15 =	sadd.s32 s15, s31;
	v4 =	vadd.s32 v10, v11  }
0x2b7: {  	v4 =	vadd.s32 s15, v4  }
0x2b8: {  	v4 =	vnsel vm0, $0x7B, v4  }
0x2b9: {  	[tilespmem:s12+$0xFFFFFF90] =	vst v4  }
0x2ba: {  	(v2sf) =	vpush v11, $0xF;
	v4 =	vld [tilespmem:s13+$0xFFFFFFA0];
	_ =	sdelay $0x2  }
0x2bb: {  	s17 =	sadd.s32 $0xFFFFFF30, s14  }
0x2bc: {  	v12 =	vor.u32 s17, v1  }
0x2bd: {  	vm11 =	vle.s32 v12, v3;
	vm10 =	veq.f32 v4, v2  }
0x2be: {  	vm12 =	vgt.f32 v4, v2;
	vm0 =	vmand vm11, vm10  }
0x2bf: {  	vm0 =	vmor vm12, vm0  }
0x2c0: {  	v13 =	vsel vm0, $0x1, v0  }
0x2c1: {  	(xrf0) =	vadd.scan.msk.s32 $0xffff, v13;
	_ =	sdelay $0x5  }
0x2c2: {  	v14 =	vsel vm0, $0xFFFFFFFF, v0;
	s18 =	spop (v2sf);
	v15, _, _ =	vpop (xrf0)  }
0x2c3: {  	s15 =	sadd.s32 s15, s18;
	v4 =	vadd.s32 v14, v15  }
0x2c4: {  	v4 =	vadd.s32 s15, v4  }
0x2c5: {  	v4 =	vnsel vm0, $0x7B, v4  }
0x2c6: {  	[tilespmem:s12+$0xFFFFFFA0] =	vst v4  }
0x2c7: {  	(v2sf) =	vpush v15, $0xF;
	v4 =	vld [tilespmem:s13+$0xFFFFFFB0];
	_ =	sdelay $0x2  }
0x2c8: {  	s19 =	sadd.s32 $0xFFFFFF40, s14  }
0x2c9: {  	v16 =	vor.u32 s19, v1  }
0x2ca: {  	vm14 =	vle.s32 v16, v3;
	vm13 =	veq.f32 v4, v2  }
0x2cb: {  	vm15 =	vgt.f32 v4, v2;
	vm0 =	vmand vm14, vm13  }
0x2cc: {  	vm0 =	vmor vm15, vm0  }
0x2cd: {  	v17 =	vsel vm0, $0x1, v0  }
0x2ce: {  	(xrf0) =	vadd.scan.msk.s32 $0xffff, v17;
	_ =	sdelay $0x5  }
0x2cf: {  	v18 =	vsel vm0, $0xFFFFFFFF, v0;
	s20 =	spop (v2sf);
	v19, _, _ =	vpop (xrf0)  }
0x2d0: {  	s15 =	sadd.s32 s15, s20;
	v4 =	vadd.s32 v18, v19  }
0x2d1: {  	v4 =	vadd.s32 s15, v4  }
0x2d2: {  	v4 =	vnsel vm0, $0x7B, v4  }
0x2d3: {  	[tilespmem:s12+$0xFFFFFFB0] =	vst v4  }
0x2d4: {  	(v2sf) =	vpush v19, $0xF;
	v4 =	vld [tilespmem:s13+$0xFFFFFFC0];
	_ =	sdelay $0x2  }
0x2d5: {  	s21 =	sadd.s32 $0xFFFFFF50, s14  }
0x2d6: {  	v20 =	vor.u32 s21, v1  }
0x2d7: {  	vm5 =	vle.s32 v20, v3;
	vm4 =	veq.f32 v4, v2  }
0x2d8: {  	vm6 =	vgt.f32 v4, v2;
	vm0 =	vmand vm5, vm4  }
0x2d9: {  	vm0 =	vmor vm6, vm0  }
0x2da: {  	v21 =	vsel vm0, $0x1, v0  }
0x2db: {  	(xrf0) =	vadd.scan.msk.s32 $0xffff, v21;
	_ =	sdelay $0x5  }
0x2dc: {  	v22 =	vsel vm0, $0xFFFFFFFF, v0;
	s22 =	spop (v2sf);
	v23, _, _ =	vpop (xrf0)  }
0x2dd: {  	s15 =	sadd.s32 s15, s22;
	v4 =	vadd.s32 v22, v23  }
0x2de: {  	v4 =	vadd.s32 s15, v4  }
0x2df: {  	v4 =	vnsel vm0, $0x7B, v4  }
0x2e0: {  	[tilespmem:s12+$0xFFFFFFC0] =	vst v4  }
0x2e1: {  	(v2sf) =	vpush v23, $0xF;
	v4 =	vld [tilespmem:s13+$0xFFFFFFD0];
	_ =	sdelay $0x2  }
0x2e2: {  	s23 =	sadd.s32 $0xFFFFFF60, s14  }
0x2e3: {  	v24 =	vor.u32 s23, v1  }
0x2e4: {  	vm8 =	vle.s32 v24, v3;
	vm7 =	veq.f32 v4, v2  }
0x2e5: {  	vm9 =	vgt.f32 v4, v2;
	vm0 =	vmand vm8, vm7  }
0x2e6: {  	vm0 =	vmor vm9, vm0  }
0x2e7: {  	v25 =	vsel vm0, $0x1, v0  }
0x2e8: {  	(xrf0) =	vadd.scan.msk.s32 $0xffff, v25;
	_ =	sdelay $0x5  }
0x2e9: {  	v26 =	vsel vm0, $0xFFFFFFFF, v0;
	s24 =	spop (v2sf);
	v27, _, _ =	vpop (xrf0)  }
0x2ea: {  	s15 =	sadd.s32 s15, s24;
	v4 =	vadd.s32 v26, v27  }
0x2eb: {  	v4 =	vadd.s32 s15, v4  }
0x2ec: {  	v4 =	vnsel vm0, $0x7B, v4  }
0x2ed: {  	[tilespmem:s12+$0xFFFFFFD0] =	vst v4  }
0x2ee: {  	(v2sf) =	vpush v27, $0xF;
	v4 =	vld [tilespmem:s13+$0xFFFFFFE0];
	_ =	sdelay $0x2  }
0x2ef: {  	s25 =	sadd.s32 $0xFFFFFF70, s14  }
0x2f0: {  	v28 =	vor.u32 s25, v1  }
0x2f1: {  	vm11 =	vle.s32 v28, v3;
	vm10 =	veq.f32 v4, v2  }
0x2f2: {  	vm12 =	vgt.f32 v4, v2;
	vm0 =	vmand vm11, vm10  }
0x2f3: {  	vm0 =	vmor vm12, vm0  }
0x2f4: {  	v29 =	vsel vm0, $0x1, v0  }
0x2f5: {  	(xrf0) =	vadd.scan.msk.s32 $0xffff, v29;
	_ =	sdelay $0x5  }
0x2f6: {  	v30 =	vsel vm0, $0xFFFFFFFF, v0;
	s26 =	spop (v2sf);
	v31, _, _ =	vpop (xrf0)  }
0x2f7: {  	s15 =	sadd.s32 s15, s26;
	v4 =	vadd.s32 v30, v31  }
0x2f8: {  	v4 =	vadd.s32 s15, v4  }
0x2f9: {  	v4 =	vnsel vm0, $0x7B, v4  }
0x2fa: {  	[tilespmem:s12+$0xFFFFFFE0] =	vst v4  }
0x2fb: {  	(v2sf) =	vpush v31, $0xF;
	v4 =	vld [tilespmem:s13+$0xFFFFFFF0];
	_ =	sdelay $0x2  }
0x2fc: {  	s28 =	sadd.s32 $0xFFFFFF80, s14  }
0x2fd: {  	v32 =	vor.u32 s28, v1  }
0x2fe: {  	vm14 =	vle.s32 v32, v3;
	vm13 =	veq.f32 v4, v2  }
0x2ff: {  	vm15 =	vgt.f32 v4, v2;
	vm0 =	vmand vm14, vm13  }
0x300: {  	vm0 =	vmor vm15, vm0  }
0x301: {  	v33 =	vsel vm0, $0x1, v0  }
0x302: {  	(xrf0) =	vadd.scan.msk.s32 $0xffff, v33;
	_ =	sdelay $0x5  }
0x303: {  	v34 =	vsel vm0, $0xFFFFFFFF, v0;
	s29 =	spop (v2sf);
	v35, _, _ =	vpop (xrf0)  }
0x304: {  	s15 =	sadd.s32 s15, s29;
	v4 =	vadd.s32 v34, v35  }
0x305: {  	v4 =	vadd.s32 s15, v4  }
0x306: {  	v4 =	vnsel vm0, $0x7B, v4  }
0x307: {  	[tilespmem:s12+$0xFFFFFFF0] =	vst v4  }
0x308: {  	(v2sf) =	vpush v35, $0xF;
	v4 =	vld [tilespmem:s13+$0x0];
	_ =	sdelay $0x2  }
0x309: {  	s30 =	sadd.s32 $0xFFFFFF90, s14  }
0x30a: {  	v36 =	vor.u32 s30, v1  }
0x30b: {  	vm5 =	vle.s32 v36, v3;
	vm4 =	veq.f32 v4, v2  }
0x30c: {  	vm6 =	vgt.f32 v4, v2;
	vm0 =	vmand vm5, vm4  }
0x30d: {  	vm0 =	vmor vm6, vm0  }
0x30e: {  	v37 =	vsel vm0, $0x1, v0  }
0x30f: {  	(xrf0) =	vadd.scan.msk.s32 $0xffff, v37;
	_ =	sdelay $0x5  }
0x310: {  	v38 =	vsel vm0, $0xFFFFFFFF, v0;
	s31 =	spop (v2sf);
	v39, _, _ =	vpop (xrf0)  }
0x311: {  	s15 =	sadd.s32 s15, s31;
	v4 =	vadd.s32 v38, v39  }
0x312: {  	v4 =	vadd.s32 s15, v4  }
0x313: {  	v4 =	vnsel vm0, $0x7B, v4  }
0x314: {  	[tilespmem:s12+$0x0] =	vst v4  }
0x315: {  	(v2sf) =	vpush v39, $0xF;
	v4 =	vld [tilespmem:s13+$0x10];
	_ =	sdelay $0x2  }
0x316: {  	s17 =	sadd.s32 $0xFFFFFFA0, s14  }
0x317: {  	v40 =	vor.u32 s17, v1  }
0x318: {  	vm8 =	vle.s32 v40, v3;
	vm7 =	veq.f32 v4, v2  }
0x319: {  	vm9 =	vgt.f32 v4, v2;
	vm0 =	vmand vm8, vm7  }
0x31a: {  	vm0 =	vmor vm9, vm0  }
0x31b: {  	v41 =	vsel vm0, $0x1, v0  }
0x31c: {  	(xrf0) =	vadd.scan.msk.s32 $0xffff, v41;
	_ =	sdelay $0x5  }
0x31d: {  	v42 =	vsel vm0, $0xFFFFFFFF, v0;
	s18 =	spop (v2sf);
	v43, _, _ =	vpop (xrf0)  }
0x31e: {  	s15 =	sadd.s32 s15, s18;
	v4 =	vadd.s32 v42, v43  }
0x31f: {  	v4 =	vadd.s32 s15, v4  }
0x320: {  	v4 =	vnsel vm0, $0x7B, v4  }
0x321: {  	[tilespmem:s12+$0x10] =	vst v4  }
0x322: {  	(v2sf) =	vpush v43, $0xF;
	v4 =	vld [tilespmem:s13+$0x20];
	_ =	sdelay $0x2  }
0x323: {  	s19 =	sadd.s32 $0xFFFFFFB0, s14  }
0x324: {  	v44 =	vor.u32 s19, v1  }
0x325: {  	vm11 =	vle.s32 v44, v3;
	vm10 =	veq.f32 v4, v2  }
0x326: {  	vm12 =	vgt.f32 v4, v2;
	vm0 =	vmand vm11, vm10  }
0x327: {  	vm0 =	vmor vm12, vm0  }
0x328: {  	v45 =	vsel vm0, $0x1, v0  }
0x329: {  	(xrf0) =	vadd.scan.msk.s32 $0xffff, v45;
	_ =	sdelay $0x5  }
0x32a: {  	v46 =	vsel vm0, $0xFFFFFFFF, v0;
	s20 =	spop (v2sf);
	v47, _, _ =	vpop (xrf0)  }
0x32b: {  	s15 =	sadd.s32 s15, s20;
	v4 =	vadd.s32 v46, v47  }
0x32c: {  	v4 =	vadd.s32 s15, v4  }
0x32d: {  	v4 =	vnsel vm0, $0x7B, v4  }
0x32e: {  	[tilespmem:s12+$0x20] =	vst v4  }
0x32f: {  	(v2sf) =	vpush v47, $0xF;
	v4 =	vld [tilespmem:s13+$0x30];
	_ =	sdelay $0x2  }
0x330: {  	s21 =	sadd.s32 $0xFFFFFFC0, s14  }
0x331: {  	v48 =	vor.u32 s21, v1  }
0x332: {  	vm14 =	vle.s32 v48, v3;
	vm13 =	veq.f32 v4, v2  }
0x333: {  	vm15 =	vgt.f32 v4, v2;
	vm0 =	vmand vm14, vm13  }
0x334: {  	vm0 =	vmor vm15, vm0  }
0x335: {  	v49 =	vsel vm0, $0x1, v0  }
0x336: {  	(xrf0) =	vadd.scan.msk.s32 $0xffff, v49;
	_ =	sdelay $0x5  }
0x337: {  	v50 =	vsel vm0, $0xFFFFFFFF, v0;
	s22 =	spop (v2sf);
	v51, _, _ =	vpop (xrf0)  }
0x338: {  	s15 =	sadd.s32 s15, s22;
	v4 =	vadd.s32 v50, v51  }
0x339: {  	v4 =	vadd.s32 s15, v4  }
0x33a: {  	v4 =	vnsel vm0, $0x7B, v4  }
0x33b: {  	[tilespmem:s12+$0x30] =	vst v4  }
0x33c: {  	(v2sf) =	vpush v51, $0xF;
	v4 =	vld [tilespmem:s13+$0x40];
	_ =	sdelay $0x2  }
0x33d: {  	s23 =	sadd.s32 $0xFFFFFFD0, s14  }
0x33e: {  	v52 =	vor.u32 s23, v1  }
0x33f: {  	vm5 =	vle.s32 v52, v3;
	vm4 =	veq.f32 v4, v2  }
0x340: {  	vm6 =	vgt.f32 v4, v2;
	vm0 =	vmand vm5, vm4  }
0x341: {  	vm0 =	vmor vm6, vm0  }
0x342: {  	v53 =	vsel vm0, $0x1, v0  }
0x343: {  	(xrf0) =	vadd.scan.msk.s32 $0xffff, v53;
	_ =	sdelay $0x5  }
0x344: {  	v54 =	vsel vm0, $0xFFFFFFFF, v0;
	s24 =	spop (v2sf);
	v55, _, _ =	vpop (xrf0)  }
0x345: {  	s15 =	sadd.s32 s15, s24;
	v4 =	vadd.s32 v54, v55  }
0x346: {  	v4 =	vadd.s32 s15, v4  }
0x347: {  	v4 =	vnsel vm0, $0x7B, v4  }
0x348: {  	[tilespmem:s12+$0x40] =	vst v4  }
0x349: {  	(v2sf) =	vpush v55, $0xF;
	v4 =	vld [tilespmem:s13+$0x50];
	_ =	sdelay $0x2  }
0x34a: {  	s25 =	sadd.s32 $0xFFFFFFE0, s14  }
0x34b: {  	v56 =	vor.u32 s25, v1  }
0x34c: {  	vm8 =	vle.s32 v56, v3;
	vm7 =	veq.f32 v4, v2  }
0x34d: {  	vm9 =	vgt.f32 v4, v2;
	vm0 =	vmand vm8, vm7  }
0x34e: {  	vm0 =	vmor vm9, vm0  }
0x34f: {  	v57 =	vsel vm0, $0x1, v0  }
0x350: {  	(xrf0) =	vadd.scan.msk.s32 $0xffff, v57;
	_ =	sdelay $0x5  }
0x351: {  	v58 =	vsel vm0, $0xFFFFFFFF, v0;
	s26 =	spop (v2sf);
	v59, _, _ =	vpop (xrf0)  }
0x352: {  	s15 =	sadd.s32 s15, s26;
	v4 =	vadd.s32 v58, v59  }
0x353: {  	v4 =	vadd.s32 s15, v4  }
0x354: {  	v4 =	vnsel vm0, $0x7B, v4  }
0x355: {  	[tilespmem:s12+$0x50] =	vst v4  }
0x356: {  	(v2sf) =	vpush v59, $0xF;
	v4 =	vld [tilespmem:s13+$0x60];
	_ =	sdelay $0x2  }
0x357: {  	s28 =	sadd.s32 $0xFFFFFFF0, s14  }
0x358: {  	v60 =	vor.u32 s28, v1  }
0x359: {  	vm11 =	vle.s32 v60, v3;
	vm10 =	veq.f32 v4, v2  }
0x35a: {  	vm12 =	vgt.f32 v4, v2;
	vm0 =	vmand vm11, vm10  }
0x35b: {  	vm0 =	vmor vm12, vm0  }
0x35c: {  	v61 =	vsel vm0, $0x1, v0  }
0x35d: {  	(xrf0) =	vadd.scan.msk.s32 $0xffff, v61;
	_ =	sdelay $0x5  }
0x35e: {  	v62 =	vsel vm0, $0xFFFFFFFF, v0;
	s29 =	spop (v2sf);
	v63, _, _ =	vpop (xrf0)  }
0x35f: {  	s15 =	sadd.s32 s15, s29;
	v4 =	vadd.s32 v62, v63  }
0x360: {  	v4 =	vadd.s32 s15, v4  }
0x361: {  	v4 =	vnsel vm0, $0x7B, v4  }
0x362: {  	[tilespmem:s12+$0x60] =	vst v4  }
0x363: {  	v4 =	vld [tilespmem:s13+$0x70];
	_ =	sdelay $0x3  }
0x364: {  	v6 =	vor.u32 s14, v1  }
0x365: {  	vm13 =	vle.s32 v6, v3;
	vm14 =	veq.f32 v4, v2  }
0x366: {  	vm15 =	vgt.f32 v4, v2;
	vm0 =	vmand vm13, vm14  }
0x367: {  	vm0 =	vmor vm15, vm0  }
0x368: {  	v2 =	vsel vm0, $0x1, v0  }
0x369: {  	(v2sf) =	vpush v63, $0xF;
	(xrf0) =	vadd.scan.msk.s32 $0xffff, v2;
	_ =	sdelay $0x5  }
0x36a: {  	v2, _, _ =	vpop (xrf0)  }
0x36b: {  	(v2sf) =	vpush v2, $0xF;
	_ =	sdelay $0x7  }
0x36c: {  	v3 =	vsel vm0, $0xFFFFFFFF, v0;
	s30 =	spop (v2sf)  }
0x36d: {  	s13 =	sadd.s32 s15, s30;
	v2 =	vadd.s32 v3, v2  }
0x36e: {  	v2 =	vadd.s32 s13, v2  }
0x36f: {  	s11 =	sadd.s32 $0x1, s11;
	v2 =	vnsel vm0, $0x7B, v2  }
0x370: {  	p0 =	sne.s32 s11, s5;
	[tilespmem:s12+$0x70] =	vst v2  }
0x371: {  	[hbm4b:s4+s6] =	stream.strided.scatter [tilespmem:s10], [sflag:$0x1], $0x800, s7, s6, $0x38;
	[tilespmem:$0x1000] =	vst v63  }
.Ltmp6:
0x372: {  	_ = 	snop;
	(pc) =	sbr.rel @p0 .LBB2_1-.Ltmp6, $4  }
0x373: {  	s31 =	spop (v2sf)  }
0x374: {  	_ =	swait.ge [sflag:s8], $0x800  }
0x375: {  	[sflag:s8] =	ssyncset.done $0x0  }
0x376: {  	[sflag:s8] =	ssyncadd.s32 $0xFFFFF800  }
0x377: {  	_ =	sfence.sel $0x180000  }
0x378: {  	[bflag:$0x0] =	sbarrier.arrive $0xFFFF  }
0x379: {  	p0 =	sne.s32 s1, $0x0;
	_ =	strace $0x90000047  }
0x37a: {  	s0 =	sadd.s32 @!p0 $0x100000, s0;
	[bflag:$0x2] =	sbarrier.arrive $0xFFFF  }
0x37b: {  	[sflag:s0] =	ssyncadd.tile.s32 @!p0 $0x1;
	_ =	shalt  }
.Lfunc_end2:
_tile_overlayer_lowered:
.L_overlay_start_2:
0x37c: {  	(tag) =	ssettag $0x2  }
0x37d: {  	s0 =	rddreg [dreg:$0x0];
	s2 =	stileid.u32  }
0x37e: {  	s1 =	rddreg [dreg:$0x1];
	p0 =	sne.s32 s2, $0x0  }
0x37f: {  	s3 =	rddreg [dreg:$0x2];
	[bflag:$0x3] =	sbarrier.arrive $0xFFFF;
	s2 =	simm.s32 @!p0 $0x1C01  }
0x380: {  	[timem:s3], [sflag:s2] =	dma.local @!p0 [hbm:s0], s1  }
0x381: {  	s0 =	simm.s32 @!p0 $0x1  }
0x382: {  	_ =	swait.ge @!p0 [sflag:s0], s1  }
0x383: {  	s1 =	ssub.s32 @!p0 $0x0, s1;
	[sflag:s0] =	ssyncset.done @!p0 $0x0  }
0x384: {  	[sflag:s0] =	ssyncadd.s32 @!p0 s1  }
0x385: {  	[bflag:$0x3] =	sbarrier.arrive $0xFFFF  }
0x386: {  	_ =	shalt  }

</sc_bundles>
